<compile_context>
chip_gen: v7x
topology: tpu7x:2x2x1
jax: 0.10.2.dev20260603
libtpu: 0.0.44.dev20260713+nightly
codegen_flags: <defaults>
</compile_context>

<pallas_src>
import functools

import jax
import jax.numpy as jnp
from jax import lax
from jax.experimental import pallas as pl
from jax.experimental.pallas import tpu as pltpu
from jax.experimental.pallas import tpu_sc as plsc

_CAPACITY_FACTOR = 0.5
_AUX_LOSS_WEIGHT = 0.01

def _roll(x, shift, axis):
    if shift < 0:
        shift += x.shape[axis]
    return pltpu.roll(x, shift, axis)


def _sort_body(n, s_ref, tks_ref, tki_ref, flat_ref):
    rows = n // 128
    bi = pl.program_id(0)
    v = s_ref[0, 0, :].reshape(rows, 128)
    gi = (lax.broadcasted_iota(jnp.int32, (rows, 128), 0) * 128
          + lax.broadcasted_iota(jnp.int32, (rows, 128), 1))
    idx = gi
    logn = n.bit_length() - 1
    for k in range(1, logn + 1):
        dirbit = ((gi >> k) & 1) == 1
        for j in range(k - 1, -1, -1):
            d = 1 << j
            if d < 128:
                axis, sh = 1, d
            else:
                axis, sh = 0, d // 128
            bit0 = (gi & d) == 0
            pv = jnp.where(bit0, _roll(v, -sh, axis), _roll(v, sh, axis))
            pi = jnp.where(bit0, _roll(idx, -sh, axis), _roll(idx, sh, axis))
            pv_before = (pv > v) | ((pv == v) & (pi < idx))
            flip = (~bit0) != dirbit
            swap = pv_before != flip
            v = jnp.where(swap, pv, v)
            idx = jnp.where(swap, pi, idx)
    kk = n // 2
    krows = kk // 128
    tks_ref[0, 0, :] = v[:krows, :].reshape(kk)
    tki_ref[0, 0, :] = idx[:krows, :].reshape(kk)
    flat_ref[0, 0, :] = idx[:krows, :].reshape(kk) + bi * n


def _aux_body(s_ref, aux_ref):
    b, n = s_ref.shape
    p = jnp.sum(s_ref[...], axis=1) / n
    aux = _AUX_LOSS_WEIGHT * jnp.mean((p - _CAPACITY_FACTOR) ** 2)
    aux_ref[...] = aux.reshape(1, 1)


def _topk(scores):
    b, n = scores.shape
    k = n // 2
    scores3 = scores.reshape(b, 1, n)

    tks, tki, flat = pl.pallas_call(
        functools.partial(_sort_body, n),
        grid=(b,),
        in_specs=[
            pl.BlockSpec((1, 1, n), lambda g: (g, 0, 0)),
        ],
        out_specs=[
            pl.BlockSpec((1, 1, k), lambda g: (g, 0, 0)),
            pl.BlockSpec((1, 1, k), lambda g: (g, 0, 0)),
            pl.BlockSpec((1, 1, k), lambda g: (g, 0, 0)),
        ],
        out_shape=(
            jax.ShapeDtypeStruct((b, 1, k), jnp.float32),
            jax.ShapeDtypeStruct((b, 1, k), jnp.int32),
            jax.ShapeDtypeStruct((b, 1, k), jnp.int32),
        ),
    )(scores3)

    aux = pl.pallas_call(
        _aux_body,
        out_shape=jax.ShapeDtypeStruct((1, 1), jnp.float32),
    )(scores)

    return (tks.reshape(b, k), tki.reshape(b, k), flat.reshape(b * k),
            aux.reshape(()))


def _gather_rows(hs_flat, flat_idx):
    rows, d = hs_flat.shape
    n_sel = flat_idx.shape[0]
    info = plsc.get_sparse_core_info()
    nw = info.num_cores * info.num_subcores
    per_w = n_sel // nw
    ch = 8
    n_ch = per_w // ch
    mesh = plsc.VectorSubcoreMesh(core_axis_name="c", subcore_axis_name="s")

    assert n_ch % 3 == 2, n_ch

    @functools.partial(
        pl.kernel, mesh=mesh,
        out_type=jax.ShapeDtypeStruct((n_sel, d), jnp.float32),
        scratch_types=[
            pltpu.VMEM((per_w,), jnp.int32),
            pltpu.VMEM((ch, d), jnp.float32),
            pltpu.VMEM((ch, d), jnp.float32),
            pltpu.VMEM((ch, d), jnp.float32),
            pltpu.SemaphoreType.DMA,
            pltpu.SemaphoreType.DMA,
            pltpu.SemaphoreType.DMA,
            pltpu.SemaphoreType.DMA,
            pltpu.SemaphoreType.DMA,
            pltpu.SemaphoreType.DMA,
        ],
    )
    def k(hs_hbm, idx_hbm, out_hbm, idx_v, r0, r1, r2, g0, g1, g2, w0, w1, w2):
        wid = lax.axis_index("s") * info.num_cores + lax.axis_index("c")
        base = wid * per_w
        bufs = (r0, r1, r2)
        gsems = (g0, g1, g2)
        wsems = (w0, w1, w2)

        pltpu.sync_copy(idx_hbm.at[pl.ds(base, per_w)], idx_v)

        def gather(c, u):
            src = hs_hbm.at[idx_v.at[pl.ds(c * ch, ch)]]
            pltpu.async_copy(src, bufs[u], gsems[u])

        def wait_gather(u):
            pltpu.make_async_copy(hs_hbm.at[pl.ds(0, ch)], bufs[u], gsems[u]).wait()

        def start_write(c, u):
            pltpu.async_copy(bufs[u], out_hbm.at[pl.ds(base + c * ch, ch)],
                             wsems[u])

        def wait_write(u):
            pltpu.make_async_copy(bufs[u], out_hbm.at[pl.ds(base, ch)],
                                  wsems[u]).wait()

        gather(0, 0)
        gather(1, 1)

        def body(t, carry):
            c0 = 3 * t
            for u in range(3):
                c = c0 + u
                v = (u + 2) % 3
                wait_gather(u)
                start_write(c, u)
                if u == 0:
                    @pl.when(t > 0)
                    def _():
                        wait_write(v)
                else:
                    wait_write(v)
                gather(c + 2, v)
            return carry

        lax.fori_loop(0, n_ch // 3, body, 0)
        c0 = (n_ch // 3) * 3
        for u, c in enumerate(range(c0, n_ch)):
            wait_gather(u)
            start_write(c, u)
        wait_write(2)
        for u in range(n_ch - c0):
            wait_write(u)

    return k(hs_flat, flat_idx)


def kernel(hidden_states, router_weight, router_bias):
    b, s, d = hidden_states.shape
    k = min(int(s * _CAPACITY_FACTOR), s)
    scores = jnp.einsum('bsd,d->bs', hidden_states, router_weight) + router_bias
    scores = jax.nn.sigmoid(scores)
    topk_scores, topk_indices, flat_idx, aux = _topk(scores)
    selected = _gather_rows(
        hidden_states.reshape(b * s, d), flat_idx
    ).reshape(b, k, d)
    return (selected, topk_indices, topk_scores, aux)

# --- scband reference (transcript-rebuilt; emitter-appended) ---
"""Pipeline reference for scband-mo-drouter-53068615909660 (READ-ONLY COPY).

The authoritative reference and input builder live on the scoring server;
editing this copy changes nothing except your own understanding.
"""

import jax, jax.numpy as jnp
import numpy as np

BATCH = 4
SEQ_LEN = 4096
D_MODEL = 4096
CAPACITY_FACTOR = 0.5
AUX_LOSS_WEIGHT = 0.01


def setup_inputs(seed: int = 0) -> dict:
    key = jax.random.key(seed)
    k1, k2 = jax.random.split(key)
    hidden_states = jax.random.normal(k1, (BATCH, SEQ_LEN, D_MODEL), dtype=jnp.float32)
    router_weight = jax.random.normal(k2, (D_MODEL,), dtype=jnp.float32) * 0.02
    router_bias = jnp.zeros((1,), dtype=jnp.float32)
    return {"hidden_states": hidden_states, "router_weight": router_weight, "router_bias": router_bias}


def reference(hidden_states, router_weight, router_bias):
    b, s, d = hidden_states.shape
    num_selected = min(int(s * CAPACITY_FACTOR), s)
    # router scores: (B, S) = hidden_states @ router_weight + bias, then sigmoid
    scores = jnp.einsum('bsd,d->bs', hidden_states, router_weight) + router_bias
    scores = jax.nn.sigmoid(scores)
    # top-k over seq dim (last axis of scores)
    topk_scores, topk_indices = jax.lax.top_k(scores, num_selected)
    # gather selected tokens: (B, num_selected, D)
    selected = jnp.take_along_axis(hidden_states, topk_indices[..., None], axis=1)
    # auxiliary load-balancing loss (training=True path)
    router_prob = jnp.mean(scores, axis=1)
    target = jnp.full_like(router_prob, CAPACITY_FACTOR)
    aux_loss = AUX_LOSS_WEIGHT * jnp.mean((router_prob - target) ** 2)
    return (selected, topk_indices, topk_scores, aux_loss)

if __name__ == "__main__":
    import jax
    _d = setup_inputs()
    print(jax.jit(kernel)(*tuple(_d.values())))

</pallas_src>

<mosaic_0001>
#map = affine_map<(d0, d1) -> (0, 0)>
#map1 = affine_map<(d0, d1) -> (0)>
module attributes {stable_mosaic.version = 14 : i64} {
  func.func @k(%arg0: i32, %arg1: i32, %arg2: memref<16384x4096xf32, #tpu.memory_space<hbm>>, %arg3: memref<8192xi32, #tpu.memory_space<hbm>>, %arg4: memref<8192x4096xf32, #tpu.memory_space<hbm>>, %arg5: memref<256xi32, #tpu.memory_space<vmem>>, %arg6: memref<8x4096xf32, #tpu.memory_space<vmem>>, %arg7: memref<8x4096xf32, #tpu.memory_space<vmem>>, %arg8: memref<8x4096xf32, #tpu.memory_space<vmem>>, %arg9: memref<!tpu.dma_semaphore, #tpu.memory_space<semaphore_mem>>, %arg10: memref<!tpu.dma_semaphore, #tpu.memory_space<semaphore_mem>>, %arg11: memref<!tpu.dma_semaphore, #tpu.memory_space<semaphore_mem>>, %arg12: memref<!tpu.dma_semaphore, #tpu.memory_space<semaphore_mem>>, %arg13: memref<!tpu.dma_semaphore, #tpu.memory_space<semaphore_mem>>, %arg14: memref<!tpu.dma_semaphore, #tpu.memory_space<semaphore_mem>>) attributes {dimension_semantics = [#tpu.dimension_semantics<core_parallel>, #tpu.dimension_semantics<subcore_parallel>], iteration_bounds = array<i64: 2, 16>, scalar_prefetch = 0 : i64, scratch_operands = 10 : i64, tpu.core_type = #tpu.core_type<sc_vector_subcore>, window_params = [{transform_indices = #map}, {transform_indices = #map1}, {transform_indices = #map}]} {
    %mul3A = arith.constant 2 : i32
    %mul3A_0 = arith.muli %arg1, %mul3A : i32
    %add3A = arith.addi %mul3A_0, %arg0 : i32
    %mul3A_1 = arith.constant 256 : i32
    %mul3A_2 = arith.muli %add3A, %mul3A_1 : i32
    "tpu.region"() ({
      %run_scoped3A = tpu.sem_alloc : memref<!tpu.dma_semaphore, #tpu.memory_space<semaphore_mem>>
      %dma_start3A_52 = tpu.memref_slice %arg3[%mul3A_2] : memref<8192xi32, #tpu.memory_space<hbm>> -> memref<256xi32, #tpu.memory_space<hbm>>
      %dma_start3A_53 = tpu.memref_slice %arg3[%mul3A_2] : memref<8192xi32, #tpu.memory_space<hbm>> -> memref<256xi32, #tpu.memory_space<hbm>>
      tpu.enqueue_dma source(%dma_start3A_53 : memref<256xi32, #tpu.memory_space<hbm>>) target(%arg5 : memref<256xi32, #tpu.memory_space<vmem>>) target_semaphore(%run_scoped3A : memref<!tpu.dma_semaphore, #tpu.memory_space<semaphore_mem>>)
      %dma_wait3A_54 = tpu.memref_slice %arg3[%mul3A_2] : memref<8192xi32, #tpu.memory_space<hbm>> -> memref<256xi32, #tpu.memory_space<hbm>>
      %dma_wait3A_55 = tpu.memref_slice %arg3[%mul3A_2] : memref<8192xi32, #tpu.memory_space<hbm>> -> memref<256xi32, #tpu.memory_space<hbm>>
      tpu.wait_dma2 semaphore(%run_scoped3A : memref<!tpu.dma_semaphore, #tpu.memory_space<semaphore_mem>>) src(%dma_wait3A_55 : memref<256xi32, #tpu.memory_space<hbm>>) dst(%arg5 : memref<256xi32, #tpu.memory_space<vmem>>)
      tpu.yield
    }) : () -> ()
    %dma_start3A = arith.constant 0 : i32
    %dma_start3A_3 = tpu.memref_slice %arg5[%dma_start3A] : memref<256xi32, #tpu.memory_space<vmem>> -> memref<8xi32, #tpu.memory_space<vmem>>
    %dma_start3A_4 = arith.constant 0 : i32
    %dma_start3A_5 = arith.constant 0 : i32
    %dma_start3A_6 = tpu.memref_slice %arg2[%dma_start3A_4, %dma_start3A_5] : memref<16384x4096xf32, #tpu.memory_space<hbm>> -> memref<16384x4096xf32, #tpu.memory_space<hbm>>
    tpu.enqueue_indirect_dma source(%dma_start3A_6 : memref<16384x4096xf32, #tpu.memory_space<hbm>>) target(%arg6 : memref<8x4096xf32, #tpu.memory_space<vmem>>) offsets(%dma_start3A_3 : memref<8xi32, #tpu.memory_space<vmem>>) semaphore(%arg9 : memref<!tpu.dma_semaphore, #tpu.memory_space<semaphore_mem>>)
    %dma_start3A_7 = arith.constant 8 : i32
    %dma_start3A_8 = tpu.memref_slice %arg5[%dma_start3A_7] : memref<256xi32, #tpu.memory_space<vmem>> -> memref<8xi32, #tpu.memory_space<vmem>>
    %dma_start3A_9 = arith.constant 0 : i32
    %dma_start3A_10 = arith.constant 0 : i32
    %dma_start3A_11 = tpu.memref_slice %arg2[%dma_start3A_9, %dma_start3A_10] : memref<16384x4096xf32, #tpu.memory_space<hbm>> -> memref<16384x4096xf32, #tpu.memory_space<hbm>>
    tpu.enqueue_indirect_dma source(%dma_start3A_11 : memref<16384x4096xf32, #tpu.memory_space<hbm>>) target(%arg7 : memref<8x4096xf32, #tpu.memory_space<vmem>>) offsets(%dma_start3A_8 : memref<8xi32, #tpu.memory_space<vmem>>) semaphore(%arg10 : memref<!tpu.dma_semaphore, #tpu.memory_space<semaphore_mem>>)
    %scan3A = arith.constant 0 : i32
    %scan3A_12 = arith.constant 0 : i32
    %scan3A_13 = arith.constant 10 : i32
    %scan3A_14 = arith.addi %scan3A_12, %scan3A_13 : i32
    %scan3A_15 = arith.constant 1 : i32
    scf.for %scan3A_52 = %scan3A_12 to %scan3A_14 step %scan3A_15  : i32 {
      %mul3A_53 = arith.constant 3 : i32
      %mul3A_54 = arith.muli %mul3A_53, %scan3A_52 : i32
      %add3A_55 = arith.constant 0 : i32
      %add3A_56 = arith.addi %mul3A_54, %add3A_55 : i32
      %dma_wait3A_57 = arith.constant 0 : i32
      %dma_wait3A_58 = arith.constant 0 : i32
      %dma_wait3A_59 = tpu.memref_slice %arg2[%dma_wait3A_57, %dma_wait3A_58] : memref<16384x4096xf32, #tpu.memory_space<hbm>> -> memref<8x4096xf32, #tpu.memory_space<hbm>>
      %dma_wait3A_60 = arith.constant 0 : i32
      %dma_wait3A_61 = arith.constant 0 : i32
      %dma_wait3A_62 = tpu.memref_slice %arg2[%dma_wait3A_60, %dma_wait3A_61] : memref<16384x4096xf32, #tpu.memory_space<hbm>> -> memref<8x4096xf32, #tpu.memory_space<hbm>>
      tpu.wait_dma2 semaphore(%arg9 : memref<!tpu.dma_semaphore, #tpu.memory_space<semaphore_mem>>) src(%dma_wait3A_62 : memref<8x4096xf32, #tpu.memory_space<hbm>>) dst(%arg6 : memref<8x4096xf32, #tpu.memory_space<vmem>>)
      %mul3A_63 = arith.constant 8 : i32
      %mul3A_64 = arith.muli %add3A_56, %mul3A_63 : i32
      %add3A_65 = arith.addi %mul3A_2, %mul3A_64 : i32
      %dma_start3A_66 = arith.constant 0 : i32
      %dma_start3A_67 = tpu.memref_slice %arg4[%add3A_65, %dma_start3A_66] : memref<8192x4096xf32, #tpu.memory_space<hbm>> -> memref<8x4096xf32, #tpu.memory_space<hbm>>
      %dma_start3A_68 = arith.constant 0 : i32
      %dma_start3A_69 = tpu.memref_slice %arg4[%add3A_65, %dma_start3A_68] : memref<8192x4096xf32, #tpu.memory_space<hbm>> -> memref<8x4096xf32, #tpu.memory_space<hbm>>
      tpu.enqueue_dma source(%arg6 : memref<8x4096xf32, #tpu.memory_space<vmem>>) target(%dma_start3A_69 : memref<8x4096xf32, #tpu.memory_space<hbm>>) target_semaphore(%arg12 : memref<!tpu.dma_semaphore, #tpu.memory_space<semaphore_mem>>)
      %gt3A = arith.constant 0 : i32
      %gt3A_70 = arith.cmpi sgt, %scan3A_52, %gt3A : i32
      %convert_element_type3A = arith.extui %gt3A_70 : i1 to i32
      %cond3A = arith.constant 0 : i32
      %cond3A_71 = arith.cmpi ne, %convert_element_type3A, %cond3A : i32
      scf.if %cond3A_71 {
        %dma_wait3A_134 = arith.constant 0 : i32
        %dma_wait3A_135 = tpu.memref_slice %arg4[%mul3A_2, %dma_wait3A_134] : memref<8192x4096xf32, #tpu.memory_space<hbm>> -> memref<8x4096xf32, #tpu.memory_space<hbm>>
        %dma_wait3A_136 = arith.constant 0 : i32
        %dma_wait3A_137 = tpu.memref_slice %arg4[%mul3A_2, %dma_wait3A_136] : memref<8192x4096xf32, #tpu.memory_space<hbm>> -> memref<8x4096xf32, #tpu.memory_space<hbm>>
        tpu.wait_dma2 semaphore(%arg14 : memref<!tpu.dma_semaphore, #tpu.memory_space<semaphore_mem>>) src(%arg8 : memref<8x4096xf32, #tpu.memory_space<vmem>>) dst(%dma_wait3A_137 : memref<8x4096xf32, #tpu.memory_space<hbm>>)
      } else {
      }
      %add3A_72 = arith.constant 2 : i32
      %add3A_73 = arith.addi %add3A_56, %add3A_72 : i32
      %mul3A_74 = arith.constant 8 : i32
      %mul3A_75 = arith.muli %add3A_73, %mul3A_74 : i32
      %dma_start3A_76 = tpu.memref_slice %arg5[%mul3A_75] : memref<256xi32, #tpu.memory_space<vmem>> -> memref<8xi32, #tpu.memory_space<vmem>>
      %dma_start3A_77 = arith.constant 0 : i32
      %dma_start3A_78 = arith.constant 0 : i32
      %dma_start3A_79 = tpu.memref_slice %arg2[%dma_start3A_77, %dma_start3A_78] : memref<16384x4096xf32, #tpu.memory_space<hbm>> -> memref<16384x4096xf32, #tpu.memory_space<hbm>>
      tpu.enqueue_indirect_dma source(%dma_start3A_79 : memref<16384x4096xf32, #tpu.memory_space<hbm>>) target(%arg8 : memref<8x4096xf32, #tpu.memory_space<vmem>>) offsets(%dma_start3A_76 : memref<8xi32, #tpu.memory_space<vmem>>) semaphore(%arg11 : memref<!tpu.dma_semaphore, #tpu.memory_space<semaphore_mem>>)
      %add3A_80 = arith.constant 1 : i32
      %add3A_81 = arith.addi %mul3A_54, %add3A_80 : i32
      %dma_wait3A_82 = arith.constant 0 : i32
      %dma_wait3A_83 = arith.constant 0 : i32
      %dma_wait3A_84 = tpu.memref_slice %arg2[%dma_wait3A_82, %dma_wait3A_83] : memref<16384x4096xf32, #tpu.memory_space<hbm>> -> memref<8x4096xf32, #tpu.memory_space<hbm>>
      %dma_wait3A_85 = arith.constant 0 : i32
      %dma_wait3A_86 = arith.constant 0 : i32
      %dma_wait3A_87 = tpu.memref_slice %arg2[%dma_wait3A_85, %dma_wait3A_86] : memref<16384x4096xf32, #tpu.memory_space<hbm>> -> memref<8x4096xf32, #tpu.memory_space<hbm>>
      tpu.wait_dma2 semaphore(%arg10 : memref<!tpu.dma_semaphore, #tpu.memory_space<semaphore_mem>>) src(%dma_wait3A_87 : memref<8x4096xf32, #tpu.memory_space<hbm>>) dst(%arg7 : memref<8x4096xf32, #tpu.memory_space<vmem>>)
      %mul3A_88 = arith.constant 8 : i32
      %mul3A_89 = arith.muli %add3A_81, %mul3A_88 : i32
      %add3A_90 = arith.addi %mul3A_2, %mul3A_89 : i32
      %dma_start3A_91 = arith.constant 0 : i32
      %dma_start3A_92 = tpu.memref_slice %arg4[%add3A_90, %dma_start3A_91] : memref<8192x4096xf32, #tpu.memory_space<hbm>> -> memref<8x4096xf32, #tpu.memory_space<hbm>>
      %dma_start3A_93 = arith.constant 0 : i32
      %dma_start3A_94 = tpu.memref_slice %arg4[%add3A_90, %dma_start3A_93] : memref<8192x4096xf32, #tpu.memory_space<hbm>> -> memref<8x4096xf32, #tpu.memory_space<hbm>>
      tpu.enqueue_dma source(%arg7 : memref<8x4096xf32, #tpu.memory_space<vmem>>) target(%dma_start3A_94 : memref<8x4096xf32, #tpu.memory_space<hbm>>) target_semaphore(%arg13 : memref<!tpu.dma_semaphore, #tpu.memory_space<semaphore_mem>>)
      %dma_wait3A_95 = arith.constant 0 : i32
      %dma_wait3A_96 = tpu.memref_slice %arg4[%mul3A_2, %dma_wait3A_95] : memref<8192x4096xf32, #tpu.memory_space<hbm>> -> memref<8x4096xf32, #tpu.memory_space<hbm>>
      %dma_wait3A_97 = arith.constant 0 : i32
      %dma_wait3A_98 = tpu.memref_slice %arg4[%mul3A_2, %dma_wait3A_97] : memref<8192x4096xf32, #tpu.memory_space<hbm>> -> memref<8x4096xf32, #tpu.memory_space<hbm>>
      tpu.wait_dma2 semaphore(%arg12 : memref<!tpu.dma_semaphore, #tpu.memory_space<semaphore_mem>>) src(%arg6 : memref<8x4096xf32, #tpu.memory_space<vmem>>) dst(%dma_wait3A_98 : memref<8x4096xf32, #tpu.memory_space<hbm>>)
      %add3A_99 = arith.constant 2 : i32
      %add3A_100 = arith.addi %add3A_81, %add3A_99 : i32
      %mul3A_101 = arith.constant 8 : i32
      %mul3A_102 = arith.muli %add3A_100, %mul3A_101 : i32
      %dma_start3A_103 = tpu.memref_slice %arg5[%mul3A_102] : memref<256xi32, #tpu.memory_space<vmem>> -> memref<8xi32, #tpu.memory_space<vmem>>
      %dma_start3A_104 = arith.constant 0 : i32
      %dma_start3A_105 = arith.constant 0 : i32
      %dma_start3A_106 = tpu.memref_slice %arg2[%dma_start3A_104, %dma_start3A_105] : memref<16384x4096xf32, #tpu.memory_space<hbm>> -> memref<16384x4096xf32, #tpu.memory_space<hbm>>
      tpu.enqueue_indirect_dma source(%dma_start3A_106 : memref<16384x4096xf32, #tpu.memory_space<hbm>>) target(%arg6 : memref<8x4096xf32, #tpu.memory_space<vmem>>) offsets(%dma_start3A_103 : memref<8xi32, #tpu.memory_space<vmem>>) semaphore(%arg9 : memref<!tpu.dma_semaphore, #tpu.memory_space<semaphore_mem>>)
      %add3A_107 = arith.constant 2 : i32
      %add3A_108 = arith.addi %mul3A_54, %add3A_107 : i32
      %dma_wait3A_109 = arith.constant 0 : i32
      %dma_wait3A_110 = arith.constant 0 : i32
      %dma_wait3A_111 = tpu.memref_slice %arg2[%dma_wait3A_109, %dma_wait3A_110] : memref<16384x4096xf32, #tpu.memory_space<hbm>> -> memref<8x4096xf32, #tpu.memory_space<hbm>>
      %dma_wait3A_112 = arith.constant 0 : i32
      %dma_wait3A_113 = arith.constant 0 : i32
      %dma_wait3A_114 = tpu.memref_slice %arg2[%dma_wait3A_112, %dma_wait3A_113] : memref<16384x4096xf32, #tpu.memory_space<hbm>> -> memref<8x4096xf32, #tpu.memory_space<hbm>>
      tpu.wait_dma2 semaphore(%arg11 : memref<!tpu.dma_semaphore, #tpu.memory_space<semaphore_mem>>) src(%dma_wait3A_114 : memref<8x4096xf32, #tpu.memory_space<hbm>>) dst(%arg8 : memref<8x4096xf32, #tpu.memory_space<vmem>>)
      %mul3A_115 = arith.constant 8 : i32
      %mul3A_116 = arith.muli %add3A_108, %mul3A_115 : i32
      %add3A_117 = arith.addi %mul3A_2, %mul3A_116 : i32
      %dma_start3A_118 = arith.constant 0 : i32
      %dma_start3A_119 = tpu.memref_slice %arg4[%add3A_117, %dma_start3A_118] : memref<8192x4096xf32, #tpu.memory_space<hbm>> -> memref<8x4096xf32, #tpu.memory_space<hbm>>
      %dma_start3A_120 = arith.constant 0 : i32
      %dma_start3A_121 = tpu.memref_slice %arg4[%add3A_117, %dma_start3A_120] : memref<8192x4096xf32, #tpu.memory_space<hbm>> -> memref<8x4096xf32, #tpu.memory_space<hbm>>
      tpu.enqueue_dma source(%arg8 : memref<8x4096xf32, #tpu.memory_space<vmem>>) target(%dma_start3A_121 : memref<8x4096xf32, #tpu.memory_space<hbm>>) target_semaphore(%arg14 : memref<!tpu.dma_semaphore, #tpu.memory_space<semaphore_mem>>)
      %dma_wait3A_122 = arith.constant 0 : i32
      %dma_wait3A_123 = tpu.memref_slice %arg4[%mul3A_2, %dma_wait3A_122] : memref<8192x4096xf32, #tpu.memory_space<hbm>> -> memref<8x4096xf32, #tpu.memory_space<hbm>>
      %dma_wait3A_124 = arith.constant 0 : i32
      %dma_wait3A_125 = tpu.memref_slice %arg4[%mul3A_2, %dma_wait3A_124] : memref<8192x4096xf32, #tpu.memory_space<hbm>> -> memref<8x4096xf32, #tpu.memory_space<hbm>>
      tpu.wait_dma2 semaphore(%arg13 : memref<!tpu.dma_semaphore, #tpu.memory_space<semaphore_mem>>) src(%arg7 : memref<8x4096xf32, #tpu.memory_space<vmem>>) dst(%dma_wait3A_125 : memref<8x4096xf32, #tpu.memory_space<hbm>>)
      %add3A_126 = arith.constant 2 : i32
      %add3A_127 = arith.addi %add3A_108, %add3A_126 : i32
      %mul3A_128 = arith.constant 8 : i32
      %mul3A_129 = arith.muli %add3A_127, %mul3A_128 : i32
      %dma_start3A_130 = tpu.memref_slice %arg5[%mul3A_129] : memref<256xi32, #tpu.memory_space<vmem>> -> memref<8xi32, #tpu.memory_space<vmem>>
      %dma_start3A_131 = arith.constant 0 : i32
      %dma_start3A_132 = arith.constant 0 : i32
      %dma_start3A_133 = tpu.memref_slice %arg2[%dma_start3A_131, %dma_start3A_132] : memref<16384x4096xf32, #tpu.memory_space<hbm>> -> memref<16384x4096xf32, #tpu.memory_space<hbm>>
      tpu.enqueue_indirect_dma source(%dma_start3A_133 : memref<16384x4096xf32, #tpu.memory_space<hbm>>) target(%arg7 : memref<8x4096xf32, #tpu.memory_space<vmem>>) offsets(%dma_start3A_130 : memref<8xi32, #tpu.memory_space<vmem>>) semaphore(%arg10 : memref<!tpu.dma_semaphore, #tpu.memory_space<semaphore_mem>>)
    }
    %scan3A_16 = arith.constant 10 : i32
    %dma_wait3A = arith.constant 0 : i32
    %dma_wait3A_17 = arith.constant 0 : i32
    %dma_wait3A_18 = tpu.memref_slice %arg2[%dma_wait3A, %dma_wait3A_17] : memref<16384x4096xf32, #tpu.memory_space<hbm>> -> memref<8x4096xf32, #tpu.memory_space<hbm>>
    %dma_wait3A_19 = arith.constant 0 : i32
    %dma_wait3A_20 = arith.constant 0 : i32
    %dma_wait3A_21 = tpu.memref_slice %arg2[%dma_wait3A_19, %dma_wait3A_20] : memref<16384x4096xf32, #tpu.memory_space<hbm>> -> memref<8x4096xf32, #tpu.memory_space<hbm>>
    tpu.wait_dma2 semaphore(%arg9 : memref<!tpu.dma_semaphore, #tpu.memory_space<semaphore_mem>>) src(%dma_wait3A_21 : memref<8x4096xf32, #tpu.memory_space<hbm>>) dst(%arg6 : memref<8x4096xf32, #tpu.memory_space<vmem>>)
    %add3A_22 = arith.constant 240 : i32
    %add3A_23 = arith.addi %mul3A_2, %add3A_22 : i32
    %dma_start3A_24 = arith.constant 0 : i32
    %dma_start3A_25 = tpu.memref_slice %arg4[%add3A_23, %dma_start3A_24] : memref<8192x4096xf32, #tpu.memory_space<hbm>> -> memref<8x4096xf32, #tpu.memory_space<hbm>>
    %dma_start3A_26 = arith.constant 0 : i32
    %dma_start3A_27 = tpu.memref_slice %arg4[%add3A_23, %dma_start3A_26] : memref<8192x4096xf32, #tpu.memory_space<hbm>> -> memref<8x4096xf32, #tpu.memory_space<hbm>>
    tpu.enqueue_dma source(%arg6 : memref<8x4096xf32, #tpu.memory_space<vmem>>) target(%dma_start3A_27 : memref<8x4096xf32, #tpu.memory_space<hbm>>) target_semaphore(%arg12 : memref<!tpu.dma_semaphore, #tpu.memory_space<semaphore_mem>>)
    %dma_wait3A_28 = arith.constant 0 : i32
    %dma_wait3A_29 = arith.constant 0 : i32
    %dma_wait3A_30 = tpu.memref_slice %arg2[%dma_wait3A_28, %dma_wait3A_29] : memref<16384x4096xf32, #tpu.memory_space<hbm>> -> memref<8x4096xf32, #tpu.memory_space<hbm>>
    %dma_wait3A_31 = arith.constant 0 : i32
    %dma_wait3A_32 = arith.constant 0 : i32
    %dma_wait3A_33 = tpu.memref_slice %arg2[%dma_wait3A_31, %dma_wait3A_32] : memref<16384x4096xf32, #tpu.memory_space<hbm>> -> memref<8x4096xf32, #tpu.memory_space<hbm>>
    tpu.wait_dma2 semaphore(%arg10 : memref<!tpu.dma_semaphore, #tpu.memory_space<semaphore_mem>>) src(%dma_wait3A_33 : memref<8x4096xf32, #tpu.memory_space<hbm>>) dst(%arg7 : memref<8x4096xf32, #tpu.memory_space<vmem>>)
    %add3A_34 = arith.constant 248 : i32
    %add3A_35 = arith.addi %mul3A_2, %add3A_34 : i32
    %dma_start3A_36 = arith.constant 0 : i32
    %dma_start3A_37 = tpu.memref_slice %arg4[%add3A_35, %dma_start3A_36] : memref<8192x4096xf32, #tpu.memory_space<hbm>> -> memref<8x4096xf32, #tpu.memory_space<hbm>>
    %dma_start3A_38 = arith.constant 0 : i32
    %dma_start3A_39 = tpu.memref_slice %arg4[%add3A_35, %dma_start3A_38] : memref<8192x4096xf32, #tpu.memory_space<hbm>> -> memref<8x4096xf32, #tpu.memory_space<hbm>>
    tpu.enqueue_dma source(%arg7 : memref<8x4096xf32, #tpu.memory_space<vmem>>) target(%dma_start3A_39 : memref<8x4096xf32, #tpu.memory_space<hbm>>) target_semaphore(%arg13 : memref<!tpu.dma_semaphore, #tpu.memory_space<semaphore_mem>>)
    %dma_wait3A_40 = arith.constant 0 : i32
    %dma_wait3A_41 = tpu.memref_slice %arg4[%mul3A_2, %dma_wait3A_40] : memref<8192x4096xf32, #tpu.memory_space<hbm>> -> memref<8x4096xf32, #tpu.memory_space<hbm>>
    %dma_wait3A_42 = arith.constant 0 : i32
    %dma_wait3A_43 = tpu.memref_slice %arg4[%mul3A_2, %dma_wait3A_42] : memref<8192x4096xf32, #tpu.memory_space<hbm>> -> memref<8x4096xf32, #tpu.memory_space<hbm>>
    tpu.wait_dma2 semaphore(%arg14 : memref<!tpu.dma_semaphore, #tpu.memory_space<semaphore_mem>>) src(%arg8 : memref<8x4096xf32, #tpu.memory_space<vmem>>) dst(%dma_wait3A_43 : memref<8x4096xf32, #tpu.memory_space<hbm>>)
    %dma_wait3A_44 = arith.constant 0 : i32
    %dma_wait3A_45 = tpu.memref_slice %arg4[%mul3A_2, %dma_wait3A_44] : memref<8192x4096xf32, #tpu.memory_space<hbm>> -> memref<8x4096xf32, #tpu.memory_space<hbm>>
    %dma_wait3A_46 = arith.constant 0 : i32
    %dma_wait3A_47 = tpu.memref_slice %arg4[%mul3A_2, %dma_wait3A_46] : memref<8192x4096xf32, #tpu.memory_space<hbm>> -> memref<8x4096xf32, #tpu.memory_space<hbm>>
    tpu.wait_dma2 semaphore(%arg12 : memref<!tpu.dma_semaphore, #tpu.memory_space<semaphore_mem>>) src(%arg6 : memref<8x4096xf32, #tpu.memory_space<vmem>>) dst(%dma_wait3A_47 : memref<8x4096xf32, #tpu.memory_space<hbm>>)
    %dma_wait3A_48 = arith.constant 0 : i32
    %dma_wait3A_49 = tpu.memref_slice %arg4[%mul3A_2, %dma_wait3A_48] : memref<8192x4096xf32, #tpu.memory_space<hbm>> -> memref<8x4096xf32, #tpu.memory_space<hbm>>
    %dma_wait3A_50 = arith.constant 0 : i32
    %dma_wait3A_51 = tpu.memref_slice %arg4[%mul3A_2, %dma_wait3A_50] : memref<8192x4096xf32, #tpu.memory_space<hbm>> -> memref<8x4096xf32, #tpu.memory_space<hbm>>
    tpu.wait_dma2 semaphore(%arg13 : memref<!tpu.dma_semaphore, #tpu.memory_space<semaphore_mem>>) src(%arg7 : memref<8x4096xf32, #tpu.memory_space<vmem>>) dst(%dma_wait3A_51 : memref<8x4096xf32, #tpu.memory_space<hbm>>)
    return
  }
}

module attributes {stable_mosaic.version = 14 : i64} {
  func.func @_aux_body(%arg0: memref<4x4096xf32, #tpu.memory_space<vmem>>, %arg1: memref<1x1xf32, #tpu.memory_space<vmem>>) attributes {dimension_semantics = [], scalar_prefetch = 0 : i64, scratch_operands = 0 : i64, tpu.core_type = #tpu.core_type<tc>} {
    %get3A = arith.constant 0 : index
    %get3A_0 = arith.constant 0 : index
    %get3A_1 = vector.load %arg0[%get3A, %get3A_0] : memref<4x4096xf32, #tpu.memory_space<vmem>>, vector<4x4096xf32>
    %reduce_sum3A = arith.constant dense<0.000000e+00> : vector<4xf32>
    %reduce_sum3A_2 = vector.multi_reduction <add>, %get3A_1, %reduce_sum3A [1] : vector<4x4096xf32> to vector<4xf32>
    %div3A = arith.constant 4.096000e+03 : f32
    %div3A_3 = vector.broadcast %div3A : f32 to vector<4xf32>
    %div3A_4 = arith.divf %reduce_sum3A_2, %div3A_3 : vector<4xf32>
    %sub3A = arith.constant 5.000000e-01 : f32
    %sub3A_5 = vector.broadcast %sub3A : f32 to vector<4xf32>
    %sub3A_6 = arith.subf %div3A_4, %sub3A_5 : vector<4xf32>
    %integer_pow3A = arith.mulf %sub3A_6, %sub3A_6 : vector<4xf32>
    %reduce_sum3A_7 = vector.shape_cast %integer_pow3A : vector<4xf32> to vector<1x4xf32>
    %reduce_sum3A_8 = arith.constant dense<0.000000e+00> : vector<1xf32>
    %reduce_sum3A_9 = vector.multi_reduction <add>, %reduce_sum3A_7, %reduce_sum3A_8 [1] : vector<1x4xf32> to vector<1xf32>
    %reduce_sum3A_10 = vector.shape_cast %reduce_sum3A_9 : vector<1xf32> to vector<1x1xf32>
    %reduce_sum3A_11 = vector.extract %reduce_sum3A_10[0, 0] : f32 from vector<1x1xf32>
    %div3A_12 = arith.constant 4.000000e+00 : f32
    %div3A_13 = arith.divf %reduce_sum3A_11, %div3A_12 : f32
    %mul3A = arith.constant 0.00999999977 : f32
    %mul3A_14 = arith.mulf %mul3A, %div3A_13 : f32
    %reshape3A = vector.broadcast %mul3A_14 : f32 to vector<1x1xf32>
    %swap3A = arith.constant 0 : index
    %swap3A_15 = arith.constant 0 : index
    %swap3A_16 = vector.load %arg1[%swap3A, %swap3A_15] : memref<1x1xf32, #tpu.memory_space<vmem>>, vector<1x1xf32>
    tpu.vector_store %arg1[%swap3A, %swap3A_15], %reshape3A {strides = array<i32>} : memref<1x1xf32, #tpu.memory_space<vmem>>, vector<1x1xf32>,
    return
  }
}

module attributes {stable_mosaic.version = 14 : i64} {
  func.func @_sort_body(%arg0: i32, %arg1: memref<1x1x4096xf32, #tpu.memory_space<vmem>>, %arg2: memref<1x1x2048xf32, #tpu.memory_space<vmem>>, %arg3: memref<1x1x2048xi32, #tpu.memory_space<vmem>>, %arg4: memref<1x1x2048xi32, #tpu.memory_space<vmem>>) attributes {dimension_semantics = [#tpu.dimension_semantics<arbitrary>], iteration_bounds = array<i64: 4>, scalar_prefetch = 0 : i64, scratch_operands = 0 : i64, tpu.core_type = #tpu.core_type<tc>, window_params = [{transform_indices = @transform_0, window_bounds = array<i64: 1, 1, 4096>}, {transform_indices = @transform_1, window_bounds = array<i64: 1, 1, 2048>}, {transform_indices = @transform_2, window_bounds = array<i64: 1, 1, 2048>}, {transform_indices = @transform_3, window_bounds = array<i64: 1, 1, 2048>}]} {
    %get3A = arith.constant 0 : index
    %get3A_0 = arith.constant 0 : index
    %get3A_1 = arith.constant 0 : index
    %get3A_2 = vector.load %arg1[%get3A, %get3A_0, %get3A_1] : memref<1x1x4096xf32, #tpu.memory_space<vmem>>, vector<1x1x4096xf32>
    %get3A_3 = vector.shape_cast %get3A_2 : vector<1x1x4096xf32> to vector<4096xf32>
    %reshape3A = vector.shape_cast %get3A_3 : vector<4096xf32> to vector<32x128xf32>
    %iota3A = tpu.iota {dimensions = array<i32: 0>} : vector<32x128xi32>
    %mul3A = arith.constant 128 : i32
    %mul3A_4 = vector.broadcast %mul3A : i32 to vector<32x128xi32>
    %mul3A_5 = arith.muli %iota3A, %mul3A_4 : vector<32x128xi32>
    %iota3A_6 = tpu.iota {dimensions = array<i32: 1>} : vector<32x128xi32>
    %add3A = arith.addi %mul3A_5, %iota3A_6 : vector<32x128xi32>
    %shift_right_arithmetic3A = arith.constant 1 : i32
    %shift_right_arithmetic3A_7 = vector.broadcast %shift_right_arithmetic3A : i32 to vector<32x128xi32>
    %shift_right_arithmetic3A_8 = arith.shrsi %add3A, %shift_right_arithmetic3A_7 : vector<32x128xi32>
    %and3A = arith.constant 1 : i32
    %and3A_9 = vector.broadcast %and3A : i32 to vector<32x128xi32>
    %and3A_10 = arith.andi %shift_right_arithmetic3A_8, %and3A_9 : vector<32x128xi32>
    %eq3A = arith.constant 1 : i32
    %eq3A_11 = vector.broadcast %eq3A : i32 to vector<32x128xi32>
    %eq3A_12 = arith.cmpi eq, %and3A_10, %eq3A_11 : vector<32x128xi32>
    %and3A_13 = arith.constant 1 : i32
    %and3A_14 = vector.broadcast %and3A_13 : i32 to vector<32x128xi32>
    %and3A_15 = arith.andi %add3A, %and3A_14 : vector<32x128xi32>
    %eq3A_16 = arith.constant 0 : i32
    %eq3A_17 = vector.broadcast %eq3A_16 : i32 to vector<32x128xi32>
    %eq3A_18 = arith.cmpi eq, %and3A_15, %eq3A_17 : vector<32x128xi32>
    %roll3A = arith.constant 127 : i32
    %roll3A_19 = tpu.dynamic_rotate %reshape3A by %roll3A dim 1 : vector<32x128xf32>, i32 -> vector<32x128xf32>
    %roll3A_20 = arith.constant 1 : i32
    %roll3A_21 = tpu.dynamic_rotate %reshape3A by %roll3A_20 dim 1 : vector<32x128xf32>, i32 -> vector<32x128xf32>
    %select_n3A = arith.select %eq3A_18, %roll3A_19, %roll3A_21 : vector<32x128xi1>, vector<32x128xf32>
    %roll3A_22 = arith.constant 127 : i32
    %roll3A_23 = tpu.dynamic_rotate %add3A by %roll3A_22 dim 1 : vector<32x128xi32>, i32 -> vector<32x128xi32>
    %roll3A_24 = arith.constant 1 : i32
    %roll3A_25 = tpu.dynamic_rotate %add3A by %roll3A_24 dim 1 : vector<32x128xi32>, i32 -> vector<32x128xi32>
    %select_n3A_26 = arith.select %eq3A_18, %roll3A_23, %roll3A_25 : vector<32x128xi1>, vector<32x128xi32>
    %gt3A = arith.cmpf ogt, %select_n3A, %reshape3A : vector<32x128xf32>
    %eq3A_27 = arith.cmpf oeq, %select_n3A, %reshape3A : vector<32x128xf32>
    %lt3A = arith.cmpi slt, %select_n3A_26, %add3A : vector<32x128xi32>
    %and3A_28 = arith.andi %eq3A_27, %lt3A : vector<32x128xi1>
    %or3A = arith.ori %gt3A, %and3A_28 : vector<32x128xi1>
    %not3A = arith.constant dense<true> : vector<32x128xi1>
    %not3A_29 = arith.xori %eq3A_18, %not3A : vector<32x128xi1>
    %ne3A = arith.xori %not3A_29, %eq3A_12 : vector<32x128xi1>
    %ne3A_30 = arith.xori %or3A, %ne3A : vector<32x128xi1>
    %select_n3A_31 = arith.select %ne3A_30, %select_n3A, %reshape3A : vector<32x128xi1>, vector<32x128xf32>
    %select_n3A_32 = arith.select %ne3A_30, %select_n3A_26, %add3A : vector<32x128xi1>, vector<32x128xi32>
    %shift_right_arithmetic3A_33 = arith.constant 2 : i32
    %shift_right_arithmetic3A_34 = vector.broadcast %shift_right_arithmetic3A_33 : i32 to vector<32x128xi32>
    %shift_right_arithmetic3A_35 = arith.shrsi %add3A, %shift_right_arithmetic3A_34 : vector<32x128xi32>
    %and3A_36 = arith.constant 1 : i32
    %and3A_37 = vector.broadcast %and3A_36 : i32 to vector<32x128xi32>
    %and3A_38 = arith.andi %shift_right_arithmetic3A_35, %and3A_37 : vector<32x128xi32>
    %eq3A_39 = arith.constant 1 : i32
    %eq3A_40 = vector.broadcast %eq3A_39 : i32 to vector<32x128xi32>
    %eq3A_41 = arith.cmpi eq, %and3A_38, %eq3A_40 : vector<32x128xi32>
    %and3A_42 = arith.constant 2 : i32
    %and3A_43 = vector.broadcast %and3A_42 : i32 to vector<32x128xi32>
    %and3A_44 = arith.andi %add3A, %and3A_43 : vector<32x128xi32>
    %eq3A_45 = arith.constant 0 : i32
    %eq3A_46 = vector.broadcast %eq3A_45 : i32 to vector<32x128xi32>
    %eq3A_47 = arith.cmpi eq, %and3A_44, %eq3A_46 : vector<32x128xi32>
    %roll3A_48 = arith.constant 126 : i32
    %roll3A_49 = tpu.dynamic_rotate %select_n3A_31 by %roll3A_48 dim 1 : vector<32x128xf32>, i32 -> vector<32x128xf32>
    %roll3A_50 = arith.constant 2 : i32
    %roll3A_51 = tpu.dynamic_rotate %select_n3A_31 by %roll3A_50 dim 1 : vector<32x128xf32>, i32 -> vector<32x128xf32>
    %select_n3A_52 = arith.select %eq3A_47, %roll3A_49, %roll3A_51 : vector<32x128xi1>, vector<32x128xf32>
    %roll3A_53 = arith.constant 126 : i32
    %roll3A_54 = tpu.dynamic_rotate %select_n3A_32 by %roll3A_53 dim 1 : vector<32x128xi32>, i32 -> vector<32x128xi32>
    %roll3A_55 = arith.constant 2 : i32
    %roll3A_56 = tpu.dynamic_rotate %select_n3A_32 by %roll3A_55 dim 1 : vector<32x128xi32>, i32 -> vector<32x128xi32>
    %select_n3A_57 = arith.select %eq3A_47, %roll3A_54, %roll3A_56 : vector<32x128xi1>, vector<32x128xi32>
    %gt3A_58 = arith.cmpf ogt, %select_n3A_52, %select_n3A_31 : vector<32x128xf32>
    %eq3A_59 = arith.cmpf oeq, %select_n3A_52, %select_n3A_31 : vector<32x128xf32>
    %lt3A_60 = arith.cmpi slt, %select_n3A_57, %select_n3A_32 : vector<32x128xi32>
    %and3A_61 = arith.andi %eq3A_59, %lt3A_60 : vector<32x128xi1>
    %or3A_62 = arith.ori %gt3A_58, %and3A_61 : vector<32x128xi1>
    %not3A_63 = arith.constant dense<true> : vector<32x128xi1>
    %not3A_64 = arith.xori %eq3A_47, %not3A_63 : vector<32x128xi1>
    %ne3A_65 = arith.xori %not3A_64, %eq3A_41 : vector<32x128xi1>
    %ne3A_66 = arith.xori %or3A_62, %ne3A_65 : vector<32x128xi1>
    %select_n3A_67 = arith.select %ne3A_66, %select_n3A_52, %select_n3A_31 : vector<32x128xi1>, vector<32x128xf32>
    %select_n3A_68 = arith.select %ne3A_66, %select_n3A_57, %select_n3A_32 : vector<32x128xi1>, vector<32x128xi32>
    %and3A_69 = arith.constant 1 : i32
    %and3A_70 = vector.broadcast %and3A_69 : i32 to vector<32x128xi32>
    %and3A_71 = arith.andi %add3A, %and3A_70 : vector<32x128xi32>
    %eq3A_72 = arith.constant 0 : i32
    %eq3A_73 = vector.broadcast %eq3A_72 : i32 to vector<32x128xi32>
    %eq3A_74 = arith.cmpi eq, %and3A_71, %eq3A_73 : vector<32x128xi32>
    %roll3A_75 = arith.constant 127 : i32
    %roll3A_76 = tpu.dynamic_rotate %select_n3A_67 by %roll3A_75 dim 1 : vector<32x128xf32>, i32 -> vector<32x128xf32>
    %roll3A_77 = arith.constant 1 : i32
    %roll3A_78 = tpu.dynamic_rotate %select_n3A_67 by %roll3A_77 dim 1 : vector<32x128xf32>, i32 -> vector<32x128xf32>
    %select_n3A_79 = arith.select %eq3A_74, %roll3A_76, %roll3A_78 : vector<32x128xi1>, vector<32x128xf32>
    %roll3A_80 = arith.constant 127 : i32
    %roll3A_81 = tpu.dynamic_rotate %select_n3A_68 by %roll3A_80 dim 1 : vector<32x128xi32>, i32 -> vector<32x128xi32>
    %roll3A_82 = arith.constant 1 : i32
    %roll3A_83 = tpu.dynamic_rotate %select_n3A_68 by %roll3A_82 dim 1 : vector<32x128xi32>, i32 -> vector<32x128xi32>
    %select_n3A_84 = arith.select %eq3A_74, %roll3A_81, %roll3A_83 : vector<32x128xi1>, vector<32x128xi32>
    %gt3A_85 = arith.cmpf ogt, %select_n3A_79, %select_n3A_67 : vector<32x128xf32>
    %eq3A_86 = arith.cmpf oeq, %select_n3A_79, %select_n3A_67 : vector<32x128xf32>
    %lt3A_87 = arith.cmpi slt, %select_n3A_84, %select_n3A_68 : vector<32x128xi32>
    %and3A_88 = arith.andi %eq3A_86, %lt3A_87 : vector<32x128xi1>
    %or3A_89 = arith.ori %gt3A_85, %and3A_88 : vector<32x128xi1>
    %not3A_90 = arith.constant dense<true> : vector<32x128xi1>
    %not3A_91 = arith.xori %eq3A_74, %not3A_90 : vector<32x128xi1>
    %ne3A_92 = arith.xori %not3A_91, %eq3A_41 : vector<32x128xi1>
    %ne3A_93 = arith.xori %or3A_89, %ne3A_92 : vector<32x128xi1>
    %select_n3A_94 = arith.select %ne3A_93, %select_n3A_79, %select_n3A_67 : vector<32x128xi1>, vector<32x128xf32>
    %select_n3A_95 = arith.select %ne3A_93, %select_n3A_84, %select_n3A_68 : vector<32x128xi1>, vector<32x128xi32>
    %shift_right_arithmetic3A_96 = arith.constant 3 : i32
    %shift_right_arithmetic3A_97 = vector.broadcast %shift_right_arithmetic3A_96 : i32 to vector<32x128xi32>
    %shift_right_arithmetic3A_98 = arith.shrsi %add3A, %shift_right_arithmetic3A_97 : vector<32x128xi32>
    %and3A_99 = arith.constant 1 : i32
    %and3A_100 = vector.broadcast %and3A_99 : i32 to vector<32x128xi32>
    %and3A_101 = arith.andi %shift_right_arithmetic3A_98, %and3A_100 : vector<32x128xi32>
    %eq3A_102 = arith.constant 1 : i32
    %eq3A_103 = vector.broadcast %eq3A_102 : i32 to vector<32x128xi32>
    %eq3A_104 = arith.cmpi eq, %and3A_101, %eq3A_103 : vector<32x128xi32>
    %and3A_105 = arith.constant 4 : i32
    %and3A_106 = vector.broadcast %and3A_105 : i32 to vector<32x128xi32>
    %and3A_107 = arith.andi %add3A, %and3A_106 : vector<32x128xi32>
    %eq3A_108 = arith.constant 0 : i32
    %eq3A_109 = vector.broadcast %eq3A_108 : i32 to vector<32x128xi32>
    %eq3A_110 = arith.cmpi eq, %and3A_107, %eq3A_109 : vector<32x128xi32>
    %roll3A_111 = arith.constant 124 : i32
    %roll3A_112 = tpu.dynamic_rotate %select_n3A_94 by %roll3A_111 dim 1 : vector<32x128xf32>, i32 -> vector<32x128xf32>
    %roll3A_113 = arith.constant 4 : i32
    %roll3A_114 = tpu.dynamic_rotate %select_n3A_94 by %roll3A_113 dim 1 : vector<32x128xf32>, i32 -> vector<32x128xf32>
    %select_n3A_115 = arith.select %eq3A_110, %roll3A_112, %roll3A_114 : vector<32x128xi1>, vector<32x128xf32>
    %roll3A_116 = arith.constant 124 : i32
    %roll3A_117 = tpu.dynamic_rotate %select_n3A_95 by %roll3A_116 dim 1 : vector<32x128xi32>, i32 -> vector<32x128xi32>
    %roll3A_118 = arith.constant 4 : i32
    %roll3A_119 = tpu.dynamic_rotate %select_n3A_95 by %roll3A_118 dim 1 : vector<32x128xi32>, i32 -> vector<32x128xi32>
    %select_n3A_120 = arith.select %eq3A_110, %roll3A_117, %roll3A_119 : vector<32x128xi1>, vector<32x128xi32>
    %gt3A_121 = arith.cmpf ogt, %select_n3A_115, %select_n3A_94 : vector<32x128xf32>
    %eq3A_122 = arith.cmpf oeq, %select_n3A_115, %select_n3A_94 : vector<32x128xf32>
    %lt3A_123 = arith.cmpi slt, %select_n3A_120, %select_n3A_95 : vector<32x128xi32>
    %and3A_124 = arith.andi %eq3A_122, %lt3A_123 : vector<32x128xi1>
    %or3A_125 = arith.ori %gt3A_121, %and3A_124 : vector<32x128xi1>
    %not3A_126 = arith.constant dense<true> : vector<32x128xi1>
    %not3A_127 = arith.xori %eq3A_110, %not3A_126 : vector<32x128xi1>
    %ne3A_128 = arith.xori %not3A_127, %eq3A_104 : vector<32x128xi1>
    %ne3A_129 = arith.xori %or3A_125, %ne3A_128 : vector<32x128xi1>
    %select_n3A_130 = arith.select %ne3A_129, %select_n3A_115, %select_n3A_94 : vector<32x128xi1>, vector<32x128xf32>
    %select_n3A_131 = arith.select %ne3A_129, %select_n3A_120, %select_n3A_95 : vector<32x128xi1>, vector<32x128xi32>
    %and3A_132 = arith.constant 2 : i32
    %and3A_133 = vector.broadcast %and3A_132 : i32 to vector<32x128xi32>
    %and3A_134 = arith.andi %add3A, %and3A_133 : vector<32x128xi32>
    %eq3A_135 = arith.constant 0 : i32
    %eq3A_136 = vector.broadcast %eq3A_135 : i32 to vector<32x128xi32>
    %eq3A_137 = arith.cmpi eq, %and3A_134, %eq3A_136 : vector<32x128xi32>
    %roll3A_138 = arith.constant 126 : i32
    %roll3A_139 = tpu.dynamic_rotate %select_n3A_130 by %roll3A_138 dim 1 : vector<32x128xf32>, i32 -> vector<32x128xf32>
    %roll3A_140 = arith.constant 2 : i32
    %roll3A_141 = tpu.dynamic_rotate %select_n3A_130 by %roll3A_140 dim 1 : vector<32x128xf32>, i32 -> vector<32x128xf32>
    %select_n3A_142 = arith.select %eq3A_137, %roll3A_139, %roll3A_141 : vector<32x128xi1>, vector<32x128xf32>
    %roll3A_143 = arith.constant 126 : i32
    %roll3A_144 = tpu.dynamic_rotate %select_n3A_131 by %roll3A_143 dim 1 : vector<32x128xi32>, i32 -> vector<32x128xi32>
    %roll3A_145 = arith.constant 2 : i32
    %roll3A_146 = tpu.dynamic_rotate %select_n3A_131 by %roll3A_145 dim 1 : vector<32x128xi32>, i32 -> vector<32x128xi32>
    %select_n3A_147 = arith.select %eq3A_137, %roll3A_144, %roll3A_146 : vector<32x128xi1>, vector<32x128xi32>
    %gt3A_148 = arith.cmpf ogt, %select_n3A_142, %select_n3A_130 : vector<32x128xf32>
    %eq3A_149 = arith.cmpf oeq, %select_n3A_142, %select_n3A_130 : vector<32x128xf32>
    %lt3A_150 = arith.cmpi slt, %select_n3A_147, %select_n3A_131 : vector<32x128xi32>
    %and3A_151 = arith.andi %eq3A_149, %lt3A_150 : vector<32x128xi1>
    %or3A_152 = arith.ori %gt3A_148, %and3A_151 : vector<32x128xi1>
    %not3A_153 = arith.constant dense<true> : vector<32x128xi1>
    %not3A_154 = arith.xori %eq3A_137, %not3A_153 : vector<32x128xi1>
    %ne3A_155 = arith.xori %not3A_154, %eq3A_104 : vector<32x128xi1>
    %ne3A_156 = arith.xori %or3A_152, %ne3A_155 : vector<32x128xi1>
    %select_n3A_157 = arith.select %ne3A_156, %select_n3A_142, %select_n3A_130 : vector<32x128xi1>, vector<32x128xf32>
    %select_n3A_158 = arith.select %ne3A_156, %select_n3A_147, %select_n3A_131 : vector<32x128xi1>, vector<32x128xi32>
    %and3A_159 = arith.constant 1 : i32
    %and3A_160 = vector.broadcast %and3A_159 : i32 to vector<32x128xi32>
    %and3A_161 = arith.andi %add3A, %and3A_160 : vector<32x128xi32>
    %eq3A_162 = arith.constant 0 : i32
    %eq3A_163 = vector.broadcast %eq3A_162 : i32 to vector<32x128xi32>
    %eq3A_164 = arith.cmpi eq, %and3A_161, %eq3A_163 : vector<32x128xi32>
    %roll3A_165 = arith.constant 127 : i32
    %roll3A_166 = tpu.dynamic_rotate %select_n3A_157 by %roll3A_165 dim 1 : vector<32x128xf32>, i32 -> vector<32x128xf32>
    %roll3A_167 = arith.constant 1 : i32
    %roll3A_168 = tpu.dynamic_rotate %select_n3A_157 by %roll3A_167 dim 1 : vector<32x128xf32>, i32 -> vector<32x128xf32>
    %select_n3A_169 = arith.select %eq3A_164, %roll3A_166, %roll3A_168 : vector<32x128xi1>, vector<32x128xf32>
    %roll3A_170 = arith.constant 127 : i32
    %roll3A_171 = tpu.dynamic_rotate %select_n3A_158 by %roll3A_170 dim 1 : vector<32x128xi32>, i32 -> vector<32x128xi32>
    %roll3A_172 = arith.constant 1 : i32
    %roll3A_173 = tpu.dynamic_rotate %select_n3A_158 by %roll3A_172 dim 1 : vector<32x128xi32>, i32 -> vector<32x128xi32>
    %select_n3A_174 = arith.select %eq3A_164, %roll3A_171, %roll3A_173 : vector<32x128xi1>, vector<32x128xi32>
    %gt3A_175 = arith.cmpf ogt, %select_n3A_169, %select_n3A_157 : vector<32x128xf32>
    %eq3A_176 = arith.cmpf oeq, %select_n3A_169, %select_n3A_157 : vector<32x128xf32>
    %lt3A_177 = arith.cmpi slt, %select_n3A_174, %select_n3A_158 : vector<32x128xi32>
    %and3A_178 = arith.andi %eq3A_176, %lt3A_177 : vector<32x128xi1>
    %or3A_179 = arith.ori %gt3A_175, %and3A_178 : vector<32x128xi1>
    %not3A_180 = arith.constant dense<true> : vector<32x128xi1>
    %not3A_181 = arith.xori %eq3A_164, %not3A_180 : vector<32x128xi1>
    %ne3A_182 = arith.xori %not3A_181, %eq3A_104 : vector<32x128xi1>
    %ne3A_183 = arith.xori %or3A_179, %ne3A_182 : vector<32x128xi1>
    %select_n3A_184 = arith.select %ne3A_183, %select_n3A_169, %select_n3A_157 : vector<32x128xi1>, vector<32x128xf32>
    %select_n3A_185 = arith.select %ne3A_183, %select_n3A_174, %select_n3A_158 : vector<32x128xi1>, vector<32x128xi32>
    %shift_right_arithmetic3A_186 = arith.constant 4 : i32
    %shift_right_arithmetic3A_187 = vector.broadcast %shift_right_arithmetic3A_186 : i32 to vector<32x128xi32>
    %shift_right_arithmetic3A_188 = arith.shrsi %add3A, %shift_right_arithmetic3A_187 : vector<32x128xi32>
    %and3A_189 = arith.constant 1 : i32
    %and3A_190 = vector.broadcast %and3A_189 : i32 to vector<32x128xi32>
    %and3A_191 = arith.andi %shift_right_arithmetic3A_188, %and3A_190 : vector<32x128xi32>
    %eq3A_192 = arith.constant 1 : i32
    %eq3A_193 = vector.broadcast %eq3A_192 : i32 to vector<32x128xi32>
    %eq3A_194 = arith.cmpi eq, %and3A_191, %eq3A_193 : vector<32x128xi32>
    %and3A_195 = arith.constant 8 : i32
    %and3A_196 = vector.broadcast %and3A_195 : i32 to vector<32x128xi32>
    %and3A_197 = arith.andi %add3A, %and3A_196 : vector<32x128xi32>
    %eq3A_198 = arith.constant 0 : i32
    %eq3A_199 = vector.broadcast %eq3A_198 : i32 to vector<32x128xi32>
    %eq3A_200 = arith.cmpi eq, %and3A_197, %eq3A_199 : vector<32x128xi32>
    %roll3A_201 = arith.constant 120 : i32
    %roll3A_202 = tpu.dynamic_rotate %select_n3A_184 by %roll3A_201 dim 1 : vector<32x128xf32>, i32 -> vector<32x128xf32>
    %roll3A_203 = arith.constant 8 : i32
    %roll3A_204 = tpu.dynamic_rotate %select_n3A_184 by %roll3A_203 dim 1 : vector<32x128xf32>, i32 -> vector<32x128xf32>
    %select_n3A_205 = arith.select %eq3A_200, %roll3A_202, %roll3A_204 : vector<32x128xi1>, vector<32x128xf32>
    %roll3A_206 = arith.constant 120 : i32
    %roll3A_207 = tpu.dynamic_rotate %select_n3A_185 by %roll3A_206 dim 1 : vector<32x128xi32>, i32 -> vector<32x128xi32>
    %roll3A_208 = arith.constant 8 : i32
    %roll3A_209 = tpu.dynamic_rotate %select_n3A_185 by %roll3A_208 dim 1 : vector<32x128xi32>, i32 -> vector<32x128xi32>
    %select_n3A_210 = arith.select %eq3A_200, %roll3A_207, %roll3A_209 : vector<32x128xi1>, vector<32x128xi32>
    %gt3A_211 = arith.cmpf ogt, %select_n3A_205, %select_n3A_184 : vector<32x128xf32>
    %eq3A_212 = arith.cmpf oeq, %select_n3A_205, %select_n3A_184 : vector<32x128xf32>
    %lt3A_213 = arith.cmpi slt, %select_n3A_210, %select_n3A_185 : vector<32x128xi32>
    %and3A_214 = arith.andi %eq3A_212, %lt3A_213 : vector<32x128xi1>
    %or3A_215 = arith.ori %gt3A_211, %and3A_214 : vector<32x128xi1>
    %not3A_216 = arith.constant dense<true> : vector<32x128xi1>
    %not3A_217 = arith.xori %eq3A_200, %not3A_216 : vector<32x128xi1>
    %ne3A_218 = arith.xori %not3A_217, %eq3A_194 : vector<32x128xi1>
    %ne3A_219 = arith.xori %or3A_215, %ne3A_218 : vector<32x128xi1>
    %select_n3A_220 = arith.select %ne3A_219, %select_n3A_205, %select_n3A_184 : vector<32x128xi1>, vector<32x128xf32>
    %select_n3A_221 = arith.select %ne3A_219, %select_n3A_210, %select_n3A_185 : vector<32x128xi1>, vector<32x128xi32>
    %and3A_222 = arith.constant 4 : i32
    %and3A_223 = vector.broadcast %and3A_222 : i32 to vector<32x128xi32>
    %and3A_224 = arith.andi %add3A, %and3A_223 : vector<32x128xi32>
    %eq3A_225 = arith.constant 0 : i32
    %eq3A_226 = vector.broadcast %eq3A_225 : i32 to vector<32x128xi32>
    %eq3A_227 = arith.cmpi eq, %and3A_224, %eq3A_226 : vector<32x128xi32>
    %roll3A_228 = arith.constant 124 : i32
    %roll3A_229 = tpu.dynamic_rotate %select_n3A_220 by %roll3A_228 dim 1 : vector<32x128xf32>, i32 -> vector<32x128xf32>
    %roll3A_230 = arith.constant 4 : i32
    %roll3A_231 = tpu.dynamic_rotate %select_n3A_220 by %roll3A_230 dim 1 : vector<32x128xf32>, i32 -> vector<32x128xf32>
    %select_n3A_232 = arith.select %eq3A_227, %roll3A_229, %roll3A_231 : vector<32x128xi1>, vector<32x128xf32>
    %roll3A_233 = arith.constant 124 : i32
    %roll3A_234 = tpu.dynamic_rotate %select_n3A_221 by %roll3A_233 dim 1 : vector<32x128xi32>, i32 -> vector<32x128xi32>
    %roll3A_235 = arith.constant 4 : i32
    %roll3A_236 = tpu.dynamic_rotate %select_n3A_221 by %roll3A_235 dim 1 : vector<32x128xi32>, i32 -> vector<32x128xi32>
    %select_n3A_237 = arith.select %eq3A_227, %roll3A_234, %roll3A_236 : vector<32x128xi1>, vector<32x128xi32>
    %gt3A_238 = arith.cmpf ogt, %select_n3A_232, %select_n3A_220 : vector<32x128xf32>
    %eq3A_239 = arith.cmpf oeq, %select_n3A_232, %select_n3A_220 : vector<32x128xf32>
    %lt3A_240 = arith.cmpi slt, %select_n3A_237, %select_n3A_221 : vector<32x128xi32>
    %and3A_241 = arith.andi %eq3A_239, %lt3A_240 : vector<32x128xi1>
    %or3A_242 = arith.ori %gt3A_238, %and3A_241 : vector<32x128xi1>
    %not3A_243 = arith.constant dense<true> : vector<32x128xi1>
    %not3A_244 = arith.xori %eq3A_227, %not3A_243 : vector<32x128xi1>
    %ne3A_245 = arith.xori %not3A_244, %eq3A_194 : vector<32x128xi1>
    %ne3A_246 = arith.xori %or3A_242, %ne3A_245 : vector<32x128xi1>
    %select_n3A_247 = arith.select %ne3A_246, %select_n3A_232, %select_n3A_220 : vector<32x128xi1>, vector<32x128xf32>
    %select_n3A_248 = arith.select %ne3A_246, %select_n3A_237, %select_n3A_221 : vector<32x128xi1>, vector<32x128xi32>
    %and3A_249 = arith.constant 2 : i32
    %and3A_250 = vector.broadcast %and3A_249 : i32 to vector<32x128xi32>
    %and3A_251 = arith.andi %add3A, %and3A_250 : vector<32x128xi32>
    %eq3A_252 = arith.constant 0 : i32
    %eq3A_253 = vector.broadcast %eq3A_252 : i32 to vector<32x128xi32>
    %eq3A_254 = arith.cmpi eq, %and3A_251, %eq3A_253 : vector<32x128xi32>
    %roll3A_255 = arith.constant 126 : i32
    %roll3A_256 = tpu.dynamic_rotate %select_n3A_247 by %roll3A_255 dim 1 : vector<32x128xf32>, i32 -> vector<32x128xf32>
    %roll3A_257 = arith.constant 2 : i32
    %roll3A_258 = tpu.dynamic_rotate %select_n3A_247 by %roll3A_257 dim 1 : vector<32x128xf32>, i32 -> vector<32x128xf32>
    %select_n3A_259 = arith.select %eq3A_254, %roll3A_256, %roll3A_258 : vector<32x128xi1>, vector<32x128xf32>
    %roll3A_260 = arith.constant 126 : i32
    %roll3A_261 = tpu.dynamic_rotate %select_n3A_248 by %roll3A_260 dim 1 : vector<32x128xi32>, i32 -> vector<32x128xi32>
    %roll3A_262 = arith.constant 2 : i32
    %roll3A_263 = tpu.dynamic_rotate %select_n3A_248 by %roll3A_262 dim 1 : vector<32x128xi32>, i32 -> vector<32x128xi32>
    %select_n3A_264 = arith.select %eq3A_254, %roll3A_261, %roll3A_263 : vector<32x128xi1>, vector<32x128xi32>
    %gt3A_265 = arith.cmpf ogt, %select_n3A_259, %select_n3A_247 : vector<32x128xf32>
    %eq3A_266 = arith.cmpf oeq, %select_n3A_259, %select_n3A_247 : vector<32x128xf32>
    %lt3A_267 = arith.cmpi slt, %select_n3A_264, %select_n3A_248 : vector<32x128xi32>
    %and3A_268 = arith.andi %eq3A_266, %lt3A_267 : vector<32x128xi1>
    %or3A_269 = arith.ori %gt3A_265, %and3A_268 : vector<32x128xi1>
    %not3A_270 = arith.constant dense<true> : vector<32x128xi1>
    %not3A_271 = arith.xori %eq3A_254, %not3A_270 : vector<32x128xi1>
    %ne3A_272 = arith.xori %not3A_271, %eq3A_194 : vector<32x128xi1>
    %ne3A_273 = arith.xori %or3A_269, %ne3A_272 : vector<32x128xi1>
    %select_n3A_274 = arith.select %ne3A_273, %select_n3A_259, %select_n3A_247 : vector<32x128xi1>, vector<32x128xf32>
    %select_n3A_275 = arith.select %ne3A_273, %select_n3A_264, %select_n3A_248 : vector<32x128xi1>, vector<32x128xi32>
    %and3A_276 = arith.constant 1 : i32
    %and3A_277 = vector.broadcast %and3A_276 : i32 to vector<32x128xi32>
    %and3A_278 = arith.andi %add3A, %and3A_277 : vector<32x128xi32>
    %eq3A_279 = arith.constant 0 : i32
    %eq3A_280 = vector.broadcast %eq3A_279 : i32 to vector<32x128xi32>
    %eq3A_281 = arith.cmpi eq, %and3A_278, %eq3A_280 : vector<32x128xi32>
    %roll3A_282 = arith.constant 127 : i32
    %roll3A_283 = tpu.dynamic_rotate %select_n3A_274 by %roll3A_282 dim 1 : vector<32x128xf32>, i32 -> vector<32x128xf32>
    %roll3A_284 = arith.constant 1 : i32
    %roll3A_285 = tpu.dynamic_rotate %select_n3A_274 by %roll3A_284 dim 1 : vector<32x128xf32>, i32 -> vector<32x128xf32>
    %select_n3A_286 = arith.select %eq3A_281, %roll3A_283, %roll3A_285 : vector<32x128xi1>, vector<32x128xf32>
    %roll3A_287 = arith.constant 127 : i32
    %roll3A_288 = tpu.dynamic_rotate %select_n3A_275 by %roll3A_287 dim 1 : vector<32x128xi32>, i32 -> vector<32x128xi32>
    %roll3A_289 = arith.constant 1 : i32
    %roll3A_290 = tpu.dynamic_rotate %select_n3A_275 by %roll3A_289 dim 1 : vector<32x128xi32>, i32 -> vector<32x128xi32>
    %select_n3A_291 = arith.select %eq3A_281, %roll3A_288, %roll3A_290 : vector<32x128xi1>, vector<32x128xi32>
    %gt3A_292 = arith.cmpf ogt, %select_n3A_286, %select_n3A_274 : vector<32x128xf32>
    %eq3A_293 = arith.cmpf oeq, %select_n3A_286, %select_n3A_274 : vector<32x128xf32>
    %lt3A_294 = arith.cmpi slt, %select_n3A_291, %select_n3A_275 : vector<32x128xi32>
    %and3A_295 = arith.andi %eq3A_293, %lt3A_294 : vector<32x128xi1>
    %or3A_296 = arith.ori %gt3A_292, %and3A_295 : vector<32x128xi1>
    %not3A_297 = arith.constant dense<true> : vector<32x128xi1>
    %not3A_298 = arith.xori %eq3A_281, %not3A_297 : vector<32x128xi1>
    %ne3A_299 = arith.xori %not3A_298, %eq3A_194 : vector<32x128xi1>
    %ne3A_300 = arith.xori %or3A_296, %ne3A_299 : vector<32x128xi1>
    %select_n3A_301 = arith.select %ne3A_300, %select_n3A_286, %select_n3A_274 : vector<32x128xi1>, vector<32x128xf32>
    %select_n3A_302 = arith.select %ne3A_300, %select_n3A_291, %select_n3A_275 : vector<32x128xi1>, vector<32x128xi32>
    %shift_right_arithmetic3A_303 = arith.constant 5 : i32
    %shift_right_arithmetic3A_304 = vector.broadcast %shift_right_arithmetic3A_303 : i32 to vector<32x128xi32>
    %shift_right_arithmetic3A_305 = arith.shrsi %add3A, %shift_right_arithmetic3A_304 : vector<32x128xi32>
    %and3A_306 = arith.constant 1 : i32
    %and3A_307 = vector.broadcast %and3A_306 : i32 to vector<32x128xi32>
    %and3A_308 = arith.andi %shift_right_arithmetic3A_305, %and3A_307 : vector<32x128xi32>
    %eq3A_309 = arith.constant 1 : i32
    %eq3A_310 = vector.broadcast %eq3A_309 : i32 to vector<32x128xi32>
    %eq3A_311 = arith.cmpi eq, %and3A_308, %eq3A_310 : vector<32x128xi32>
    %and3A_312 = arith.constant 16 : i32
    %and3A_313 = vector.broadcast %and3A_312 : i32 to vector<32x128xi32>
    %and3A_314 = arith.andi %add3A, %and3A_313 : vector<32x128xi32>
    %eq3A_315 = arith.constant 0 : i32
    %eq3A_316 = vector.broadcast %eq3A_315 : i32 to vector<32x128xi32>
    %eq3A_317 = arith.cmpi eq, %and3A_314, %eq3A_316 : vector<32x128xi32>
    %roll3A_318 = arith.constant 112 : i32
    %roll3A_319 = tpu.dynamic_rotate %select_n3A_301 by %roll3A_318 dim 1 : vector<32x128xf32>, i32 -> vector<32x128xf32>
    %roll3A_320 = arith.constant 16 : i32
    %roll3A_321 = tpu.dynamic_rotate %select_n3A_301 by %roll3A_320 dim 1 : vector<32x128xf32>, i32 -> vector<32x128xf32>
    %select_n3A_322 = arith.select %eq3A_317, %roll3A_319, %roll3A_321 : vector<32x128xi1>, vector<32x128xf32>
    %roll3A_323 = arith.constant 112 : i32
    %roll3A_324 = tpu.dynamic_rotate %select_n3A_302 by %roll3A_323 dim 1 : vector<32x128xi32>, i32 -> vector<32x128xi32>
    %roll3A_325 = arith.constant 16 : i32
    %roll3A_326 = tpu.dynamic_rotate %select_n3A_302 by %roll3A_325 dim 1 : vector<32x128xi32>, i32 -> vector<32x128xi32>
    %select_n3A_327 = arith.select %eq3A_317, %roll3A_324, %roll3A_326 : vector<32x128xi1>, vector<32x128xi32>
    %gt3A_328 = arith.cmpf ogt, %select_n3A_322, %select_n3A_301 : vector<32x128xf32>
    %eq3A_329 = arith.cmpf oeq, %select_n3A_322, %select_n3A_301 : vector<32x128xf32>
    %lt3A_330 = arith.cmpi slt, %select_n3A_327, %select_n3A_302 : vector<32x128xi32>
    %and3A_331 = arith.andi %eq3A_329, %lt3A_330 : vector<32x128xi1>
    %or3A_332 = arith.ori %gt3A_328, %and3A_331 : vector<32x128xi1>
    %not3A_333 = arith.constant dense<true> : vector<32x128xi1>
    %not3A_334 = arith.xori %eq3A_317, %not3A_333 : vector<32x128xi1>
    %ne3A_335 = arith.xori %not3A_334, %eq3A_311 : vector<32x128xi1>
    %ne3A_336 = arith.xori %or3A_332, %ne3A_335 : vector<32x128xi1>
    %select_n3A_337 = arith.select %ne3A_336, %select_n3A_322, %select_n3A_301 : vector<32x128xi1>, vector<32x128xf32>
    %select_n3A_338 = arith.select %ne3A_336, %select_n3A_327, %select_n3A_302 : vector<32x128xi1>, vector<32x128xi32>
    %and3A_339 = arith.constant 8 : i32
    %and3A_340 = vector.broadcast %and3A_339 : i32 to vector<32x128xi32>
    %and3A_341 = arith.andi %add3A, %and3A_340 : vector<32x128xi32>
    %eq3A_342 = arith.constant 0 : i32
    %eq3A_343 = vector.broadcast %eq3A_342 : i32 to vector<32x128xi32>
    %eq3A_344 = arith.cmpi eq, %and3A_341, %eq3A_343 : vector<32x128xi32>
    %roll3A_345 = arith.constant 120 : i32
    %roll3A_346 = tpu.dynamic_rotate %select_n3A_337 by %roll3A_345 dim 1 : vector<32x128xf32>, i32 -> vector<32x128xf32>
    %roll3A_347 = arith.constant 8 : i32
    %roll3A_348 = tpu.dynamic_rotate %select_n3A_337 by %roll3A_347 dim 1 : vector<32x128xf32>, i32 -> vector<32x128xf32>
    %select_n3A_349 = arith.select %eq3A_344, %roll3A_346, %roll3A_348 : vector<32x128xi1>, vector<32x128xf32>
    %roll3A_350 = arith.constant 120 : i32
    %roll3A_351 = tpu.dynamic_rotate %select_n3A_338 by %roll3A_350 dim 1 : vector<32x128xi32>, i32 -> vector<32x128xi32>
    %roll3A_352 = arith.constant 8 : i32
    %roll3A_353 = tpu.dynamic_rotate %select_n3A_338 by %roll3A_352 dim 1 : vector<32x128xi32>, i32 -> vector<32x128xi32>
    %select_n3A_354 = arith.select %eq3A_344, %roll3A_351, %roll3A_353 : vector<32x128xi1>, vector<32x128xi32>
    %gt3A_355 = arith.cmpf ogt, %select_n3A_349, %select_n3A_337 : vector<32x128xf32>
    %eq3A_356 = arith.cmpf oeq, %select_n3A_349, %select_n3A_337 : vector<32x128xf32>
    %lt3A_357 = arith.cmpi slt, %select_n3A_354, %select_n3A_338 : vector<32x128xi32>
    %and3A_358 = arith.andi %eq3A_356, %lt3A_357 : vector<32x128xi1>
    %or3A_359 = arith.ori %gt3A_355, %and3A_358 : vector<32x128xi1>
    %not3A_360 = arith.constant dense<true> : vector<32x128xi1>
    %not3A_361 = arith.xori %eq3A_344, %not3A_360 : vector<32x128xi1>
    %ne3A_362 = arith.xori %not3A_361, %eq3A_311 : vector<32x128xi1>
    %ne3A_363 = arith.xori %or3A_359, %ne3A_362 : vector<32x128xi1>
    %select_n3A_364 = arith.select %ne3A_363, %select_n3A_349, %select_n3A_337 : vector<32x128xi1>, vector<32x128xf32>
    %select_n3A_365 = arith.select %ne3A_363, %select_n3A_354, %select_n3A_338 : vector<32x128xi1>, vector<32x128xi32>
    %and3A_366 = arith.constant 4 : i32
    %and3A_367 = vector.broadcast %and3A_366 : i32 to vector<32x128xi32>
    %and3A_368 = arith.andi %add3A, %and3A_367 : vector<32x128xi32>
    %eq3A_369 = arith.constant 0 : i32
    %eq3A_370 = vector.broadcast %eq3A_369 : i32 to vector<32x128xi32>
    %eq3A_371 = arith.cmpi eq, %and3A_368, %eq3A_370 : vector<32x128xi32>
    %roll3A_372 = arith.constant 124 : i32
    %roll3A_373 = tpu.dynamic_rotate %select_n3A_364 by %roll3A_372 dim 1 : vector<32x128xf32>, i32 -> vector<32x128xf32>
    %roll3A_374 = arith.constant 4 : i32
    %roll3A_375 = tpu.dynamic_rotate %select_n3A_364 by %roll3A_374 dim 1 : vector<32x128xf32>, i32 -> vector<32x128xf32>
    %select_n3A_376 = arith.select %eq3A_371, %roll3A_373, %roll3A_375 : vector<32x128xi1>, vector<32x128xf32>
    %roll3A_377 = arith.constant 124 : i32
    %roll3A_378 = tpu.dynamic_rotate %select_n3A_365 by %roll3A_377 dim 1 : vector<32x128xi32>, i32 -> vector<32x128xi32>
    %roll3A_379 = arith.constant 4 : i32
    %roll3A_380 = tpu.dynamic_rotate %select_n3A_365 by %roll3A_379 dim 1 : vector<32x128xi32>, i32 -> vector<32x128xi32>
    %select_n3A_381 = arith.select %eq3A_371, %roll3A_378, %roll3A_380 : vector<32x128xi1>, vector<32x128xi32>
    %gt3A_382 = arith.cmpf ogt, %select_n3A_376, %select_n3A_364 : vector<32x128xf32>
    %eq3A_383 = arith.cmpf oeq, %select_n3A_376, %select_n3A_364 : vector<32x128xf32>
    %lt3A_384 = arith.cmpi slt, %select_n3A_381, %select_n3A_365 : vector<32x128xi32>
    %and3A_385 = arith.andi %eq3A_383, %lt3A_384 : vector<32x128xi1>
    %or3A_386 = arith.ori %gt3A_382, %and3A_385 : vector<32x128xi1>
    %not3A_387 = arith.constant dense<true> : vector<32x128xi1>
    %not3A_388 = arith.xori %eq3A_371, %not3A_387 : vector<32x128xi1>
    %ne3A_389 = arith.xori %not3A_388, %eq3A_311 : vector<32x128xi1>
    %ne3A_390 = arith.xori %or3A_386, %ne3A_389 : vector<32x128xi1>
    %select_n3A_391 = arith.select %ne3A_390, %select_n3A_376, %select_n3A_364 : vector<32x128xi1>, vector<32x128xf32>
    %select_n3A_392 = arith.select %ne3A_390, %select_n3A_381, %select_n3A_365 : vector<32x128xi1>, vector<32x128xi32>
    %and3A_393 = arith.constant 2 : i32
    %and3A_394 = vector.broadcast %and3A_393 : i32 to vector<32x128xi32>
    %and3A_395 = arith.andi %add3A, %and3A_394 : vector<32x128xi32>
    %eq3A_396 = arith.constant 0 : i32
    %eq3A_397 = vector.broadcast %eq3A_396 : i32 to vector<32x128xi32>
    %eq3A_398 = arith.cmpi eq, %and3A_395, %eq3A_397 : vector<32x128xi32>
    %roll3A_399 = arith.constant 126 : i32
    %roll3A_400 = tpu.dynamic_rotate %select_n3A_391 by %roll3A_399 dim 1 : vector<32x128xf32>, i32 -> vector<32x128xf32>
    %roll3A_401 = arith.constant 2 : i32
    %roll3A_402 = tpu.dynamic_rotate %select_n3A_391 by %roll3A_401 dim 1 : vector<32x128xf32>, i32 -> vector<32x128xf32>
    %select_n3A_403 = arith.select %eq3A_398, %roll3A_400, %roll3A_402 : vector<32x128xi1>, vector<32x128xf32>
    %roll3A_404 = arith.constant 126 : i32
    %roll3A_405 = tpu.dynamic_rotate %select_n3A_392 by %roll3A_404 dim 1 : vector<32x128xi32>, i32 -> vector<32x128xi32>
    %roll3A_406 = arith.constant 2 : i32
    %roll3A_407 = tpu.dynamic_rotate %select_n3A_392 by %roll3A_406 dim 1 : vector<32x128xi32>, i32 -> vector<32x128xi32>
    %select_n3A_408 = arith.select %eq3A_398, %roll3A_405, %roll3A_407 : vector<32x128xi1>, vector<32x128xi32>
    %gt3A_409 = arith.cmpf ogt, %select_n3A_403, %select_n3A_391 : vector<32x128xf32>
    %eq3A_410 = arith.cmpf oeq, %select_n3A_403, %select_n3A_391 : vector<32x128xf32>
    %lt3A_411 = arith.cmpi slt, %select_n3A_408, %select_n3A_392 : vector<32x128xi32>
    %and3A_412 = arith.andi %eq3A_410, %lt3A_411 : vector<32x128xi1>
    %or3A_413 = arith.ori %gt3A_409, %and3A_412 : vector<32x128xi1>
    %not3A_414 = arith.constant dense<true> : vector<32x128xi1>
    %not3A_415 = arith.xori %eq3A_398, %not3A_414 : vector<32x128xi1>
    %ne3A_416 = arith.xori %not3A_415, %eq3A_311 : vector<32x128xi1>
    %ne3A_417 = arith.xori %or3A_413, %ne3A_416 : vector<32x128xi1>
    %select_n3A_418 = arith.select %ne3A_417, %select_n3A_403, %select_n3A_391 : vector<32x128xi1>, vector<32x128xf32>
    %select_n3A_419 = arith.select %ne3A_417, %select_n3A_408, %select_n3A_392 : vector<32x128xi1>, vector<32x128xi32>
    %and3A_420 = arith.constant 1 : i32
    %and3A_421 = vector.broadcast %and3A_420 : i32 to vector<32x128xi32>
    %and3A_422 = arith.andi %add3A, %and3A_421 : vector<32x128xi32>
    %eq3A_423 = arith.constant 0 : i32
    %eq3A_424 = vector.broadcast %eq3A_423 : i32 to vector<32x128xi32>
    %eq3A_425 = arith.cmpi eq, %and3A_422, %eq3A_424 : vector<32x128xi32>
    %roll3A_426 = arith.constant 127 : i32
    %roll3A_427 = tpu.dynamic_rotate %select_n3A_418 by %roll3A_426 dim 1 : vector<32x128xf32>, i32 -> vector<32x128xf32>
    %roll3A_428 = arith.constant 1 : i32
    %roll3A_429 = tpu.dynamic_rotate %select_n3A_418 by %roll3A_428 dim 1 : vector<32x128xf32>, i32 -> vector<32x128xf32>
    %select_n3A_430 = arith.select %eq3A_425, %roll3A_427, %roll3A_429 : vector<32x128xi1>, vector<32x128xf32>
    %roll3A_431 = arith.constant 127 : i32
    %roll3A_432 = tpu.dynamic_rotate %select_n3A_419 by %roll3A_431 dim 1 : vector<32x128xi32>, i32 -> vector<32x128xi32>
    %roll3A_433 = arith.constant 1 : i32
    %roll3A_434 = tpu.dynamic_rotate %select_n3A_419 by %roll3A_433 dim 1 : vector<32x128xi32>, i32 -> vector<32x128xi32>
    %select_n3A_435 = arith.select %eq3A_425, %roll3A_432, %roll3A_434 : vector<32x128xi1>, vector<32x128xi32>
    %gt3A_436 = arith.cmpf ogt, %select_n3A_430, %select_n3A_418 : vector<32x128xf32>
    %eq3A_437 = arith.cmpf oeq, %select_n3A_430, %select_n3A_418 : vector<32x128xf32>
    %lt3A_438 = arith.cmpi slt, %select_n3A_435, %select_n3A_419 : vector<32x128xi32>
    %and3A_439 = arith.andi %eq3A_437, %lt3A_438 : vector<32x128xi1>
    %or3A_440 = arith.ori %gt3A_436, %and3A_439 : vector<32x128xi1>
    %not3A_441 = arith.constant dense<true> : vector<32x128xi1>
    %not3A_442 = arith.xori %eq3A_425, %not3A_441 : vector<32x128xi1>
    %ne3A_443 = arith.xori %not3A_442, %eq3A_311 : vector<32x128xi1>
    %ne3A_444 = arith.xori %or3A_440, %ne3A_443 : vector<32x128xi1>
    %select_n3A_445 = arith.select %ne3A_444, %select_n3A_430, %select_n3A_418 : vector<32x128xi1>, vector<32x128xf32>
    %select_n3A_446 = arith.select %ne3A_444, %select_n3A_435, %select_n3A_419 : vector<32x128xi1>, vector<32x128xi32>
    %shift_right_arithmetic3A_447 = arith.constant 6 : i32
    %shift_right_arithmetic3A_448 = vector.broadcast %shift_right_arithmetic3A_447 : i32 to vector<32x128xi32>
    %shift_right_arithmetic3A_449 = arith.shrsi %add3A, %shift_right_arithmetic3A_448 : vector<32x128xi32>
    %and3A_450 = arith.constant 1 : i32
    %and3A_451 = vector.broadcast %and3A_450 : i32 to vector<32x128xi32>
    %and3A_452 = arith.andi %shift_right_arithmetic3A_449, %and3A_451 : vector<32x128xi32>
    %eq3A_453 = arith.constant 1 : i32
    %eq3A_454 = vector.broadcast %eq3A_453 : i32 to vector<32x128xi32>
    %eq3A_455 = arith.cmpi eq, %and3A_452, %eq3A_454 : vector<32x128xi32>
    %and3A_456 = arith.constant 32 : i32
    %and3A_457 = vector.broadcast %and3A_456 : i32 to vector<32x128xi32>
    %and3A_458 = arith.andi %add3A, %and3A_457 : vector<32x128xi32>
    %eq3A_459 = arith.constant 0 : i32
    %eq3A_460 = vector.broadcast %eq3A_459 : i32 to vector<32x128xi32>
    %eq3A_461 = arith.cmpi eq, %and3A_458, %eq3A_460 : vector<32x128xi32>
    %roll3A_462 = arith.constant 96 : i32
    %roll3A_463 = tpu.dynamic_rotate %select_n3A_445 by %roll3A_462 dim 1 : vector<32x128xf32>, i32 -> vector<32x128xf32>
    %roll3A_464 = arith.constant 32 : i32
    %roll3A_465 = tpu.dynamic_rotate %select_n3A_445 by %roll3A_464 dim 1 : vector<32x128xf32>, i32 -> vector<32x128xf32>
    %select_n3A_466 = arith.select %eq3A_461, %roll3A_463, %roll3A_465 : vector<32x128xi1>, vector<32x128xf32>
    %roll3A_467 = arith.constant 96 : i32
    %roll3A_468 = tpu.dynamic_rotate %select_n3A_446 by %roll3A_467 dim 1 : vector<32x128xi32>, i32 -> vector<32x128xi32>
    %roll3A_469 = arith.constant 32 : i32
    %roll3A_470 = tpu.dynamic_rotate %select_n3A_446 by %roll3A_469 dim 1 : vector<32x128xi32>, i32 -> vector<32x128xi32>
    %select_n3A_471 = arith.select %eq3A_461, %roll3A_468, %roll3A_470 : vector<32x128xi1>, vector<32x128xi32>
    %gt3A_472 = arith.cmpf ogt, %select_n3A_466, %select_n3A_445 : vector<32x128xf32>
    %eq3A_473 = arith.cmpf oeq, %select_n3A_466, %select_n3A_445 : vector<32x128xf32>
    %lt3A_474 = arith.cmpi slt, %select_n3A_471, %select_n3A_446 : vector<32x128xi32>
    %and3A_475 = arith.andi %eq3A_473, %lt3A_474 : vector<32x128xi1>
    %or3A_476 = arith.ori %gt3A_472, %and3A_475 : vector<32x128xi1>
    %not3A_477 = arith.constant dense<true> : vector<32x128xi1>
    %not3A_478 = arith.xori %eq3A_461, %not3A_477 : vector<32x128xi1>
    %ne3A_479 = arith.xori %not3A_478, %eq3A_455 : vector<32x128xi1>
    %ne3A_480 = arith.xori %or3A_476, %ne3A_479 : vector<32x128xi1>
    %select_n3A_481 = arith.select %ne3A_480, %select_n3A_466, %select_n3A_445 : vector<32x128xi1>, vector<32x128xf32>
    %select_n3A_482 = arith.select %ne3A_480, %select_n3A_471, %select_n3A_446 : vector<32x128xi1>, vector<32x128xi32>
    %and3A_483 = arith.constant 16 : i32
    %and3A_484 = vector.broadcast %and3A_483 : i32 to vector<32x128xi32>
    %and3A_485 = arith.andi %add3A, %and3A_484 : vector<32x128xi32>
    %eq3A_486 = arith.constant 0 : i32
    %eq3A_487 = vector.broadcast %eq3A_486 : i32 to vector<32x128xi32>
    %eq3A_488 = arith.cmpi eq, %and3A_485, %eq3A_487 : vector<32x128xi32>
    %roll3A_489 = arith.constant 112 : i32
    %roll3A_490 = tpu.dynamic_rotate %select_n3A_481 by %roll3A_489 dim 1 : vector<32x128xf32>, i32 -> vector<32x128xf32>
    %roll3A_491 = arith.constant 16 : i32
    %roll3A_492 = tpu.dynamic_rotate %select_n3A_481 by %roll3A_491 dim 1 : vector<32x128xf32>, i32 -> vector<32x128xf32>
    %select_n3A_493 = arith.select %eq3A_488, %roll3A_490, %roll3A_492 : vector<32x128xi1>, vector<32x128xf32>
    %roll3A_494 = arith.constant 112 : i32
    %roll3A_495 = tpu.dynamic_rotate %select_n3A_482 by %roll3A_494 dim 1 : vector<32x128xi32>, i32 -> vector<32x128xi32>
    %roll3A_496 = arith.constant 16 : i32
    %roll3A_497 = tpu.dynamic_rotate %select_n3A_482 by %roll3A_496 dim 1 : vector<32x128xi32>, i32 -> vector<32x128xi32>
    %select_n3A_498 = arith.select %eq3A_488, %roll3A_495, %roll3A_497 : vector<32x128xi1>, vector<32x128xi32>
    %gt3A_499 = arith.cmpf ogt, %select_n3A_493, %select_n3A_481 : vector<32x128xf32>
    %eq3A_500 = arith.cmpf oeq, %select_n3A_493, %select_n3A_481 : vector<32x128xf32>
    %lt3A_501 = arith.cmpi slt, %select_n3A_498, %select_n3A_482 : vector<32x128xi32>
    %and3A_502 = arith.andi %eq3A_500, %lt3A_501 : vector<32x128xi1>
    %or3A_503 = arith.ori %gt3A_499, %and3A_502 : vector<32x128xi1>
    %not3A_504 = arith.constant dense<true> : vector<32x128xi1>
    %not3A_505 = arith.xori %eq3A_488, %not3A_504 : vector<32x128xi1>
    %ne3A_506 = arith.xori %not3A_505, %eq3A_455 : vector<32x128xi1>
    %ne3A_507 = arith.xori %or3A_503, %ne3A_506 : vector<32x128xi1>
    %select_n3A_508 = arith.select %ne3A_507, %select_n3A_493, %select_n3A_481 : vector<32x128xi1>, vector<32x128xf32>
    %select_n3A_509 = arith.select %ne3A_507, %select_n3A_498, %select_n3A_482 : vector<32x128xi1>, vector<32x128xi32>
    %and3A_510 = arith.constant 8 : i32
    %and3A_511 = vector.broadcast %and3A_510 : i32 to vector<32x128xi32>
    %and3A_512 = arith.andi %add3A, %and3A_511 : vector<32x128xi32>
    %eq3A_513 = arith.constant 0 : i32
    %eq3A_514 = vector.broadcast %eq3A_513 : i32 to vector<32x128xi32>
    %eq3A_515 = arith.cmpi eq, %and3A_512, %eq3A_514 : vector<32x128xi32>
    %roll3A_516 = arith.constant 120 : i32
    %roll3A_517 = tpu.dynamic_rotate %select_n3A_508 by %roll3A_516 dim 1 : vector<32x128xf32>, i32 -> vector<32x128xf32>
    %roll3A_518 = arith.constant 8 : i32
    %roll3A_519 = tpu.dynamic_rotate %select_n3A_508 by %roll3A_518 dim 1 : vector<32x128xf32>, i32 -> vector<32x128xf32>
    %select_n3A_520 = arith.select %eq3A_515, %roll3A_517, %roll3A_519 : vector<32x128xi1>, vector<32x128xf32>
    %roll3A_521 = arith.constant 120 : i32
    %roll3A_522 = tpu.dynamic_rotate %select_n3A_509 by %roll3A_521 dim 1 : vector<32x128xi32>, i32 -> vector<32x128xi32>
    %roll3A_523 = arith.constant 8 : i32
    %roll3A_524 = tpu.dynamic_rotate %select_n3A_509 by %roll3A_523 dim 1 : vector<32x128xi32>, i32 -> vector<32x128xi32>
    %select_n3A_525 = arith.select %eq3A_515, %roll3A_522, %roll3A_524 : vector<32x128xi1>, vector<32x128xi32>
    %gt3A_526 = arith.cmpf ogt, %select_n3A_520, %select_n3A_508 : vector<32x128xf32>
    %eq3A_527 = arith.cmpf oeq, %select_n3A_520, %select_n3A_508 : vector<32x128xf32>
    %lt3A_528 = arith.cmpi slt, %select_n3A_525, %select_n3A_509 : vector<32x128xi32>
    %and3A_529 = arith.andi %eq3A_527, %lt3A_528 : vector<32x128xi1>
    %or3A_530 = arith.ori %gt3A_526, %and3A_529 : vector<32x128xi1>
    %not3A_531 = arith.constant dense<true> : vector<32x128xi1>
    %not3A_532 = arith.xori %eq3A_515, %not3A_531 : vector<32x128xi1>
    %ne3A_533 = arith.xori %not3A_532, %eq3A_455 : vector<32x128xi1>
    %ne3A_534 = arith.xori %or3A_530, %ne3A_533 : vector<32x128xi1>
    %select_n3A_535 = arith.select %ne3A_534, %select_n3A_520, %select_n3A_508 : vector<32x128xi1>, vector<32x128xf32>
    %select_n3A_536 = arith.select %ne3A_534, %select_n3A_525, %select_n3A_509 : vector<32x128xi1>, vector<32x128xi32>
    %and3A_537 = arith.constant 4 : i32
    %and3A_538 = vector.broadcast %and3A_537 : i32 to vector<32x128xi32>
    %and3A_539 = arith.andi %add3A, %and3A_538 : vector<32x128xi32>
    %eq3A_540 = arith.constant 0 : i32
    %eq3A_541 = vector.broadcast %eq3A_540 : i32 to vector<32x128xi32>
    %eq3A_542 = arith.cmpi eq, %and3A_539, %eq3A_541 : vector<32x128xi32>
    %roll3A_543 = arith.constant 124 : i32
    %roll3A_544 = tpu.dynamic_rotate %select_n3A_535 by %roll3A_543 dim 1 : vector<32x128xf32>, i32 -> vector<32x128xf32>
    %roll3A_545 = arith.constant 4 : i32
    %roll3A_546 = tpu.dynamic_rotate %select_n3A_535 by %roll3A_545 dim 1 : vector<32x128xf32>, i32 -> vector<32x128xf32>
    %select_n3A_547 = arith.select %eq3A_542, %roll3A_544, %roll3A_546 : vector<32x128xi1>, vector<32x128xf32>
    %roll3A_548 = arith.constant 124 : i32
    %roll3A_549 = tpu.dynamic_rotate %select_n3A_536 by %roll3A_548 dim 1 : vector<32x128xi32>, i32 -> vector<32x128xi32>
    %roll3A_550 = arith.constant 4 : i32
    %roll3A_551 = tpu.dynamic_rotate %select_n3A_536 by %roll3A_550 dim 1 : vector<32x128xi32>, i32 -> vector<32x128xi32>
    %select_n3A_552 = arith.select %eq3A_542, %roll3A_549, %roll3A_551 : vector<32x128xi1>, vector<32x128xi32>
    %gt3A_553 = arith.cmpf ogt, %select_n3A_547, %select_n3A_535 : vector<32x128xf32>
    %eq3A_554 = arith.cmpf oeq, %select_n3A_547, %select_n3A_535 : vector<32x128xf32>
    %lt3A_555 = arith.cmpi slt, %select_n3A_552, %select_n3A_536 : vector<32x128xi32>
    %and3A_556 = arith.andi %eq3A_554, %lt3A_555 : vector<32x128xi1>
    %or3A_557 = arith.ori %gt3A_553, %and3A_556 : vector<32x128xi1>
    %not3A_558 = arith.constant dense<true> : vector<32x128xi1>
    %not3A_559 = arith.xori %eq3A_542, %not3A_558 : vector<32x128xi1>
    %ne3A_560 = arith.xori %not3A_559, %eq3A_455 : vector<32x128xi1>
    %ne3A_561 = arith.xori %or3A_557, %ne3A_560 : vector<32x128xi1>
    %select_n3A_562 = arith.select %ne3A_561, %select_n3A_547, %select_n3A_535 : vector<32x128xi1>, vector<32x128xf32>
    %select_n3A_563 = arith.select %ne3A_561, %select_n3A_552, %select_n3A_536 : vector<32x128xi1>, vector<32x128xi32>
    %and3A_564 = arith.constant 2 : i32
    %and3A_565 = vector.broadcast %and3A_564 : i32 to vector<32x128xi32>
    %and3A_566 = arith.andi %add3A, %and3A_565 : vector<32x128xi32>
    %eq3A_567 = arith.constant 0 : i32
    %eq3A_568 = vector.broadcast %eq3A_567 : i32 to vector<32x128xi32>
    %eq3A_569 = arith.cmpi eq, %and3A_566, %eq3A_568 : vector<32x128xi32>
    %roll3A_570 = arith.constant 126 : i32
    %roll3A_571 = tpu.dynamic_rotate %select_n3A_562 by %roll3A_570 dim 1 : vector<32x128xf32>, i32 -> vector<32x128xf32>
    %roll3A_572 = arith.constant 2 : i32
    %roll3A_573 = tpu.dynamic_rotate %select_n3A_562 by %roll3A_572 dim 1 : vector<32x128xf32>, i32 -> vector<32x128xf32>
    %select_n3A_574 = arith.select %eq3A_569, %roll3A_571, %roll3A_573 : vector<32x128xi1>, vector<32x128xf32>
    %roll3A_575 = arith.constant 126 : i32
    %roll3A_576 = tpu.dynamic_rotate %select_n3A_563 by %roll3A_575 dim 1 : vector<32x128xi32>, i32 -> vector<32x128xi32>
    %roll3A_577 = arith.constant 2 : i32
    %roll3A_578 = tpu.dynamic_rotate %select_n3A_563 by %roll3A_577 dim 1 : vector<32x128xi32>, i32 -> vector<32x128xi32>
    %select_n3A_579 = arith.select %eq3A_569, %roll3A_576, %roll3A_578 : vector<32x128xi1>, vector<32x128xi32>
    %gt3A_580 = arith.cmpf ogt, %select_n3A_574, %select_n3A_562 : vector<32x128xf32>
    %eq3A_581 = arith.cmpf oeq, %select_n3A_574, %select_n3A_562 : vector<32x128xf32>
    %lt3A_582 = arith.cmpi slt, %select_n3A_579, %select_n3A_563 : vector<32x128xi32>
    %and3A_583 = arith.andi %eq3A_581, %lt3A_582 : vector<32x128xi1>
    %or3A_584 = arith.ori %gt3A_580, %and3A_583 : vector<32x128xi1>
    %not3A_585 = arith.constant dense<true> : vector<32x128xi1>
    %not3A_586 = arith.xori %eq3A_569, %not3A_585 : vector<32x128xi1>
    %ne3A_587 = arith.xori %not3A_586, %eq3A_455 : vector<32x128xi1>
    %ne3A_588 = arith.xori %or3A_584, %ne3A_587 : vector<32x128xi1>
    %select_n3A_589 = arith.select %ne3A_588, %select_n3A_574, %select_n3A_562 : vector<32x128xi1>, vector<32x128xf32>
    %select_n3A_590 = arith.select %ne3A_588, %select_n3A_579, %select_n3A_563 : vector<32x128xi1>, vector<32x128xi32>
    %and3A_591 = arith.constant 1 : i32
    %and3A_592 = vector.broadcast %and3A_591 : i32 to vector<32x128xi32>
    %and3A_593 = arith.andi %add3A, %and3A_592 : vector<32x128xi32>
    %eq3A_594 = arith.constant 0 : i32
    %eq3A_595 = vector.broadcast %eq3A_594 : i32 to vector<32x128xi32>
    %eq3A_596 = arith.cmpi eq, %and3A_593, %eq3A_595 : vector<32x128xi32>
    %roll3A_597 = arith.constant 127 : i32
    %roll3A_598 = tpu.dynamic_rotate %select_n3A_589 by %roll3A_597 dim 1 : vector<32x128xf32>, i32 -> vector<32x128xf32>
    %roll3A_599 = arith.constant 1 : i32
    %roll3A_600 = tpu.dynamic_rotate %select_n3A_589 by %roll3A_599 dim 1 : vector<32x128xf32>, i32 -> vector<32x128xf32>
    %select_n3A_601 = arith.select %eq3A_596, %roll3A_598, %roll3A_600 : vector<32x128xi1>, vector<32x128xf32>
    %roll3A_602 = arith.constant 127 : i32
    %roll3A_603 = tpu.dynamic_rotate %select_n3A_590 by %roll3A_602 dim 1 : vector<32x128xi32>, i32 -> vector<32x128xi32>
    %roll3A_604 = arith.constant 1 : i32
    %roll3A_605 = tpu.dynamic_rotate %select_n3A_590 by %roll3A_604 dim 1 : vector<32x128xi32>, i32 -> vector<32x128xi32>
    %select_n3A_606 = arith.select %eq3A_596, %roll3A_603, %roll3A_605 : vector<32x128xi1>, vector<32x128xi32>
    %gt3A_607 = arith.cmpf ogt, %select_n3A_601, %select_n3A_589 : vector<32x128xf32>
    %eq3A_608 = arith.cmpf oeq, %select_n3A_601, %select_n3A_589 : vector<32x128xf32>
    %lt3A_609 = arith.cmpi slt, %select_n3A_606, %select_n3A_590 : vector<32x128xi32>
    %and3A_610 = arith.andi %eq3A_608, %lt3A_609 : vector<32x128xi1>
    %or3A_611 = arith.ori %gt3A_607, %and3A_610 : vector<32x128xi1>
    %not3A_612 = arith.constant dense<true> : vector<32x128xi1>
    %not3A_613 = arith.xori %eq3A_596, %not3A_612 : vector<32x128xi1>
    %ne3A_614 = arith.xori %not3A_613, %eq3A_455 : vector<32x128xi1>
    %ne3A_615 = arith.xori %or3A_611, %ne3A_614 : vector<32x128xi1>
    %select_n3A_616 = arith.select %ne3A_615, %select_n3A_601, %select_n3A_589 : vector<32x128xi1>, vector<32x128xf32>
    %select_n3A_617 = arith.select %ne3A_615, %select_n3A_606, %select_n3A_590 : vector<32x128xi1>, vector<32x128xi32>
    %shift_right_arithmetic3A_618 = arith.constant 7 : i32
    %shift_right_arithmetic3A_619 = vector.broadcast %shift_right_arithmetic3A_618 : i32 to vector<32x128xi32>
    %shift_right_arithmetic3A_620 = arith.shrsi %add3A, %shift_right_arithmetic3A_619 : vector<32x128xi32>
    %and3A_621 = arith.constant 1 : i32
    %and3A_622 = vector.broadcast %and3A_621 : i32 to vector<32x128xi32>
    %and3A_623 = arith.andi %shift_right_arithmetic3A_620, %and3A_622 : vector<32x128xi32>
    %eq3A_624 = arith.constant 1 : i32
    %eq3A_625 = vector.broadcast %eq3A_624 : i32 to vector<32x128xi32>
    %eq3A_626 = arith.cmpi eq, %and3A_623, %eq3A_625 : vector<32x128xi32>
    %and3A_627 = arith.constant 64 : i32
    %and3A_628 = vector.broadcast %and3A_627 : i32 to vector<32x128xi32>
    %and3A_629 = arith.andi %add3A, %and3A_628 : vector<32x128xi32>
    %eq3A_630 = arith.constant 0 : i32
    %eq3A_631 = vector.broadcast %eq3A_630 : i32 to vector<32x128xi32>
    %eq3A_632 = arith.cmpi eq, %and3A_629, %eq3A_631 : vector<32x128xi32>
    %roll3A_633 = arith.constant 64 : i32
    %roll3A_634 = tpu.dynamic_rotate %select_n3A_616 by %roll3A_633 dim 1 : vector<32x128xf32>, i32 -> vector<32x128xf32>
    %roll3A_635 = arith.constant 64 : i32
    %roll3A_636 = tpu.dynamic_rotate %select_n3A_616 by %roll3A_635 dim 1 : vector<32x128xf32>, i32 -> vector<32x128xf32>
    %select_n3A_637 = arith.select %eq3A_632, %roll3A_634, %roll3A_636 : vector<32x128xi1>, vector<32x128xf32>
    %roll3A_638 = arith.constant 64 : i32
    %roll3A_639 = tpu.dynamic_rotate %select_n3A_617 by %roll3A_638 dim 1 : vector<32x128xi32>, i32 -> vector<32x128xi32>
    %roll3A_640 = arith.constant 64 : i32
    %roll3A_641 = tpu.dynamic_rotate %select_n3A_617 by %roll3A_640 dim 1 : vector<32x128xi32>, i32 -> vector<32x128xi32>
    %select_n3A_642 = arith.select %eq3A_632, %roll3A_639, %roll3A_641 : vector<32x128xi1>, vector<32x128xi32>
    %gt3A_643 = arith.cmpf ogt, %select_n3A_637, %select_n3A_616 : vector<32x128xf32>
    %eq3A_644 = arith.cmpf oeq, %select_n3A_637, %select_n3A_616 : vector<32x128xf32>
    %lt3A_645 = arith.cmpi slt, %select_n3A_642, %select_n3A_617 : vector<32x128xi32>
    %and3A_646 = arith.andi %eq3A_644, %lt3A_645 : vector<32x128xi1>
    %or3A_647 = arith.ori %gt3A_643, %and3A_646 : vector<32x128xi1>
    %not3A_648 = arith.constant dense<true> : vector<32x128xi1>
    %not3A_649 = arith.xori %eq3A_632, %not3A_648 : vector<32x128xi1>
    %ne3A_650 = arith.xori %not3A_649, %eq3A_626 : vector<32x128xi1>
    %ne3A_651 = arith.xori %or3A_647, %ne3A_650 : vector<32x128xi1>
    %select_n3A_652 = arith.select %ne3A_651, %select_n3A_637, %select_n3A_616 : vector<32x128xi1>, vector<32x128xf32>
    %select_n3A_653 = arith.select %ne3A_651, %select_n3A_642, %select_n3A_617 : vector<32x128xi1>, vector<32x128xi32>
    %and3A_654 = arith.constant 32 : i32
    %and3A_655 = vector.broadcast %and3A_654 : i32 to vector<32x128xi32>
    %and3A_656 = arith.andi %add3A, %and3A_655 : vector<32x128xi32>
    %eq3A_657 = arith.constant 0 : i32
    %eq3A_658 = vector.broadcast %eq3A_657 : i32 to vector<32x128xi32>
    %eq3A_659 = arith.cmpi eq, %and3A_656, %eq3A_658 : vector<32x128xi32>
    %roll3A_660 = arith.constant 96 : i32
    %roll3A_661 = tpu.dynamic_rotate %select_n3A_652 by %roll3A_660 dim 1 : vector<32x128xf32>, i32 -> vector<32x128xf32>
    %roll3A_662 = arith.constant 32 : i32
    %roll3A_663 = tpu.dynamic_rotate %select_n3A_652 by %roll3A_662 dim 1 : vector<32x128xf32>, i32 -> vector<32x128xf32>
    %select_n3A_664 = arith.select %eq3A_659, %roll3A_661, %roll3A_663 : vector<32x128xi1>, vector<32x128xf32>
    %roll3A_665 = arith.constant 96 : i32
    %roll3A_666 = tpu.dynamic_rotate %select_n3A_653 by %roll3A_665 dim 1 : vector<32x128xi32>, i32 -> vector<32x128xi32>
    %roll3A_667 = arith.constant 32 : i32
    %roll3A_668 = tpu.dynamic_rotate %select_n3A_653 by %roll3A_667 dim 1 : vector<32x128xi32>, i32 -> vector<32x128xi32>
    %select_n3A_669 = arith.select %eq3A_659, %roll3A_666, %roll3A_668 : vector<32x128xi1>, vector<32x128xi32>
    %gt3A_670 = arith.cmpf ogt, %select_n3A_664, %select_n3A_652 : vector<32x128xf32>
    %eq3A_671 = arith.cmpf oeq, %select_n3A_664, %select_n3A_652 : vector<32x128xf32>
    %lt3A_672 = arith.cmpi slt, %select_n3A_669, %select_n3A_653 : vector<32x128xi32>
    %and3A_673 = arith.andi %eq3A_671, %lt3A_672 : vector<32x128xi1>
    %or3A_674 = arith.ori %gt3A_670, %and3A_673 : vector<32x128xi1>
    %not3A_675 = arith.constant dense<true> : vector<32x128xi1>
    %not3A_676 = arith.xori %eq3A_659, %not3A_675 : vector<32x128xi1>
    %ne3A_677 = arith.xori %not3A_676, %eq3A_626 : vector<32x128xi1>
    %ne3A_678 = arith.xori %or3A_674, %ne3A_677 : vector<32x128xi1>
    %select_n3A_679 = arith.select %ne3A_678, %select_n3A_664, %select_n3A_652 : vector<32x128xi1>, vector<32x128xf32>
    %select_n3A_680 = arith.select %ne3A_678, %select_n3A_669, %select_n3A_653 : vector<32x128xi1>, vector<32x128xi32>
    %and3A_681 = arith.constant 16 : i32
    %and3A_682 = vector.broadcast %and3A_681 : i32 to vector<32x128xi32>
    %and3A_683 = arith.andi %add3A, %and3A_682 : vector<32x128xi32>
    %eq3A_684 = arith.constant 0 : i32
    %eq3A_685 = vector.broadcast %eq3A_684 : i32 to vector<32x128xi32>
    %eq3A_686 = arith.cmpi eq, %and3A_683, %eq3A_685 : vector<32x128xi32>
    %roll3A_687 = arith.constant 112 : i32
    %roll3A_688 = tpu.dynamic_rotate %select_n3A_679 by %roll3A_687 dim 1 : vector<32x128xf32>, i32 -> vector<32x128xf32>
    %roll3A_689 = arith.constant 16 : i32
    %roll3A_690 = tpu.dynamic_rotate %select_n3A_679 by %roll3A_689 dim 1 : vector<32x128xf32>, i32 -> vector<32x128xf32>
    %select_n3A_691 = arith.select %eq3A_686, %roll3A_688, %roll3A_690 : vector<32x128xi1>, vector<32x128xf32>
    %roll3A_692 = arith.constant 112 : i32
    %roll3A_693 = tpu.dynamic_rotate %select_n3A_680 by %roll3A_692 dim 1 : vector<32x128xi32>, i32 -> vector<32x128xi32>
    %roll3A_694 = arith.constant 16 : i32
    %roll3A_695 = tpu.dynamic_rotate %select_n3A_680 by %roll3A_694 dim 1 : vector<32x128xi32>, i32 -> vector<32x128xi32>
    %select_n3A_696 = arith.select %eq3A_686, %roll3A_693, %roll3A_695 : vector<32x128xi1>, vector<32x128xi32>
    %gt3A_697 = arith.cmpf ogt, %select_n3A_691, %select_n3A_679 : vector<32x128xf32>
    %eq3A_698 = arith.cmpf oeq, %select_n3A_691, %select_n3A_679 : vector<32x128xf32>
    %lt3A_699 = arith.cmpi slt, %select_n3A_696, %select_n3A_680 : vector<32x128xi32>
    %and3A_700 = arith.andi %eq3A_698, %lt3A_699 : vector<32x128xi1>
    %or3A_701 = arith.ori %gt3A_697, %and3A_700 : vector<32x128xi1>
    %not3A_702 = arith.constant dense<true> : vector<32x128xi1>
    %not3A_703 = arith.xori %eq3A_686, %not3A_702 : vector<32x128xi1>
    %ne3A_704 = arith.xori %not3A_703, %eq3A_626 : vector<32x128xi1>
    %ne3A_705 = arith.xori %or3A_701, %ne3A_704 : vector<32x128xi1>
    %select_n3A_706 = arith.select %ne3A_705, %select_n3A_691, %select_n3A_679 : vector<32x128xi1>, vector<32x128xf32>
    %select_n3A_707 = arith.select %ne3A_705, %select_n3A_696, %select_n3A_680 : vector<32x128xi1>, vector<32x128xi32>
    %and3A_708 = arith.constant 8 : i32
    %and3A_709 = vector.broadcast %and3A_708 : i32 to vector<32x128xi32>
    %and3A_710 = arith.andi %add3A, %and3A_709 : vector<32x128xi32>
    %eq3A_711 = arith.constant 0 : i32
    %eq3A_712 = vector.broadcast %eq3A_711 : i32 to vector<32x128xi32>
    %eq3A_713 = arith.cmpi eq, %and3A_710, %eq3A_712 : vector<32x128xi32>
    %roll3A_714 = arith.constant 120 : i32
    %roll3A_715 = tpu.dynamic_rotate %select_n3A_706 by %roll3A_714 dim 1 : vector<32x128xf32>, i32 -> vector<32x128xf32>
    %roll3A_716 = arith.constant 8 : i32
    %roll3A_717 = tpu.dynamic_rotate %select_n3A_706 by %roll3A_716 dim 1 : vector<32x128xf32>, i32 -> vector<32x128xf32>
    %select_n3A_718 = arith.select %eq3A_713, %roll3A_715, %roll3A_717 : vector<32x128xi1>, vector<32x128xf32>
    %roll3A_719 = arith.constant 120 : i32
    %roll3A_720 = tpu.dynamic_rotate %select_n3A_707 by %roll3A_719 dim 1 : vector<32x128xi32>, i32 -> vector<32x128xi32>
    %roll3A_721 = arith.constant 8 : i32
    %roll3A_722 = tpu.dynamic_rotate %select_n3A_707 by %roll3A_721 dim 1 : vector<32x128xi32>, i32 -> vector<32x128xi32>
    %select_n3A_723 = arith.select %eq3A_713, %roll3A_720, %roll3A_722 : vector<32x128xi1>, vector<32x128xi32>
    %gt3A_724 = arith.cmpf ogt, %select_n3A_718, %select_n3A_706 : vector<32x128xf32>
    %eq3A_725 = arith.cmpf oeq, %select_n3A_718, %select_n3A_706 : vector<32x128xf32>
    %lt3A_726 = arith.cmpi slt, %select_n3A_723, %select_n3A_707 : vector<32x128xi32>
    %and3A_727 = arith.andi %eq3A_725, %lt3A_726 : vector<32x128xi1>
    %or3A_728 = arith.ori %gt3A_724, %and3A_727 : vector<32x128xi1>
    %not3A_729 = arith.constant dense<true> : vector<32x128xi1>
    %not3A_730 = arith.xori %eq3A_713, %not3A_729 : vector<32x128xi1>
    %ne3A_731 = arith.xori %not3A_730, %eq3A_626 : vector<32x128xi1>
    %ne3A_732 = arith.xori %or3A_728, %ne3A_731 : vector<32x128xi1>
    %select_n3A_733 = arith.select %ne3A_732, %select_n3A_718, %select_n3A_706 : vector<32x128xi1>, vector<32x128xf32>
    %select_n3A_734 = arith.select %ne3A_732, %select_n3A_723, %select_n3A_707 : vector<32x128xi1>, vector<32x128xi32>
    %and3A_735 = arith.constant 4 : i32
    %and3A_736 = vector.broadcast %and3A_735 : i32 to vector<32x128xi32>
    %and3A_737 = arith.andi %add3A, %and3A_736 : vector<32x128xi32>
    %eq3A_738 = arith.constant 0 : i32
    %eq3A_739 = vector.broadcast %eq3A_738 : i32 to vector<32x128xi32>
    %eq3A_740 = arith.cmpi eq, %and3A_737, %eq3A_739 : vector<32x128xi32>
    %roll3A_741 = arith.constant 124 : i32
    %roll3A_742 = tpu.dynamic_rotate %select_n3A_733 by %roll3A_741 dim 1 : vector<32x128xf32>, i32 -> vector<32x128xf32>
    %roll3A_743 = arith.constant 4 : i32
    %roll3A_744 = tpu.dynamic_rotate %select_n3A_733 by %roll3A_743 dim 1 : vector<32x128xf32>, i32 -> vector<32x128xf32>
    %select_n3A_745 = arith.select %eq3A_740, %roll3A_742, %roll3A_744 : vector<32x128xi1>, vector<32x128xf32>
    %roll3A_746 = arith.constant 124 : i32
    %roll3A_747 = tpu.dynamic_rotate %select_n3A_734 by %roll3A_746 dim 1 : vector<32x128xi32>, i32 -> vector<32x128xi32>
    %roll3A_748 = arith.constant 4 : i32
    %roll3A_749 = tpu.dynamic_rotate %select_n3A_734 by %roll3A_748 dim 1 : vector<32x128xi32>, i32 -> vector<32x128xi32>
    %select_n3A_750 = arith.select %eq3A_740, %roll3A_747, %roll3A_749 : vector<32x128xi1>, vector<32x128xi32>
    %gt3A_751 = arith.cmpf ogt, %select_n3A_745, %select_n3A_733 : vector<32x128xf32>
    %eq3A_752 = arith.cmpf oeq, %select_n3A_745, %select_n3A_733 : vector<32x128xf32>
    %lt3A_753 = arith.cmpi slt, %select_n3A_750, %select_n3A_734 : vector<32x128xi32>
    %and3A_754 = arith.andi %eq3A_752, %lt3A_753 : vector<32x128xi1>
    %or3A_755 = arith.ori %gt3A_751, %and3A_754 : vector<32x128xi1>
    %not3A_756 = arith.constant dense<true> : vector<32x128xi1>
    %not3A_757 = arith.xori %eq3A_740, %not3A_756 : vector<32x128xi1>
    %ne3A_758 = arith.xori %not3A_757, %eq3A_626 : vector<32x128xi1>
    %ne3A_759 = arith.xori %or3A_755, %ne3A_758 : vector<32x128xi1>
    %select_n3A_760 = arith.select %ne3A_759, %select_n3A_745, %select_n3A_733 : vector<32x128xi1>, vector<32x128xf32>
    %select_n3A_761 = arith.select %ne3A_759, %select_n3A_750, %select_n3A_734 : vector<32x128xi1>, vector<32x128xi32>
    %and3A_762 = arith.constant 2 : i32
    %and3A_763 = vector.broadcast %and3A_762 : i32 to vector<32x128xi32>
    %and3A_764 = arith.andi %add3A, %and3A_763 : vector<32x128xi32>
    %eq3A_765 = arith.constant 0 : i32
    %eq3A_766 = vector.broadcast %eq3A_765 : i32 to vector<32x128xi32>
    %eq3A_767 = arith.cmpi eq, %and3A_764, %eq3A_766 : vector<32x128xi32>
    %roll3A_768 = arith.constant 126 : i32
    %roll3A_769 = tpu.dynamic_rotate %select_n3A_760 by %roll3A_768 dim 1 : vector<32x128xf32>, i32 -> vector<32x128xf32>
    %roll3A_770 = arith.constant 2 : i32
    %roll3A_771 = tpu.dynamic_rotate %select_n3A_760 by %roll3A_770 dim 1 : vector<32x128xf32>, i32 -> vector<32x128xf32>
    %select_n3A_772 = arith.select %eq3A_767, %roll3A_769, %roll3A_771 : vector<32x128xi1>, vector<32x128xf32>
    %roll3A_773 = arith.constant 126 : i32
    %roll3A_774 = tpu.dynamic_rotate %select_n3A_761 by %roll3A_773 dim 1 : vector<32x128xi32>, i32 -> vector<32x128xi32>
    %roll3A_775 = arith.constant 2 : i32
    %roll3A_776 = tpu.dynamic_rotate %select_n3A_761 by %roll3A_775 dim 1 : vector<32x128xi32>, i32 -> vector<32x128xi32>
    %select_n3A_777 = arith.select %eq3A_767, %roll3A_774, %roll3A_776 : vector<32x128xi1>, vector<32x128xi32>
    %gt3A_778 = arith.cmpf ogt, %select_n3A_772, %select_n3A_760 : vector<32x128xf32>
    %eq3A_779 = arith.cmpf oeq, %select_n3A_772, %select_n3A_760 : vector<32x128xf32>
    %lt3A_780 = arith.cmpi slt, %select_n3A_777, %select_n3A_761 : vector<32x128xi32>
    %and3A_781 = arith.andi %eq3A_779, %lt3A_780 : vector<32x128xi1>
    %or3A_782 = arith.ori %gt3A_778, %and3A_781 : vector<32x128xi1>
    %not3A_783 = arith.constant dense<true> : vector<32x128xi1>
    %not3A_784 = arith.xori %eq3A_767, %not3A_783 : vector<32x128xi1>
    %ne3A_785 = arith.xori %not3A_784, %eq3A_626 : vector<32x128xi1>
    %ne3A_786 = arith.xori %or3A_782, %ne3A_785 : vector<32x128xi1>
    %select_n3A_787 = arith.select %ne3A_786, %select_n3A_772, %select_n3A_760 : vector<32x128xi1>, vector<32x128xf32>
    %select_n3A_788 = arith.select %ne3A_786, %select_n3A_777, %select_n3A_761 : vector<32x128xi1>, vector<32x128xi32>
    %and3A_789 = arith.constant 1 : i32
    %and3A_790 = vector.broadcast %and3A_789 : i32 to vector<32x128xi32>
    %and3A_791 = arith.andi %add3A, %and3A_790 : vector<32x128xi32>
    %eq3A_792 = arith.constant 0 : i32
    %eq3A_793 = vector.broadcast %eq3A_792 : i32 to vector<32x128xi32>
    %eq3A_794 = arith.cmpi eq, %and3A_791, %eq3A_793 : vector<32x128xi32>
    %roll3A_795 = arith.constant 127 : i32
    %roll3A_796 = tpu.dynamic_rotate %select_n3A_787 by %roll3A_795 dim 1 : vector<32x128xf32>, i32 -> vector<32x128xf32>
    %roll3A_797 = arith.constant 1 : i32
    %roll3A_798 = tpu.dynamic_rotate %select_n3A_787 by %roll3A_797 dim 1 : vector<32x128xf32>, i32 -> vector<32x128xf32>
    %select_n3A_799 = arith.select %eq3A_794, %roll3A_796, %roll3A_798 : vector<32x128xi1>, vector<32x128xf32>
    %roll3A_800 = arith.constant 127 : i32
    %roll3A_801 = tpu.dynamic_rotate %select_n3A_788 by %roll3A_800 dim 1 : vector<32x128xi32>, i32 -> vector<32x128xi32>
    %roll3A_802 = arith.constant 1 : i32
    %roll3A_803 = tpu.dynamic_rotate %select_n3A_788 by %roll3A_802 dim 1 : vector<32x128xi32>, i32 -> vector<32x128xi32>
    %select_n3A_804 = arith.select %eq3A_794, %roll3A_801, %roll3A_803 : vector<32x128xi1>, vector<32x128xi32>
    %gt3A_805 = arith.cmpf ogt, %select_n3A_799, %select_n3A_787 : vector<32x128xf32>
    %eq3A_806 = arith.cmpf oeq, %select_n3A_799, %select_n3A_787 : vector<32x128xf32>
    %lt3A_807 = arith.cmpi slt, %select_n3A_804, %select_n3A_788 : vector<32x128xi32>
    %and3A_808 = arith.andi %eq3A_806, %lt3A_807 : vector<32x128xi1>
    %or3A_809 = arith.ori %gt3A_805, %and3A_808 : vector<32x128xi1>
    %not3A_810 = arith.constant dense<true> : vector<32x128xi1>
    %not3A_811 = arith.xori %eq3A_794, %not3A_810 : vector<32x128xi1>
    %ne3A_812 = arith.xori %not3A_811, %eq3A_626 : vector<32x128xi1>
    %ne3A_813 = arith.xori %or3A_809, %ne3A_812 : vector<32x128xi1>
    %select_n3A_814 = arith.select %ne3A_813, %select_n3A_799, %select_n3A_787 : vector<32x128xi1>, vector<32x128xf32>
    %select_n3A_815 = arith.select %ne3A_813, %select_n3A_804, %select_n3A_788 : vector<32x128xi1>, vector<32x128xi32>
    %shift_right_arithmetic3A_816 = arith.constant 8 : i32
    %shift_right_arithmetic3A_817 = vector.broadcast %shift_right_arithmetic3A_816 : i32 to vector<32x128xi32>
    %shift_right_arithmetic3A_818 = arith.shrsi %add3A, %shift_right_arithmetic3A_817 : vector<32x128xi32>
    %and3A_819 = arith.constant 1 : i32
    %and3A_820 = vector.broadcast %and3A_819 : i32 to vector<32x128xi32>
    %and3A_821 = arith.andi %shift_right_arithmetic3A_818, %and3A_820 : vector<32x128xi32>
    %eq3A_822 = arith.constant 1 : i32
    %eq3A_823 = vector.broadcast %eq3A_822 : i32 to vector<32x128xi32>
    %eq3A_824 = arith.cmpi eq, %and3A_821, %eq3A_823 : vector<32x128xi32>
    %and3A_825 = arith.constant 128 : i32
    %and3A_826 = vector.broadcast %and3A_825 : i32 to vector<32x128xi32>
    %and3A_827 = arith.andi %add3A, %and3A_826 : vector<32x128xi32>
    %eq3A_828 = arith.constant 0 : i32
    %eq3A_829 = vector.broadcast %eq3A_828 : i32 to vector<32x128xi32>
    %eq3A_830 = arith.cmpi eq, %and3A_827, %eq3A_829 : vector<32x128xi32>
    %roll3A_831 = arith.constant 31 : i32
    %roll3A_832 = tpu.dynamic_rotate %select_n3A_814 by %roll3A_831 dim 0 : vector<32x128xf32>, i32 -> vector<32x128xf32>
    %roll3A_833 = arith.constant 1 : i32
    %roll3A_834 = tpu.dynamic_rotate %select_n3A_814 by %roll3A_833 dim 0 : vector<32x128xf32>, i32 -> vector<32x128xf32>
    %select_n3A_835 = arith.select %eq3A_830, %roll3A_832, %roll3A_834 : vector<32x128xi1>, vector<32x128xf32>
    %roll3A_836 = arith.constant 31 : i32
    %roll3A_837 = tpu.dynamic_rotate %select_n3A_815 by %roll3A_836 dim 0 : vector<32x128xi32>, i32 -> vector<32x128xi32>
    %roll3A_838 = arith.constant 1 : i32
    %roll3A_839 = tpu.dynamic_rotate %select_n3A_815 by %roll3A_838 dim 0 : vector<32x128xi32>, i32 -> vector<32x128xi32>
    %select_n3A_840 = arith.select %eq3A_830, %roll3A_837, %roll3A_839 : vector<32x128xi1>, vector<32x128xi32>
    %gt3A_841 = arith.cmpf ogt, %select_n3A_835, %select_n3A_814 : vector<32x128xf32>
    %eq3A_842 = arith.cmpf oeq, %select_n3A_835, %select_n3A_814 : vector<32x128xf32>
    %lt3A_843 = arith.cmpi slt, %select_n3A_840, %select_n3A_815 : vector<32x128xi32>
    %and3A_844 = arith.andi %eq3A_842, %lt3A_843 : vector<32x128xi1>
    %or3A_845 = arith.ori %gt3A_841, %and3A_844 : vector<32x128xi1>
    %not3A_846 = arith.constant dense<true> : vector<32x128xi1>
    %not3A_847 = arith.xori %eq3A_830, %not3A_846 : vector<32x128xi1>
    %ne3A_848 = arith.xori %not3A_847, %eq3A_824 : vector<32x128xi1>
    %ne3A_849 = arith.xori %or3A_845, %ne3A_848 : vector<32x128xi1>
    %select_n3A_850 = arith.select %ne3A_849, %select_n3A_835, %select_n3A_814 : vector<32x128xi1>, vector<32x128xf32>
    %select_n3A_851 = arith.select %ne3A_849, %select_n3A_840, %select_n3A_815 : vector<32x128xi1>, vector<32x128xi32>
    %and3A_852 = arith.constant 64 : i32
    %and3A_853 = vector.broadcast %and3A_852 : i32 to vector<32x128xi32>
    %and3A_854 = arith.andi %add3A, %and3A_853 : vector<32x128xi32>
    %eq3A_855 = arith.constant 0 : i32
    %eq3A_856 = vector.broadcast %eq3A_855 : i32 to vector<32x128xi32>
    %eq3A_857 = arith.cmpi eq, %and3A_854, %eq3A_856 : vector<32x128xi32>
    %roll3A_858 = arith.constant 64 : i32
    %roll3A_859 = tpu.dynamic_rotate %select_n3A_850 by %roll3A_858 dim 1 : vector<32x128xf32>, i32 -> vector<32x128xf32>
    %roll3A_860 = arith.constant 64 : i32
    %roll3A_861 = tpu.dynamic_rotate %select_n3A_850 by %roll3A_860 dim 1 : vector<32x128xf32>, i32 -> vector<32x128xf32>
    %select_n3A_862 = arith.select %eq3A_857, %roll3A_859, %roll3A_861 : vector<32x128xi1>, vector<32x128xf32>
    %roll3A_863 = arith.constant 64 : i32
    %roll3A_864 = tpu.dynamic_rotate %select_n3A_851 by %roll3A_863 dim 1 : vector<32x128xi32>, i32 -> vector<32x128xi32>
    %roll3A_865 = arith.constant 64 : i32
    %roll3A_866 = tpu.dynamic_rotate %select_n3A_851 by %roll3A_865 dim 1 : vector<32x128xi32>, i32 -> vector<32x128xi32>
    %select_n3A_867 = arith.select %eq3A_857, %roll3A_864, %roll3A_866 : vector<32x128xi1>, vector<32x128xi32>
    %gt3A_868 = arith.cmpf ogt, %select_n3A_862, %select_n3A_850 : vector<32x128xf32>
    %eq3A_869 = arith.cmpf oeq, %select_n3A_862, %select_n3A_850 : vector<32x128xf32>
    %lt3A_870 = arith.cmpi slt, %select_n3A_867, %select_n3A_851 : vector<32x128xi32>
    %and3A_871 = arith.andi %eq3A_869, %lt3A_870 : vector<32x128xi1>
    %or3A_872 = arith.ori %gt3A_868, %and3A_871 : vector<32x128xi1>
    %not3A_873 = arith.constant dense<true> : vector<32x128xi1>
    %not3A_874 = arith.xori %eq3A_857, %not3A_873 : vector<32x128xi1>
    %ne3A_875 = arith.xori %not3A_874, %eq3A_824 : vector<32x128xi1>
    %ne3A_876 = arith.xori %or3A_872, %ne3A_875 : vector<32x128xi1>
    %select_n3A_877 = arith.select %ne3A_876, %select_n3A_862, %select_n3A_850 : vector<32x128xi1>, vector<32x128xf32>
    %select_n3A_878 = arith.select %ne3A_876, %select_n3A_867, %select_n3A_851 : vector<32x128xi1>, vector<32x128xi32>
    %and3A_879 = arith.constant 32 : i32
    %and3A_880 = vector.broadcast %and3A_879 : i32 to vector<32x128xi32>
    %and3A_881 = arith.andi %add3A, %and3A_880 : vector<32x128xi32>
    %eq3A_882 = arith.constant 0 : i32
    %eq3A_883 = vector.broadcast %eq3A_882 : i32 to vector<32x128xi32>
    %eq3A_884 = arith.cmpi eq, %and3A_881, %eq3A_883 : vector<32x128xi32>
    %roll3A_885 = arith.constant 96 : i32
    %roll3A_886 = tpu.dynamic_rotate %select_n3A_877 by %roll3A_885 dim 1 : vector<32x128xf32>, i32 -> vector<32x128xf32>
    %roll3A_887 = arith.constant 32 : i32
    %roll3A_888 = tpu.dynamic_rotate %select_n3A_877 by %roll3A_887 dim 1 : vector<32x128xf32>, i32 -> vector<32x128xf32>
    %select_n3A_889 = arith.select %eq3A_884, %roll3A_886, %roll3A_888 : vector<32x128xi1>, vector<32x128xf32>
    %roll3A_890 = arith.constant 96 : i32
    %roll3A_891 = tpu.dynamic_rotate %select_n3A_878 by %roll3A_890 dim 1 : vector<32x128xi32>, i32 -> vector<32x128xi32>
    %roll3A_892 = arith.constant 32 : i32
    %roll3A_893 = tpu.dynamic_rotate %select_n3A_878 by %roll3A_892 dim 1 : vector<32x128xi32>, i32 -> vector<32x128xi32>
    %select_n3A_894 = arith.select %eq3A_884, %roll3A_891, %roll3A_893 : vector<32x128xi1>, vector<32x128xi32>
    %gt3A_895 = arith.cmpf ogt, %select_n3A_889, %select_n3A_877 : vector<32x128xf32>
    %eq3A_896 = arith.cmpf oeq, %select_n3A_889, %select_n3A_877 : vector<32x128xf32>
    %lt3A_897 = arith.cmpi slt, %select_n3A_894, %select_n3A_878 : vector<32x128xi32>
    %and3A_898 = arith.andi %eq3A_896, %lt3A_897 : vector<32x128xi1>
    %or3A_899 = arith.ori %gt3A_895, %and3A_898 : vector<32x128xi1>
    %not3A_900 = arith.constant dense<true> : vector<32x128xi1>
    %not3A_901 = arith.xori %eq3A_884, %not3A_900 : vector<32x128xi1>
    %ne3A_902 = arith.xori %not3A_901, %eq3A_824 : vector<32x128xi1>
    %ne3A_903 = arith.xori %or3A_899, %ne3A_902 : vector<32x128xi1>
    %select_n3A_904 = arith.select %ne3A_903, %select_n3A_889, %select_n3A_877 : vector<32x128xi1>, vector<32x128xf32>
    %select_n3A_905 = arith.select %ne3A_903, %select_n3A_894, %select_n3A_878 : vector<32x128xi1>, vector<32x128xi32>
    %and3A_906 = arith.constant 16 : i32
    %and3A_907 = vector.broadcast %and3A_906 : i32 to vector<32x128xi32>
    %and3A_908 = arith.andi %add3A, %and3A_907 : vector<32x128xi32>
    %eq3A_909 = arith.constant 0 : i32
    %eq3A_910 = vector.broadcast %eq3A_909 : i32 to vector<32x128xi32>
    %eq3A_911 = arith.cmpi eq, %and3A_908, %eq3A_910 : vector<32x128xi32>
    %roll3A_912 = arith.constant 112 : i32
    %roll3A_913 = tpu.dynamic_rotate %select_n3A_904 by %roll3A_912 dim 1 : vector<32x128xf32>, i32 -> vector<32x128xf32>
    %roll3A_914 = arith.constant 16 : i32
    %roll3A_915 = tpu.dynamic_rotate %select_n3A_904 by %roll3A_914 dim 1 : vector<32x128xf32>, i32 -> vector<32x128xf32>
    %select_n3A_916 = arith.select %eq3A_911, %roll3A_913, %roll3A_915 : vector<32x128xi1>, vector<32x128xf32>
    %roll3A_917 = arith.constant 112 : i32
    %roll3A_918 = tpu.dynamic_rotate %select_n3A_905 by %roll3A_917 dim 1 : vector<32x128xi32>, i32 -> vector<32x128xi32>
    %roll3A_919 = arith.constant 16 : i32
    %roll3A_920 = tpu.dynamic_rotate %select_n3A_905 by %roll3A_919 dim 1 : vector<32x128xi32>, i32 -> vector<32x128xi32>
    %select_n3A_921 = arith.select %eq3A_911, %roll3A_918, %roll3A_920 : vector<32x128xi1>, vector<32x128xi32>
    %gt3A_922 = arith.cmpf ogt, %select_n3A_916, %select_n3A_904 : vector<32x128xf32>
    %eq3A_923 = arith.cmpf oeq, %select_n3A_916, %select_n3A_904 : vector<32x128xf32>
    %lt3A_924 = arith.cmpi slt, %select_n3A_921, %select_n3A_905 : vector<32x128xi32>
    %and3A_925 = arith.andi %eq3A_923, %lt3A_924 : vector<32x128xi1>
    %or3A_926 = arith.ori %gt3A_922, %and3A_925 : vector<32x128xi1>
    %not3A_927 = arith.constant dense<true> : vector<32x128xi1>
    %not3A_928 = arith.xori %eq3A_911, %not3A_927 : vector<32x128xi1>
    %ne3A_929 = arith.xori %not3A_928, %eq3A_824 : vector<32x128xi1>
    %ne3A_930 = arith.xori %or3A_926, %ne3A_929 : vector<32x128xi1>
    %select_n3A_931 = arith.select %ne3A_930, %select_n3A_916, %select_n3A_904 : vector<32x128xi1>, vector<32x128xf32>
    %select_n3A_932 = arith.select %ne3A_930, %select_n3A_921, %select_n3A_905 : vector<32x128xi1>, vector<32x128xi32>
    %and3A_933 = arith.constant 8 : i32
    %and3A_934 = vector.broadcast %and3A_933 : i32 to vector<32x128xi32>
    %and3A_935 = arith.andi %add3A, %and3A_934 : vector<32x128xi32>
    %eq3A_936 = arith.constant 0 : i32
    %eq3A_937 = vector.broadcast %eq3A_936 : i32 to vector<32x128xi32>
    %eq3A_938 = arith.cmpi eq, %and3A_935, %eq3A_937 : vector<32x128xi32>
    %roll3A_939 = arith.constant 120 : i32
    %roll3A_940 = tpu.dynamic_rotate %select_n3A_931 by %roll3A_939 dim 1 : vector<32x128xf32>, i32 -> vector<32x128xf32>
    %roll3A_941 = arith.constant 8 : i32
    %roll3A_942 = tpu.dynamic_rotate %select_n3A_931 by %roll3A_941 dim 1 : vector<32x128xf32>, i32 -> vector<32x128xf32>
    %select_n3A_943 = arith.select %eq3A_938, %roll3A_940, %roll3A_942 : vector<32x128xi1>, vector<32x128xf32>
    %roll3A_944 = arith.constant 120 : i32
    %roll3A_945 = tpu.dynamic_rotate %select_n3A_932 by %roll3A_944 dim 1 : vector<32x128xi32>, i32 -> vector<32x128xi32>
    %roll3A_946 = arith.constant 8 : i32
    %roll3A_947 = tpu.dynamic_rotate %select_n3A_932 by %roll3A_946 dim 1 : vector<32x128xi32>, i32 -> vector<32x128xi32>
    %select_n3A_948 = arith.select %eq3A_938, %roll3A_945, %roll3A_947 : vector<32x128xi1>, vector<32x128xi32>
    %gt3A_949 = arith.cmpf ogt, %select_n3A_943, %select_n3A_931 : vector<32x128xf32>
    %eq3A_950 = arith.cmpf oeq, %select_n3A_943, %select_n3A_931 : vector<32x128xf32>
    %lt3A_951 = arith.cmpi slt, %select_n3A_948, %select_n3A_932 : vector<32x128xi32>
    %and3A_952 = arith.andi %eq3A_950, %lt3A_951 : vector<32x128xi1>
    %or3A_953 = arith.ori %gt3A_949, %and3A_952 : vector<32x128xi1>
    %not3A_954 = arith.constant dense<true> : vector<32x128xi1>
    %not3A_955 = arith.xori %eq3A_938, %not3A_954 : vector<32x128xi1>
    %ne3A_956 = arith.xori %not3A_955, %eq3A_824 : vector<32x128xi1>
    %ne3A_957 = arith.xori %or3A_953, %ne3A_956 : vector<32x128xi1>
    %select_n3A_958 = arith.select %ne3A_957, %select_n3A_943, %select_n3A_931 : vector<32x128xi1>, vector<32x128xf32>
    %select_n3A_959 = arith.select %ne3A_957, %select_n3A_948, %select_n3A_932 : vector<32x128xi1>, vector<32x128xi32>
    %and3A_960 = arith.constant 4 : i32
    %and3A_961 = vector.broadcast %and3A_960 : i32 to vector<32x128xi32>
    %and3A_962 = arith.andi %add3A, %and3A_961 : vector<32x128xi32>
    %eq3A_963 = arith.constant 0 : i32
    %eq3A_964 = vector.broadcast %eq3A_963 : i32 to vector<32x128xi32>
    %eq3A_965 = arith.cmpi eq, %and3A_962, %eq3A_964 : vector<32x128xi32>
    %roll3A_966 = arith.constant 124 : i32
    %roll3A_967 = tpu.dynamic_rotate %select_n3A_958 by %roll3A_966 dim 1 : vector<32x128xf32>, i32 -> vector<32x128xf32>
    %roll3A_968 = arith.constant 4 : i32
    %roll3A_969 = tpu.dynamic_rotate %select_n3A_958 by %roll3A_968 dim 1 : vector<32x128xf32>, i32 -> vector<32x128xf32>
    %select_n3A_970 = arith.select %eq3A_965, %roll3A_967, %roll3A_969 : vector<32x128xi1>, vector<32x128xf32>
    %roll3A_971 = arith.constant 124 : i32
    %roll3A_972 = tpu.dynamic_rotate %select_n3A_959 by %roll3A_971 dim 1 : vector<32x128xi32>, i32 -> vector<32x128xi32>
    %roll3A_973 = arith.constant 4 : i32
    %roll3A_974 = tpu.dynamic_rotate %select_n3A_959 by %roll3A_973 dim 1 : vector<32x128xi32>, i32 -> vector<32x128xi32>
    %select_n3A_975 = arith.select %eq3A_965, %roll3A_972, %roll3A_974 : vector<32x128xi1>, vector<32x128xi32>
    %gt3A_976 = arith.cmpf ogt, %select_n3A_970, %select_n3A_958 : vector<32x128xf32>
    %eq3A_977 = arith.cmpf oeq, %select_n3A_970, %select_n3A_958 : vector<32x128xf32>
    %lt3A_978 = arith.cmpi slt, %select_n3A_975, %select_n3A_959 : vector<32x128xi32>
    %and3A_979 = arith.andi %eq3A_977, %lt3A_978 : vector<32x128xi1>
    %or3A_980 = arith.ori %gt3A_976, %and3A_979 : vector<32x128xi1>
    %not3A_981 = arith.constant dense<true> : vector<32x128xi1>
    %not3A_982 = arith.xori %eq3A_965, %not3A_981 : vector<32x128xi1>
    %ne3A_983 = arith.xori %not3A_982, %eq3A_824 : vector<32x128xi1>
    %ne3A_984 = arith.xori %or3A_980, %ne3A_983 : vector<32x128xi1>
    %select_n3A_985 = arith.select %ne3A_984, %select_n3A_970, %select_n3A_958 : vector<32x128xi1>, vector<32x128xf32>
    %select_n3A_986 = arith.select %ne3A_984, %select_n3A_975, %select_n3A_959 : vector<32x128xi1>, vector<32x128xi32>
    %and3A_987 = arith.constant 2 : i32
    %and3A_988 = vector.broadcast %and3A_987 : i32 to vector<32x128xi32>
    %and3A_989 = arith.andi %add3A, %and3A_988 : vector<32x128xi32>
    %eq3A_990 = arith.constant 0 : i32
    %eq3A_991 = vector.broadcast %eq3A_990 : i32 to vector<32x128xi32>
    %eq3A_992 = arith.cmpi eq, %and3A_989, %eq3A_991 : vector<32x128xi32>
    %roll3A_993 = arith.constant 126 : i32
    %roll3A_994 = tpu.dynamic_rotate %select_n3A_985 by %roll3A_993 dim 1 : vector<32x128xf32>, i32 -> vector<32x128xf32>
    %roll3A_995 = arith.constant 2 : i32
    %roll3A_996 = tpu.dynamic_rotate %select_n3A_985 by %roll3A_995 dim 1 : vector<32x128xf32>, i32 -> vector<32x128xf32>
    %select_n3A_997 = arith.select %eq3A_992, %roll3A_994, %roll3A_996 : vector<32x128xi1>, vector<32x128xf32>
    %roll3A_998 = arith.constant 126 : i32
    %roll3A_999 = tpu.dynamic_rotate %select_n3A_986 by %roll3A_998 dim 1 : vector<32x128xi32>, i32 -> vector<32x128xi32>
    %roll3A_1000 = arith.constant 2 : i32
    %roll3A_1001 = tpu.dynamic_rotate %select_n3A_986 by %roll3A_1000 dim 1 : vector<32x128xi32>, i32 -> vector<32x128xi32>
    %select_n3A_1002 = arith.select %eq3A_992, %roll3A_999, %roll3A_1001 : vector<32x128xi1>, vector<32x128xi32>
    %gt3A_1003 = arith.cmpf ogt, %select_n3A_997, %select_n3A_985 : vector<32x128xf32>
    %eq3A_1004 = arith.cmpf oeq, %select_n3A_997, %select_n3A_985 : vector<32x128xf32>
    %lt3A_1005 = arith.cmpi slt, %select_n3A_1002, %select_n3A_986 : vector<32x128xi32>
    %and3A_1006 = arith.andi %eq3A_1004, %lt3A_1005 : vector<32x128xi1>
    %or3A_1007 = arith.ori %gt3A_1003, %and3A_1006 : vector<32x128xi1>
    %not3A_1008 = arith.constant dense<true> : vector<32x128xi1>
    %not3A_1009 = arith.xori %eq3A_992, %not3A_1008 : vector<32x128xi1>
    %ne3A_1010 = arith.xori %not3A_1009, %eq3A_824 : vector<32x128xi1>
    %ne3A_1011 = arith.xori %or3A_1007, %ne3A_1010 : vector<32x128xi1>
    %select_n3A_1012 = arith.select %ne3A_1011, %select_n3A_997, %select_n3A_985 : vector<32x128xi1>, vector<32x128xf32>
    %select_n3A_1013 = arith.select %ne3A_1011, %select_n3A_1002, %select_n3A_986 : vector<32x128xi1>, vector<32x128xi32>
    %and3A_1014 = arith.constant 1 : i32
    %and3A_1015 = vector.broadcast %and3A_1014 : i32 to vector<32x128xi32>
    %and3A_1016 = arith.andi %add3A, %and3A_1015 : vector<32x128xi32>
    %eq3A_1017 = arith.constant 0 : i32
    %eq3A_1018 = vector.broadcast %eq3A_1017 : i32 to vector<32x128xi32>
    %eq3A_1019 = arith.cmpi eq, %and3A_1016, %eq3A_1018 : vector<32x128xi32>
    %roll3A_1020 = arith.constant 127 : i32
    %roll3A_1021 = tpu.dynamic_rotate %select_n3A_1012 by %roll3A_1020 dim 1 : vector<32x128xf32>, i32 -> vector<32x128xf32>
    %roll3A_1022 = arith.constant 1 : i32
    %roll3A_1023 = tpu.dynamic_rotate %select_n3A_1012 by %roll3A_1022 dim 1 : vector<32x128xf32>, i32 -> vector<32x128xf32>
    %select_n3A_1024 = arith.select %eq3A_1019, %roll3A_1021, %roll3A_1023 : vector<32x128xi1>, vector<32x128xf32>
    %roll3A_1025 = arith.constant 127 : i32
    %roll3A_1026 = tpu.dynamic_rotate %select_n3A_1013 by %roll3A_1025 dim 1 : vector<32x128xi32>, i32 -> vector<32x128xi32>
    %roll3A_1027 = arith.constant 1 : i32
    %roll3A_1028 = tpu.dynamic_rotate %select_n3A_1013 by %roll3A_1027 dim 1 : vector<32x128xi32>, i32 -> vector<32x128xi32>
    %select_n3A_1029 = arith.select %eq3A_1019, %roll3A_1026, %roll3A_1028 : vector<32x128xi1>, vector<32x128xi32>
    %gt3A_1030 = arith.cmpf ogt, %select_n3A_1024, %select_n3A_1012 : vector<32x128xf32>
    %eq3A_1031 = arith.cmpf oeq, %select_n3A_1024, %select_n3A_1012 : vector<32x128xf32>
    %lt3A_1032 = arith.cmpi slt, %select_n3A_1029, %select_n3A_1013 : vector<32x128xi32>
    %and3A_1033 = arith.andi %eq3A_1031, %lt3A_1032 : vector<32x128xi1>
    %or3A_1034 = arith.ori %gt3A_1030, %and3A_1033 : vector<32x128xi1>
    %not3A_1035 = arith.constant dense<true> : vector<32x128xi1>
    %not3A_1036 = arith.xori %eq3A_1019, %not3A_1035 : vector<32x128xi1>
    %ne3A_1037 = arith.xori %not3A_1036, %eq3A_824 : vector<32x128xi1>
    %ne3A_1038 = arith.xori %or3A_1034, %ne3A_1037 : vector<32x128xi1>
    %select_n3A_1039 = arith.select %ne3A_1038, %select_n3A_1024, %select_n3A_1012 : vector<32x128xi1>, vector<32x128xf32>
    %select_n3A_1040 = arith.select %ne3A_1038, %select_n3A_1029, %select_n3A_1013 : vector<32x128xi1>, vector<32x128xi32>
    %shift_right_arithmetic3A_1041 = arith.constant 9 : i32
    %shift_right_arithmetic3A_1042 = vector.broadcast %shift_right_arithmetic3A_1041 : i32 to vector<32x128xi32>
    %shift_right_arithmetic3A_1043 = arith.shrsi %add3A, %shift_right_arithmetic3A_1042 : vector<32x128xi32>
    %and3A_1044 = arith.constant 1 : i32
    %and3A_1045 = vector.broadcast %and3A_1044 : i32 to vector<32x128xi32>
    %and3A_1046 = arith.andi %shift_right_arithmetic3A_1043, %and3A_1045 : vector<32x128xi32>
    %eq3A_1047 = arith.constant 1 : i32
    %eq3A_1048 = vector.broadcast %eq3A_1047 : i32 to vector<32x128xi32>
    %eq3A_1049 = arith.cmpi eq, %and3A_1046, %eq3A_1048 : vector<32x128xi32>
    %and3A_1050 = arith.constant 256 : i32
    %and3A_1051 = vector.broadcast %and3A_1050 : i32 to vector<32x128xi32>
    %and3A_1052 = arith.andi %add3A, %and3A_1051 : vector<32x128xi32>
    %eq3A_1053 = arith.constant 0 : i32
    %eq3A_1054 = vector.broadcast %eq3A_1053 : i32 to vector<32x128xi32>
    %eq3A_1055 = arith.cmpi eq, %and3A_1052, %eq3A_1054 : vector<32x128xi32>
    %roll3A_1056 = arith.constant 30 : i32
    %roll3A_1057 = tpu.dynamic_rotate %select_n3A_1039 by %roll3A_1056 dim 0 : vector<32x128xf32>, i32 -> vector<32x128xf32>
    %roll3A_1058 = arith.constant 2 : i32
    %roll3A_1059 = tpu.dynamic_rotate %select_n3A_1039 by %roll3A_1058 dim 0 : vector<32x128xf32>, i32 -> vector<32x128xf32>
    %select_n3A_1060 = arith.select %eq3A_1055, %roll3A_1057, %roll3A_1059 : vector<32x128xi1>, vector<32x128xf32>
    %roll3A_1061 = arith.constant 30 : i32
    %roll3A_1062 = tpu.dynamic_rotate %select_n3A_1040 by %roll3A_1061 dim 0 : vector<32x128xi32>, i32 -> vector<32x128xi32>
    %roll3A_1063 = arith.constant 2 : i32
    %roll3A_1064 = tpu.dynamic_rotate %select_n3A_1040 by %roll3A_1063 dim 0 : vector<32x128xi32>, i32 -> vector<32x128xi32>
    %select_n3A_1065 = arith.select %eq3A_1055, %roll3A_1062, %roll3A_1064 : vector<32x128xi1>, vector<32x128xi32>
    %gt3A_1066 = arith.cmpf ogt, %select_n3A_1060, %select_n3A_1039 : vector<32x128xf32>
    %eq3A_1067 = arith.cmpf oeq, %select_n3A_1060, %select_n3A_1039 : vector<32x128xf32>
    %lt3A_1068 = arith.cmpi slt, %select_n3A_1065, %select_n3A_1040 : vector<32x128xi32>
    %and3A_1069 = arith.andi %eq3A_1067, %lt3A_1068 : vector<32x128xi1>
    %or3A_1070 = arith.ori %gt3A_1066, %and3A_1069 : vector<32x128xi1>
    %not3A_1071 = arith.constant dense<true> : vector<32x128xi1>
    %not3A_1072 = arith.xori %eq3A_1055, %not3A_1071 : vector<32x128xi1>
    %ne3A_1073 = arith.xori %not3A_1072, %eq3A_1049 : vector<32x128xi1>
    %ne3A_1074 = arith.xori %or3A_1070, %ne3A_1073 : vector<32x128xi1>
    %select_n3A_1075 = arith.select %ne3A_1074, %select_n3A_1060, %select_n3A_1039 : vector<32x128xi1>, vector<32x128xf32>
    %select_n3A_1076 = arith.select %ne3A_1074, %select_n3A_1065, %select_n3A_1040 : vector<32x128xi1>, vector<32x128xi32>
    %and3A_1077 = arith.constant 128 : i32
    %and3A_1078 = vector.broadcast %and3A_1077 : i32 to vector<32x128xi32>
    %and3A_1079 = arith.andi %add3A, %and3A_1078 : vector<32x128xi32>
    %eq3A_1080 = arith.constant 0 : i32
    %eq3A_1081 = vector.broadcast %eq3A_1080 : i32 to vector<32x128xi32>
    %eq3A_1082 = arith.cmpi eq, %and3A_1079, %eq3A_1081 : vector<32x128xi32>
    %roll3A_1083 = arith.constant 31 : i32
    %roll3A_1084 = tpu.dynamic_rotate %select_n3A_1075 by %roll3A_1083 dim 0 : vector<32x128xf32>, i32 -> vector<32x128xf32>
    %roll3A_1085 = arith.constant 1 : i32
    %roll3A_1086 = tpu.dynamic_rotate %select_n3A_1075 by %roll3A_1085 dim 0 : vector<32x128xf32>, i32 -> vector<32x128xf32>
    %select_n3A_1087 = arith.select %eq3A_1082, %roll3A_1084, %roll3A_1086 : vector<32x128xi1>, vector<32x128xf32>
    %roll3A_1088 = arith.constant 31 : i32
    %roll3A_1089 = tpu.dynamic_rotate %select_n3A_1076 by %roll3A_1088 dim 0 : vector<32x128xi32>, i32 -> vector<32x128xi32>
    %roll3A_1090 = arith.constant 1 : i32
    %roll3A_1091 = tpu.dynamic_rotate %select_n3A_1076 by %roll3A_1090 dim 0 : vector<32x128xi32>, i32 -> vector<32x128xi32>
    %select_n3A_1092 = arith.select %eq3A_1082, %roll3A_1089, %roll3A_1091 : vector<32x128xi1>, vector<32x128xi32>
    %gt3A_1093 = arith.cmpf ogt, %select_n3A_1087, %select_n3A_1075 : vector<32x128xf32>
    %eq3A_1094 = arith.cmpf oeq, %select_n3A_1087, %select_n3A_1075 : vector<32x128xf32>
    %lt3A_1095 = arith.cmpi slt, %select_n3A_1092, %select_n3A_1076 : vector<32x128xi32>
    %and3A_1096 = arith.andi %eq3A_1094, %lt3A_1095 : vector<32x128xi1>
    %or3A_1097 = arith.ori %gt3A_1093, %and3A_1096 : vector<32x128xi1>
    %not3A_1098 = arith.constant dense<true> : vector<32x128xi1>
    %not3A_1099 = arith.xori %eq3A_1082, %not3A_1098 : vector<32x128xi1>
    %ne3A_1100 = arith.xori %not3A_1099, %eq3A_1049 : vector<32x128xi1>
    %ne3A_1101 = arith.xori %or3A_1097, %ne3A_1100 : vector<32x128xi1>
    %select_n3A_1102 = arith.select %ne3A_1101, %select_n3A_1087, %select_n3A_1075 : vector<32x128xi1>, vector<32x128xf32>
    %select_n3A_1103 = arith.select %ne3A_1101, %select_n3A_1092, %select_n3A_1076 : vector<32x128xi1>, vector<32x128xi32>
    %and3A_1104 = arith.constant 64 : i32
    %and3A_1105 = vector.broadcast %and3A_1104 : i32 to vector<32x128xi32>
    %and3A_1106 = arith.andi %add3A, %and3A_1105 : vector<32x128xi32>
    %eq3A_1107 = arith.constant 0 : i32
    %eq3A_1108 = vector.broadcast %eq3A_1107 : i32 to vector<32x128xi32>
    %eq3A_1109 = arith.cmpi eq, %and3A_1106, %eq3A_1108 : vector<32x128xi32>
    %roll3A_1110 = arith.constant 64 : i32
    %roll3A_1111 = tpu.dynamic_rotate %select_n3A_1102 by %roll3A_1110 dim 1 : vector<32x128xf32>, i32 -> vector<32x128xf32>
    %roll3A_1112 = arith.constant 64 : i32
    %roll3A_1113 = tpu.dynamic_rotate %select_n3A_1102 by %roll3A_1112 dim 1 : vector<32x128xf32>, i32 -> vector<32x128xf32>
    %select_n3A_1114 = arith.select %eq3A_1109, %roll3A_1111, %roll3A_1113 : vector<32x128xi1>, vector<32x128xf32>
    %roll3A_1115 = arith.constant 64 : i32
    %roll3A_1116 = tpu.dynamic_rotate %select_n3A_1103 by %roll3A_1115 dim 1 : vector<32x128xi32>, i32 -> vector<32x128xi32>
    %roll3A_1117 = arith.constant 64 : i32
    %roll3A_1118 = tpu.dynamic_rotate %select_n3A_1103 by %roll3A_1117 dim 1 : vector<32x128xi32>, i32 -> vector<32x128xi32>
    %select_n3A_1119 = arith.select %eq3A_1109, %roll3A_1116, %roll3A_1118 : vector<32x128xi1>, vector<32x128xi32>
    %gt3A_1120 = arith.cmpf ogt, %select_n3A_1114, %select_n3A_1102 : vector<32x128xf32>
    %eq3A_1121 = arith.cmpf oeq, %select_n3A_1114, %select_n3A_1102 : vector<32x128xf32>
    %lt3A_1122 = arith.cmpi slt, %select_n3A_1119, %select_n3A_1103 : vector<32x128xi32>
    %and3A_1123 = arith.andi %eq3A_1121, %lt3A_1122 : vector<32x128xi1>
    %or3A_1124 = arith.ori %gt3A_1120, %and3A_1123 : vector<32x128xi1>
    %not3A_1125 = arith.constant dense<true> : vector<32x128xi1>
    %not3A_1126 = arith.xori %eq3A_1109, %not3A_1125 : vector<32x128xi1>
    %ne3A_1127 = arith.xori %not3A_1126, %eq3A_1049 : vector<32x128xi1>
    %ne3A_1128 = arith.xori %or3A_1124, %ne3A_1127 : vector<32x128xi1>
    %select_n3A_1129 = arith.select %ne3A_1128, %select_n3A_1114, %select_n3A_1102 : vector<32x128xi1>, vector<32x128xf32>
    %select_n3A_1130 = arith.select %ne3A_1128, %select_n3A_1119, %select_n3A_1103 : vector<32x128xi1>, vector<32x128xi32>
    %and3A_1131 = arith.constant 32 : i32
    %and3A_1132 = vector.broadcast %and3A_1131 : i32 to vector<32x128xi32>
    %and3A_1133 = arith.andi %add3A, %and3A_1132 : vector<32x128xi32>
    %eq3A_1134 = arith.constant 0 : i32
    %eq3A_1135 = vector.broadcast %eq3A_1134 : i32 to vector<32x128xi32>
    %eq3A_1136 = arith.cmpi eq, %and3A_1133, %eq3A_1135 : vector<32x128xi32>
    %roll3A_1137 = arith.constant 96 : i32
    %roll3A_1138 = tpu.dynamic_rotate %select_n3A_1129 by %roll3A_1137 dim 1 : vector<32x128xf32>, i32 -> vector<32x128xf32>
    %roll3A_1139 = arith.constant 32 : i32
    %roll3A_1140 = tpu.dynamic_rotate %select_n3A_1129 by %roll3A_1139 dim 1 : vector<32x128xf32>, i32 -> vector<32x128xf32>
    %select_n3A_1141 = arith.select %eq3A_1136, %roll3A_1138, %roll3A_1140 : vector<32x128xi1>, vector<32x128xf32>
    %roll3A_1142 = arith.constant 96 : i32
    %roll3A_1143 = tpu.dynamic_rotate %select_n3A_1130 by %roll3A_1142 dim 1 : vector<32x128xi32>, i32 -> vector<32x128xi32>
    %roll3A_1144 = arith.constant 32 : i32
    %roll3A_1145 = tpu.dynamic_rotate %select_n3A_1130 by %roll3A_1144 dim 1 : vector<32x128xi32>, i32 -> vector<32x128xi32>
    %select_n3A_1146 = arith.select %eq3A_1136, %roll3A_1143, %roll3A_1145 : vector<32x128xi1>, vector<32x128xi32>
    %gt3A_1147 = arith.cmpf ogt, %select_n3A_1141, %select_n3A_1129 : vector<32x128xf32>
    %eq3A_1148 = arith.cmpf oeq, %select_n3A_1141, %select_n3A_1129 : vector<32x128xf32>
    %lt3A_1149 = arith.cmpi slt, %select_n3A_1146, %select_n3A_1130 : vector<32x128xi32>
    %and3A_1150 = arith.andi %eq3A_1148, %lt3A_1149 : vector<32x128xi1>
    %or3A_1151 = arith.ori %gt3A_1147, %and3A_1150 : vector<32x128xi1>
    %not3A_1152 = arith.constant dense<true> : vector<32x128xi1>
    %not3A_1153 = arith.xori %eq3A_1136, %not3A_1152 : vector<32x128xi1>
    %ne3A_1154 = arith.xori %not3A_1153, %eq3A_1049 : vector<32x128xi1>
    %ne3A_1155 = arith.xori %or3A_1151, %ne3A_1154 : vector<32x128xi1>
    %select_n3A_1156 = arith.select %ne3A_1155, %select_n3A_1141, %select_n3A_1129 : vector<32x128xi1>, vector<32x128xf32>
    %select_n3A_1157 = arith.select %ne3A_1155, %select_n3A_1146, %select_n3A_1130 : vector<32x128xi1>, vector<32x128xi32>
    %and3A_1158 = arith.constant 16 : i32
    %and3A_1159 = vector.broadcast %and3A_1158 : i32 to vector<32x128xi32>
    %and3A_1160 = arith.andi %add3A, %and3A_1159 : vector<32x128xi32>
    %eq3A_1161 = arith.constant 0 : i32
    %eq3A_1162 = vector.broadcast %eq3A_1161 : i32 to vector<32x128xi32>
    %eq3A_1163 = arith.cmpi eq, %and3A_1160, %eq3A_1162 : vector<32x128xi32>
    %roll3A_1164 = arith.constant 112 : i32
    %roll3A_1165 = tpu.dynamic_rotate %select_n3A_1156 by %roll3A_1164 dim 1 : vector<32x128xf32>, i32 -> vector<32x128xf32>
    %roll3A_1166 = arith.constant 16 : i32
    %roll3A_1167 = tpu.dynamic_rotate %select_n3A_1156 by %roll3A_1166 dim 1 : vector<32x128xf32>, i32 -> vector<32x128xf32>
    %select_n3A_1168 = arith.select %eq3A_1163, %roll3A_1165, %roll3A_1167 : vector<32x128xi1>, vector<32x128xf32>
    %roll3A_1169 = arith.constant 112 : i32
    %roll3A_1170 = tpu.dynamic_rotate %select_n3A_1157 by %roll3A_1169 dim 1 : vector<32x128xi32>, i32 -> vector<32x128xi32>
    %roll3A_1171 = arith.constant 16 : i32
    %roll3A_1172 = tpu.dynamic_rotate %select_n3A_1157 by %roll3A_1171 dim 1 : vector<32x128xi32>, i32 -> vector<32x128xi32>
    %select_n3A_1173 = arith.select %eq3A_1163, %roll3A_1170, %roll3A_1172 : vector<32x128xi1>, vector<32x128xi32>
    %gt3A_1174 = arith.cmpf ogt, %select_n3A_1168, %select_n3A_1156 : vector<32x128xf32>
    %eq3A_1175 = arith.cmpf oeq, %select_n3A_1168, %select_n3A_1156 : vector<32x128xf32>
    %lt3A_1176 = arith.cmpi slt, %select_n3A_1173, %select_n3A_1157 : vector<32x128xi32>
    %and3A_1177 = arith.andi %eq3A_1175, %lt3A_1176 : vector<32x128xi1>
    %or3A_1178 = arith.ori %gt3A_1174, %and3A_1177 : vector<32x128xi1>
    %not3A_1179 = arith.constant dense<true> : vector<32x128xi1>
    %not3A_1180 = arith.xori %eq3A_1163, %not3A_1179 : vector<32x128xi1>
    %ne3A_1181 = arith.xori %not3A_1180, %eq3A_1049 : vector<32x128xi1>
    %ne3A_1182 = arith.xori %or3A_1178, %ne3A_1181 : vector<32x128xi1>
    %select_n3A_1183 = arith.select %ne3A_1182, %select_n3A_1168, %select_n3A_1156 : vector<32x128xi1>, vector<32x128xf32>
    %select_n3A_1184 = arith.select %ne3A_1182, %select_n3A_1173, %select_n3A_1157 : vector<32x128xi1>, vector<32x128xi32>
    %and3A_1185 = arith.constant 8 : i32
    %and3A_1186 = vector.broadcast %and3A_1185 : i32 to vector<32x128xi32>
    %and3A_1187 = arith.andi %add3A, %and3A_1186 : vector<32x128xi32>
    %eq3A_1188 = arith.constant 0 : i32
    %eq3A_1189 = vector.broadcast %eq3A_1188 : i32 to vector<32x128xi32>
    %eq3A_1190 = arith.cmpi eq, %and3A_1187, %eq3A_1189 : vector<32x128xi32>
    %roll3A_1191 = arith.constant 120 : i32
    %roll3A_1192 = tpu.dynamic_rotate %select_n3A_1183 by %roll3A_1191 dim 1 : vector<32x128xf32>, i32 -> vector<32x128xf32>
    %roll3A_1193 = arith.constant 8 : i32
    %roll3A_1194 = tpu.dynamic_rotate %select_n3A_1183 by %roll3A_1193 dim 1 : vector<32x128xf32>, i32 -> vector<32x128xf32>
    %select_n3A_1195 = arith.select %eq3A_1190, %roll3A_1192, %roll3A_1194 : vector<32x128xi1>, vector<32x128xf32>
    %roll3A_1196 = arith.constant 120 : i32
    %roll3A_1197 = tpu.dynamic_rotate %select_n3A_1184 by %roll3A_1196 dim 1 : vector<32x128xi32>, i32 -> vector<32x128xi32>
    %roll3A_1198 = arith.constant 8 : i32
    %roll3A_1199 = tpu.dynamic_rotate %select_n3A_1184 by %roll3A_1198 dim 1 : vector<32x128xi32>, i32 -> vector<32x128xi32>
    %select_n3A_1200 = arith.select %eq3A_1190, %roll3A_1197, %roll3A_1199 : vector<32x128xi1>, vector<32x128xi32>
    %gt3A_1201 = arith.cmpf ogt, %select_n3A_1195, %select_n3A_1183 : vector<32x128xf32>
    %eq3A_1202 = arith.cmpf oeq, %select_n3A_1195, %select_n3A_1183 : vector<32x128xf32>
    %lt3A_1203 = arith.cmpi slt, %select_n3A_1200, %select_n3A_1184 : vector<32x128xi32>
    %and3A_1204 = arith.andi %eq3A_1202, %lt3A_1203 : vector<32x128xi1>
    %or3A_1205 = arith.ori %gt3A_1201, %and3A_1204 : vector<32x128xi1>
    %not3A_1206 = arith.constant dense<true> : vector<32x128xi1>
    %not3A_1207 = arith.xori %eq3A_1190, %not3A_1206 : vector<32x128xi1>
    %ne3A_1208 = arith.xori %not3A_1207, %eq3A_1049 : vector<32x128xi1>
    %ne3A_1209 = arith.xori %or3A_1205, %ne3A_1208 : vector<32x128xi1>
    %select_n3A_1210 = arith.select %ne3A_1209, %select_n3A_1195, %select_n3A_1183 : vector<32x128xi1>, vector<32x128xf32>
    %select_n3A_1211 = arith.select %ne3A_1209, %select_n3A_1200, %select_n3A_1184 : vector<32x128xi1>, vector<32x128xi32>
    %and3A_1212 = arith.constant 4 : i32
    %and3A_1213 = vector.broadcast %and3A_1212 : i32 to vector<32x128xi32>
    %and3A_1214 = arith.andi %add3A, %and3A_1213 : vector<32x128xi32>
    %eq3A_1215 = arith.constant 0 : i32
    %eq3A_1216 = vector.broadcast %eq3A_1215 : i32 to vector<32x128xi32>
    %eq3A_1217 = arith.cmpi eq, %and3A_1214, %eq3A_1216 : vector<32x128xi32>
    %roll3A_1218 = arith.constant 124 : i32
    %roll3A_1219 = tpu.dynamic_rotate %select_n3A_1210 by %roll3A_1218 dim 1 : vector<32x128xf32>, i32 -> vector<32x128xf32>
    %roll3A_1220 = arith.constant 4 : i32
    %roll3A_1221 = tpu.dynamic_rotate %select_n3A_1210 by %roll3A_1220 dim 1 : vector<32x128xf32>, i32 -> vector<32x128xf32>
    %select_n3A_1222 = arith.select %eq3A_1217, %roll3A_1219, %roll3A_1221 : vector<32x128xi1>, vector<32x128xf32>
    %roll3A_1223 = arith.constant 124 : i32
    %roll3A_1224 = tpu.dynamic_rotate %select_n3A_1211 by %roll3A_1223 dim 1 : vector<32x128xi32>, i32 -> vector<32x128xi32>
    %roll3A_1225 = arith.constant 4 : i32
    %roll3A_1226 = tpu.dynamic_rotate %select_n3A_1211 by %roll3A_1225 dim 1 : vector<32x128xi32>, i32 -> vector<32x128xi32>
    %select_n3A_1227 = arith.select %eq3A_1217, %roll3A_1224, %roll3A_1226 : vector<32x128xi1>, vector<32x128xi32>
    %gt3A_1228 = arith.cmpf ogt, %select_n3A_1222, %select_n3A_1210 : vector<32x128xf32>
    %eq3A_1229 = arith.cmpf oeq, %select_n3A_1222, %select_n3A_1210 : vector<32x128xf32>
    %lt3A_1230 = arith.cmpi slt, %select_n3A_1227, %select_n3A_1211 : vector<32x128xi32>
    %and3A_1231 = arith.andi %eq3A_1229, %lt3A_1230 : vector<32x128xi1>
    %or3A_1232 = arith.ori %gt3A_1228, %and3A_1231 : vector<32x128xi1>
    %not3A_1233 = arith.constant dense<true> : vector<32x128xi1>
    %not3A_1234 = arith.xori %eq3A_1217, %not3A_1233 : vector<32x128xi1>
    %ne3A_1235 = arith.xori %not3A_1234, %eq3A_1049 : vector<32x128xi1>
    %ne3A_1236 = arith.xori %or3A_1232, %ne3A_1235 : vector<32x128xi1>
    %select_n3A_1237 = arith.select %ne3A_1236, %select_n3A_1222, %select_n3A_1210 : vector<32x128xi1>, vector<32x128xf32>
    %select_n3A_1238 = arith.select %ne3A_1236, %select_n3A_1227, %select_n3A_1211 : vector<32x128xi1>, vector<32x128xi32>
    %and3A_1239 = arith.constant 2 : i32
    %and3A_1240 = vector.broadcast %and3A_1239 : i32 to vector<32x128xi32>
    %and3A_1241 = arith.andi %add3A, %and3A_1240 : vector<32x128xi32>
    %eq3A_1242 = arith.constant 0 : i32
    %eq3A_1243 = vector.broadcast %eq3A_1242 : i32 to vector<32x128xi32>
    %eq3A_1244 = arith.cmpi eq, %and3A_1241, %eq3A_1243 : vector<32x128xi32>
    %roll3A_1245 = arith.constant 126 : i32
    %roll3A_1246 = tpu.dynamic_rotate %select_n3A_1237 by %roll3A_1245 dim 1 : vector<32x128xf32>, i32 -> vector<32x128xf32>
    %roll3A_1247 = arith.constant 2 : i32
    %roll3A_1248 = tpu.dynamic_rotate %select_n3A_1237 by %roll3A_1247 dim 1 : vector<32x128xf32>, i32 -> vector<32x128xf32>
    %select_n3A_1249 = arith.select %eq3A_1244, %roll3A_1246, %roll3A_1248 : vector<32x128xi1>, vector<32x128xf32>
    %roll3A_1250 = arith.constant 126 : i32
    %roll3A_1251 = tpu.dynamic_rotate %select_n3A_1238 by %roll3A_1250 dim 1 : vector<32x128xi32>, i32 -> vector<32x128xi32>
    %roll3A_1252 = arith.constant 2 : i32
    %roll3A_1253 = tpu.dynamic_rotate %select_n3A_1238 by %roll3A_1252 dim 1 : vector<32x128xi32>, i32 -> vector<32x128xi32>
    %select_n3A_1254 = arith.select %eq3A_1244, %roll3A_1251, %roll3A_1253 : vector<32x128xi1>, vector<32x128xi32>
    %gt3A_1255 = arith.cmpf ogt, %select_n3A_1249, %select_n3A_1237 : vector<32x128xf32>
    %eq3A_1256 = arith.cmpf oeq, %select_n3A_1249, %select_n3A_1237 : vector<32x128xf32>
    %lt3A_1257 = arith.cmpi slt, %select_n3A_1254, %select_n3A_1238 : vector<32x128xi32>
    %and3A_1258 = arith.andi %eq3A_1256, %lt3A_1257 : vector<32x128xi1>
    %or3A_1259 = arith.ori %gt3A_1255, %and3A_1258 : vector<32x128xi1>
    %not3A_1260 = arith.constant dense<true> : vector<32x128xi1>
    %not3A_1261 = arith.xori %eq3A_1244, %not3A_1260 : vector<32x128xi1>
    %ne3A_1262 = arith.xori %not3A_1261, %eq3A_1049 : vector<32x128xi1>
    %ne3A_1263 = arith.xori %or3A_1259, %ne3A_1262 : vector<32x128xi1>
    %select_n3A_1264 = arith.select %ne3A_1263, %select_n3A_1249, %select_n3A_1237 : vector<32x128xi1>, vector<32x128xf32>
    %select_n3A_1265 = arith.select %ne3A_1263, %select_n3A_1254, %select_n3A_1238 : vector<32x128xi1>, vector<32x128xi32>
    %and3A_1266 = arith.constant 1 : i32
    %and3A_1267 = vector.broadcast %and3A_1266 : i32 to vector<32x128xi32>
    %and3A_1268 = arith.andi %add3A, %and3A_1267 : vector<32x128xi32>
    %eq3A_1269 = arith.constant 0 : i32
    %eq3A_1270 = vector.broadcast %eq3A_1269 : i32 to vector<32x128xi32>
    %eq3A_1271 = arith.cmpi eq, %and3A_1268, %eq3A_1270 : vector<32x128xi32>
    %roll3A_1272 = arith.constant 127 : i32
    %roll3A_1273 = tpu.dynamic_rotate %select_n3A_1264 by %roll3A_1272 dim 1 : vector<32x128xf32>, i32 -> vector<32x128xf32>
    %roll3A_1274 = arith.constant 1 : i32
    %roll3A_1275 = tpu.dynamic_rotate %select_n3A_1264 by %roll3A_1274 dim 1 : vector<32x128xf32>, i32 -> vector<32x128xf32>
    %select_n3A_1276 = arith.select %eq3A_1271, %roll3A_1273, %roll3A_1275 : vector<32x128xi1>, vector<32x128xf32>
    %roll3A_1277 = arith.constant 127 : i32
    %roll3A_1278 = tpu.dynamic_rotate %select_n3A_1265 by %roll3A_1277 dim 1 : vector<32x128xi32>, i32 -> vector<32x128xi32>
    %roll3A_1279 = arith.constant 1 : i32
    %roll3A_1280 = tpu.dynamic_rotate %select_n3A_1265 by %roll3A_1279 dim 1 : vector<32x128xi32>, i32 -> vector<32x128xi32>
    %select_n3A_1281 = arith.select %eq3A_1271, %roll3A_1278, %roll3A_1280 : vector<32x128xi1>, vector<32x128xi32>
    %gt3A_1282 = arith.cmpf ogt, %select_n3A_1276, %select_n3A_1264 : vector<32x128xf32>
    %eq3A_1283 = arith.cmpf oeq, %select_n3A_1276, %select_n3A_1264 : vector<32x128xf32>
    %lt3A_1284 = arith.cmpi slt, %select_n3A_1281, %select_n3A_1265 : vector<32x128xi32>
    %and3A_1285 = arith.andi %eq3A_1283, %lt3A_1284 : vector<32x128xi1>
    %or3A_1286 = arith.ori %gt3A_1282, %and3A_1285 : vector<32x128xi1>
    %not3A_1287 = arith.constant dense<true> : vector<32x128xi1>
    %not3A_1288 = arith.xori %eq3A_1271, %not3A_1287 : vector<32x128xi1>
    %ne3A_1289 = arith.xori %not3A_1288, %eq3A_1049 : vector<32x128xi1>
    %ne3A_1290 = arith.xori %or3A_1286, %ne3A_1289 : vector<32x128xi1>
    %select_n3A_1291 = arith.select %ne3A_1290, %select_n3A_1276, %select_n3A_1264 : vector<32x128xi1>, vector<32x128xf32>
    %select_n3A_1292 = arith.select %ne3A_1290, %select_n3A_1281, %select_n3A_1265 : vector<32x128xi1>, vector<32x128xi32>
    %shift_right_arithmetic3A_1293 = arith.constant 10 : i32
    %shift_right_arithmetic3A_1294 = vector.broadcast %shift_right_arithmetic3A_1293 : i32 to vector<32x128xi32>
    %shift_right_arithmetic3A_1295 = arith.shrsi %add3A, %shift_right_arithmetic3A_1294 : vector<32x128xi32>
    %and3A_1296 = arith.constant 1 : i32
    %and3A_1297 = vector.broadcast %and3A_1296 : i32 to vector<32x128xi32>
    %and3A_1298 = arith.andi %shift_right_arithmetic3A_1295, %and3A_1297 : vector<32x128xi32>
    %eq3A_1299 = arith.constant 1 : i32
    %eq3A_1300 = vector.broadcast %eq3A_1299 : i32 to vector<32x128xi32>
    %eq3A_1301 = arith.cmpi eq, %and3A_1298, %eq3A_1300 : vector<32x128xi32>
    %and3A_1302 = arith.constant 512 : i32
    %and3A_1303 = vector.broadcast %and3A_1302 : i32 to vector<32x128xi32>
    %and3A_1304 = arith.andi %add3A, %and3A_1303 : vector<32x128xi32>
    %eq3A_1305 = arith.constant 0 : i32
    %eq3A_1306 = vector.broadcast %eq3A_1305 : i32 to vector<32x128xi32>
    %eq3A_1307 = arith.cmpi eq, %and3A_1304, %eq3A_1306 : vector<32x128xi32>
    %roll3A_1308 = arith.constant 28 : i32
    %roll3A_1309 = tpu.dynamic_rotate %select_n3A_1291 by %roll3A_1308 dim 0 : vector<32x128xf32>, i32 -> vector<32x128xf32>
    %roll3A_1310 = arith.constant 4 : i32
    %roll3A_1311 = tpu.dynamic_rotate %select_n3A_1291 by %roll3A_1310 dim 0 : vector<32x128xf32>, i32 -> vector<32x128xf32>
    %select_n3A_1312 = arith.select %eq3A_1307, %roll3A_1309, %roll3A_1311 : vector<32x128xi1>, vector<32x128xf32>
    %roll3A_1313 = arith.constant 28 : i32
    %roll3A_1314 = tpu.dynamic_rotate %select_n3A_1292 by %roll3A_1313 dim 0 : vector<32x128xi32>, i32 -> vector<32x128xi32>
    %roll3A_1315 = arith.constant 4 : i32
    %roll3A_1316 = tpu.dynamic_rotate %select_n3A_1292 by %roll3A_1315 dim 0 : vector<32x128xi32>, i32 -> vector<32x128xi32>
    %select_n3A_1317 = arith.select %eq3A_1307, %roll3A_1314, %roll3A_1316 : vector<32x128xi1>, vector<32x128xi32>
    %gt3A_1318 = arith.cmpf ogt, %select_n3A_1312, %select_n3A_1291 : vector<32x128xf32>
    %eq3A_1319 = arith.cmpf oeq, %select_n3A_1312, %select_n3A_1291 : vector<32x128xf32>
    %lt3A_1320 = arith.cmpi slt, %select_n3A_1317, %select_n3A_1292 : vector<32x128xi32>
    %and3A_1321 = arith.andi %eq3A_1319, %lt3A_1320 : vector<32x128xi1>
    %or3A_1322 = arith.ori %gt3A_1318, %and3A_1321 : vector<32x128xi1>
    %not3A_1323 = arith.constant dense<true> : vector<32x128xi1>
    %not3A_1324 = arith.xori %eq3A_1307, %not3A_1323 : vector<32x128xi1>
    %ne3A_1325 = arith.xori %not3A_1324, %eq3A_1301 : vector<32x128xi1>
    %ne3A_1326 = arith.xori %or3A_1322, %ne3A_1325 : vector<32x128xi1>
    %select_n3A_1327 = arith.select %ne3A_1326, %select_n3A_1312, %select_n3A_1291 : vector<32x128xi1>, vector<32x128xf32>
    %select_n3A_1328 = arith.select %ne3A_1326, %select_n3A_1317, %select_n3A_1292 : vector<32x128xi1>, vector<32x128xi32>
    %and3A_1329 = arith.constant 256 : i32
    %and3A_1330 = vector.broadcast %and3A_1329 : i32 to vector<32x128xi32>
    %and3A_1331 = arith.andi %add3A, %and3A_1330 : vector<32x128xi32>
    %eq3A_1332 = arith.constant 0 : i32
    %eq3A_1333 = vector.broadcast %eq3A_1332 : i32 to vector<32x128xi32>
    %eq3A_1334 = arith.cmpi eq, %and3A_1331, %eq3A_1333 : vector<32x128xi32>
    %roll3A_1335 = arith.constant 30 : i32
    %roll3A_1336 = tpu.dynamic_rotate %select_n3A_1327 by %roll3A_1335 dim 0 : vector<32x128xf32>, i32 -> vector<32x128xf32>
    %roll3A_1337 = arith.constant 2 : i32
    %roll3A_1338 = tpu.dynamic_rotate %select_n3A_1327 by %roll3A_1337 dim 0 : vector<32x128xf32>, i32 -> vector<32x128xf32>
    %select_n3A_1339 = arith.select %eq3A_1334, %roll3A_1336, %roll3A_1338 : vector<32x128xi1>, vector<32x128xf32>
    %roll3A_1340 = arith.constant 30 : i32
    %roll3A_1341 = tpu.dynamic_rotate %select_n3A_1328 by %roll3A_1340 dim 0 : vector<32x128xi32>, i32 -> vector<32x128xi32>
    %roll3A_1342 = arith.constant 2 : i32
    %roll3A_1343 = tpu.dynamic_rotate %select_n3A_1328 by %roll3A_1342 dim 0 : vector<32x128xi32>, i32 -> vector<32x128xi32>
    %select_n3A_1344 = arith.select %eq3A_1334, %roll3A_1341, %roll3A_1343 : vector<32x128xi1>, vector<32x128xi32>
    %gt3A_1345 = arith.cmpf ogt, %select_n3A_1339, %select_n3A_1327 : vector<32x128xf32>
    %eq3A_1346 = arith.cmpf oeq, %select_n3A_1339, %select_n3A_1327 : vector<32x128xf32>
    %lt3A_1347 = arith.cmpi slt, %select_n3A_1344, %select_n3A_1328 : vector<32x128xi32>
    %and3A_1348 = arith.andi %eq3A_1346, %lt3A_1347 : vector<32x128xi1>
    %or3A_1349 = arith.ori %gt3A_1345, %and3A_1348 : vector<32x128xi1>
    %not3A_1350 = arith.constant dense<true> : vector<32x128xi1>
    %not3A_1351 = arith.xori %eq3A_1334, %not3A_1350 : vector<32x128xi1>
    %ne3A_1352 = arith.xori %not3A_1351, %eq3A_1301 : vector<32x128xi1>
    %ne3A_1353 = arith.xori %or3A_1349, %ne3A_1352 : vector<32x128xi1>
    %select_n3A_1354 = arith.select %ne3A_1353, %select_n3A_1339, %select_n3A_1327 : vector<32x128xi1>, vector<32x128xf32>
    %select_n3A_1355 = arith.select %ne3A_1353, %select_n3A_1344, %select_n3A_1328 : vector<32x128xi1>, vector<32x128xi32>
    %and3A_1356 = arith.constant 128 : i32
    %and3A_1357 = vector.broadcast %and3A_1356 : i32 to vector<32x128xi32>
    %and3A_1358 = arith.andi %add3A, %and3A_1357 : vector<32x128xi32>
    %eq3A_1359 = arith.constant 0 : i32
    %eq3A_1360 = vector.broadcast %eq3A_1359 : i32 to vector<32x128xi32>
    %eq3A_1361 = arith.cmpi eq, %and3A_1358, %eq3A_1360 : vector<32x128xi32>
    %roll3A_1362 = arith.constant 31 : i32
    %roll3A_1363 = tpu.dynamic_rotate %select_n3A_1354 by %roll3A_1362 dim 0 : vector<32x128xf32>, i32 -> vector<32x128xf32>
    %roll3A_1364 = arith.constant 1 : i32
    %roll3A_1365 = tpu.dynamic_rotate %select_n3A_1354 by %roll3A_1364 dim 0 : vector<32x128xf32>, i32 -> vector<32x128xf32>
    %select_n3A_1366 = arith.select %eq3A_1361, %roll3A_1363, %roll3A_1365 : vector<32x128xi1>, vector<32x128xf32>
    %roll3A_1367 = arith.constant 31 : i32
    %roll3A_1368 = tpu.dynamic_rotate %select_n3A_1355 by %roll3A_1367 dim 0 : vector<32x128xi32>, i32 -> vector<32x128xi32>
    %roll3A_1369 = arith.constant 1 : i32
    %roll3A_1370 = tpu.dynamic_rotate %select_n3A_1355 by %roll3A_1369 dim 0 : vector<32x128xi32>, i32 -> vector<32x128xi32>
    %select_n3A_1371 = arith.select %eq3A_1361, %roll3A_1368, %roll3A_1370 : vector<32x128xi1>, vector<32x128xi32>
    %gt3A_1372 = arith.cmpf ogt, %select_n3A_1366, %select_n3A_1354 : vector<32x128xf32>
    %eq3A_1373 = arith.cmpf oeq, %select_n3A_1366, %select_n3A_1354 : vector<32x128xf32>
    %lt3A_1374 = arith.cmpi slt, %select_n3A_1371, %select_n3A_1355 : vector<32x128xi32>
    %and3A_1375 = arith.andi %eq3A_1373, %lt3A_1374 : vector<32x128xi1>
    %or3A_1376 = arith.ori %gt3A_1372, %and3A_1375 : vector<32x128xi1>
    %not3A_1377 = arith.constant dense<true> : vector<32x128xi1>
    %not3A_1378 = arith.xori %eq3A_1361, %not3A_1377 : vector<32x128xi1>
    %ne3A_1379 = arith.xori %not3A_1378, %eq3A_1301 : vector<32x128xi1>
    %ne3A_1380 = arith.xori %or3A_1376, %ne3A_1379 : vector<32x128xi1>
    %select_n3A_1381 = arith.select %ne3A_1380, %select_n3A_1366, %select_n3A_1354 : vector<32x128xi1>, vector<32x128xf32>
    %select_n3A_1382 = arith.select %ne3A_1380, %select_n3A_1371, %select_n3A_1355 : vector<32x128xi1>, vector<32x128xi32>
    %and3A_1383 = arith.constant 64 : i32
    %and3A_1384 = vector.broadcast %and3A_1383 : i32 to vector<32x128xi32>
    %and3A_1385 = arith.andi %add3A, %and3A_1384 : vector<32x128xi32>
    %eq3A_1386 = arith.constant 0 : i32
    %eq3A_1387 = vector.broadcast %eq3A_1386 : i32 to vector<32x128xi32>
    %eq3A_1388 = arith.cmpi eq, %and3A_1385, %eq3A_1387 : vector<32x128xi32>
    %roll3A_1389 = arith.constant 64 : i32
    %roll3A_1390 = tpu.dynamic_rotate %select_n3A_1381 by %roll3A_1389 dim 1 : vector<32x128xf32>, i32 -> vector<32x128xf32>
    %roll3A_1391 = arith.constant 64 : i32
    %roll3A_1392 = tpu.dynamic_rotate %select_n3A_1381 by %roll3A_1391 dim 1 : vector<32x128xf32>, i32 -> vector<32x128xf32>
    %select_n3A_1393 = arith.select %eq3A_1388, %roll3A_1390, %roll3A_1392 : vector<32x128xi1>, vector<32x128xf32>
    %roll3A_1394 = arith.constant 64 : i32
    %roll3A_1395 = tpu.dynamic_rotate %select_n3A_1382 by %roll3A_1394 dim 1 : vector<32x128xi32>, i32 -> vector<32x128xi32>
    %roll3A_1396 = arith.constant 64 : i32
    %roll3A_1397 = tpu.dynamic_rotate %select_n3A_1382 by %roll3A_1396 dim 1 : vector<32x128xi32>, i32 -> vector<32x128xi32>
    %select_n3A_1398 = arith.select %eq3A_1388, %roll3A_1395, %roll3A_1397 : vector<32x128xi1>, vector<32x128xi32>
    %gt3A_1399 = arith.cmpf ogt, %select_n3A_1393, %select_n3A_1381 : vector<32x128xf32>
    %eq3A_1400 = arith.cmpf oeq, %select_n3A_1393, %select_n3A_1381 : vector<32x128xf32>
    %lt3A_1401 = arith.cmpi slt, %select_n3A_1398, %select_n3A_1382 : vector<32x128xi32>
    %and3A_1402 = arith.andi %eq3A_1400, %lt3A_1401 : vector<32x128xi1>
    %or3A_1403 = arith.ori %gt3A_1399, %and3A_1402 : vector<32x128xi1>
    %not3A_1404 = arith.constant dense<true> : vector<32x128xi1>
    %not3A_1405 = arith.xori %eq3A_1388, %not3A_1404 : vector<32x128xi1>
    %ne3A_1406 = arith.xori %not3A_1405, %eq3A_1301 : vector<32x128xi1>
    %ne3A_1407 = arith.xori %or3A_1403, %ne3A_1406 : vector<32x128xi1>
    %select_n3A_1408 = arith.select %ne3A_1407, %select_n3A_1393, %select_n3A_1381 : vector<32x128xi1>, vector<32x128xf32>
    %select_n3A_1409 = arith.select %ne3A_1407, %select_n3A_1398, %select_n3A_1382 : vector<32x128xi1>, vector<32x128xi32>
    %and3A_1410 = arith.constant 32 : i32
    %and3A_1411 = vector.broadcast %and3A_1410 : i32 to vector<32x128xi32>
    %and3A_1412 = arith.andi %add3A, %and3A_1411 : vector<32x128xi32>
    %eq3A_1413 = arith.constant 0 : i32
    %eq3A_1414 = vector.broadcast %eq3A_1413 : i32 to vector<32x128xi32>
    %eq3A_1415 = arith.cmpi eq, %and3A_1412, %eq3A_1414 : vector<32x128xi32>
    %roll3A_1416 = arith.constant 96 : i32
    %roll3A_1417 = tpu.dynamic_rotate %select_n3A_1408 by %roll3A_1416 dim 1 : vector<32x128xf32>, i32 -> vector<32x128xf32>
    %roll3A_1418 = arith.constant 32 : i32
    %roll3A_1419 = tpu.dynamic_rotate %select_n3A_1408 by %roll3A_1418 dim 1 : vector<32x128xf32>, i32 -> vector<32x128xf32>
    %select_n3A_1420 = arith.select %eq3A_1415, %roll3A_1417, %roll3A_1419 : vector<32x128xi1>, vector<32x128xf32>
    %roll3A_1421 = arith.constant 96 : i32
    %roll3A_1422 = tpu.dynamic_rotate %select_n3A_1409 by %roll3A_1421 dim 1 : vector<32x128xi32>, i32 -> vector<32x128xi32>
    %roll3A_1423 = arith.constant 32 : i32
    %roll3A_1424 = tpu.dynamic_rotate %select_n3A_1409 by %roll3A_1423 dim 1 : vector<32x128xi32>, i32 -> vector<32x128xi32>
    %select_n3A_1425 = arith.select %eq3A_1415, %roll3A_1422, %roll3A_1424 : vector<32x128xi1>, vector<32x128xi32>
    %gt3A_1426 = arith.cmpf ogt, %select_n3A_1420, %select_n3A_1408 : vector<32x128xf32>
    %eq3A_1427 = arith.cmpf oeq, %select_n3A_1420, %select_n3A_1408 : vector<32x128xf32>
    %lt3A_1428 = arith.cmpi slt, %select_n3A_1425, %select_n3A_1409 : vector<32x128xi32>
    %and3A_1429 = arith.andi %eq3A_1427, %lt3A_1428 : vector<32x128xi1>
    %or3A_1430 = arith.ori %gt3A_1426, %and3A_1429 : vector<32x128xi1>
    %not3A_1431 = arith.constant dense<true> : vector<32x128xi1>
    %not3A_1432 = arith.xori %eq3A_1415, %not3A_1431 : vector<32x128xi1>
    %ne3A_1433 = arith.xori %not3A_1432, %eq3A_1301 : vector<32x128xi1>
    %ne3A_1434 = arith.xori %or3A_1430, %ne3A_1433 : vector<32x128xi1>
    %select_n3A_1435 = arith.select %ne3A_1434, %select_n3A_1420, %select_n3A_1408 : vector<32x128xi1>, vector<32x128xf32>
    %select_n3A_1436 = arith.select %ne3A_1434, %select_n3A_1425, %select_n3A_1409 : vector<32x128xi1>, vector<32x128xi32>
    %and3A_1437 = arith.constant 16 : i32
    %and3A_1438 = vector.broadcast %and3A_1437 : i32 to vector<32x128xi32>
    %and3A_1439 = arith.andi %add3A, %and3A_1438 : vector<32x128xi32>
    %eq3A_1440 = arith.constant 0 : i32
    %eq3A_1441 = vector.broadcast %eq3A_1440 : i32 to vector<32x128xi32>
    %eq3A_1442 = arith.cmpi eq, %and3A_1439, %eq3A_1441 : vector<32x128xi32>
    %roll3A_1443 = arith.constant 112 : i32
    %roll3A_1444 = tpu.dynamic_rotate %select_n3A_1435 by %roll3A_1443 dim 1 : vector<32x128xf32>, i32 -> vector<32x128xf32>
    %roll3A_1445 = arith.constant 16 : i32
    %roll3A_1446 = tpu.dynamic_rotate %select_n3A_1435 by %roll3A_1445 dim 1 : vector<32x128xf32>, i32 -> vector<32x128xf32>
    %select_n3A_1447 = arith.select %eq3A_1442, %roll3A_1444, %roll3A_1446 : vector<32x128xi1>, vector<32x128xf32>
    %roll3A_1448 = arith.constant 112 : i32
    %roll3A_1449 = tpu.dynamic_rotate %select_n3A_1436 by %roll3A_1448 dim 1 : vector<32x128xi32>, i32 -> vector<32x128xi32>
    %roll3A_1450 = arith.constant 16 : i32
    %roll3A_1451 = tpu.dynamic_rotate %select_n3A_1436 by %roll3A_1450 dim 1 : vector<32x128xi32>, i32 -> vector<32x128xi32>
    %select_n3A_1452 = arith.select %eq3A_1442, %roll3A_1449, %roll3A_1451 : vector<32x128xi1>, vector<32x128xi32>
    %gt3A_1453 = arith.cmpf ogt, %select_n3A_1447, %select_n3A_1435 : vector<32x128xf32>
    %eq3A_1454 = arith.cmpf oeq, %select_n3A_1447, %select_n3A_1435 : vector<32x128xf32>
    %lt3A_1455 = arith.cmpi slt, %select_n3A_1452, %select_n3A_1436 : vector<32x128xi32>
    %and3A_1456 = arith.andi %eq3A_1454, %lt3A_1455 : vector<32x128xi1>
    %or3A_1457 = arith.ori %gt3A_1453, %and3A_1456 : vector<32x128xi1>
    %not3A_1458 = arith.constant dense<true> : vector<32x128xi1>
    %not3A_1459 = arith.xori %eq3A_1442, %not3A_1458 : vector<32x128xi1>
    %ne3A_1460 = arith.xori %not3A_1459, %eq3A_1301 : vector<32x128xi1>
    %ne3A_1461 = arith.xori %or3A_1457, %ne3A_1460 : vector<32x128xi1>
    %select_n3A_1462 = arith.select %ne3A_1461, %select_n3A_1447, %select_n3A_1435 : vector<32x128xi1>, vector<32x128xf32>
    %select_n3A_1463 = arith.select %ne3A_1461, %select_n3A_1452, %select_n3A_1436 : vector<32x128xi1>, vector<32x128xi32>
    %and3A_1464 = arith.constant 8 : i32
    %and3A_1465 = vector.broadcast %and3A_1464 : i32 to vector<32x128xi32>
    %and3A_1466 = arith.andi %add3A, %and3A_1465 : vector<32x128xi32>
    %eq3A_1467 = arith.constant 0 : i32
    %eq3A_1468 = vector.broadcast %eq3A_1467 : i32 to vector<32x128xi32>
    %eq3A_1469 = arith.cmpi eq, %and3A_1466, %eq3A_1468 : vector<32x128xi32>
    %roll3A_1470 = arith.constant 120 : i32
    %roll3A_1471 = tpu.dynamic_rotate %select_n3A_1462 by %roll3A_1470 dim 1 : vector<32x128xf32>, i32 -> vector<32x128xf32>
    %roll3A_1472 = arith.constant 8 : i32
    %roll3A_1473 = tpu.dynamic_rotate %select_n3A_1462 by %roll3A_1472 dim 1 : vector<32x128xf32>, i32 -> vector<32x128xf32>
    %select_n3A_1474 = arith.select %eq3A_1469, %roll3A_1471, %roll3A_1473 : vector<32x128xi1>, vector<32x128xf32>
    %roll3A_1475 = arith.constant 120 : i32
    %roll3A_1476 = tpu.dynamic_rotate %select_n3A_1463 by %roll3A_1475 dim 1 : vector<32x128xi32>, i32 -> vector<32x128xi32>
    %roll3A_1477 = arith.constant 8 : i32
    %roll3A_1478 = tpu.dynamic_rotate %select_n3A_1463 by %roll3A_1477 dim 1 : vector<32x128xi32>, i32 -> vector<32x128xi32>
    %select_n3A_1479 = arith.select %eq3A_1469, %roll3A_1476, %roll3A_1478 : vector<32x128xi1>, vector<32x128xi32>
    %gt3A_1480 = arith.cmpf ogt, %select_n3A_1474, %select_n3A_1462 : vector<32x128xf32>
    %eq3A_1481 = arith.cmpf oeq, %select_n3A_1474, %select_n3A_1462 : vector<32x128xf32>
    %lt3A_1482 = arith.cmpi slt, %select_n3A_1479, %select_n3A_1463 : vector<32x128xi32>
    %and3A_1483 = arith.andi %eq3A_1481, %lt3A_1482 : vector<32x128xi1>
    %or3A_1484 = arith.ori %gt3A_1480, %and3A_1483 : vector<32x128xi1>
    %not3A_1485 = arith.constant dense<true> : vector<32x128xi1>
    %not3A_1486 = arith.xori %eq3A_1469, %not3A_1485 : vector<32x128xi1>
    %ne3A_1487 = arith.xori %not3A_1486, %eq3A_1301 : vector<32x128xi1>
    %ne3A_1488 = arith.xori %or3A_1484, %ne3A_1487 : vector<32x128xi1>
    %select_n3A_1489 = arith.select %ne3A_1488, %select_n3A_1474, %select_n3A_1462 : vector<32x128xi1>, vector<32x128xf32>
    %select_n3A_1490 = arith.select %ne3A_1488, %select_n3A_1479, %select_n3A_1463 : vector<32x128xi1>, vector<32x128xi32>
    %and3A_1491 = arith.constant 4 : i32
    %and3A_1492 = vector.broadcast %and3A_1491 : i32 to vector<32x128xi32>
    %and3A_1493 = arith.andi %add3A, %and3A_1492 : vector<32x128xi32>
    %eq3A_1494 = arith.constant 0 : i32
    %eq3A_1495 = vector.broadcast %eq3A_1494 : i32 to vector<32x128xi32>
    %eq3A_1496 = arith.cmpi eq, %and3A_1493, %eq3A_1495 : vector<32x128xi32>
    %roll3A_1497 = arith.constant 124 : i32
    %roll3A_1498 = tpu.dynamic_rotate %select_n3A_1489 by %roll3A_1497 dim 1 : vector<32x128xf32>, i32 -> vector<32x128xf32>
    %roll3A_1499 = arith.constant 4 : i32
    %roll3A_1500 = tpu.dynamic_rotate %select_n3A_1489 by %roll3A_1499 dim 1 : vector<32x128xf32>, i32 -> vector<32x128xf32>
    %select_n3A_1501 = arith.select %eq3A_1496, %roll3A_1498, %roll3A_1500 : vector<32x128xi1>, vector<32x128xf32>
    %roll3A_1502 = arith.constant 124 : i32
    %roll3A_1503 = tpu.dynamic_rotate %select_n3A_1490 by %roll3A_1502 dim 1 : vector<32x128xi32>, i32 -> vector<32x128xi32>
    %roll3A_1504 = arith.constant 4 : i32
    %roll3A_1505 = tpu.dynamic_rotate %select_n3A_1490 by %roll3A_1504 dim 1 : vector<32x128xi32>, i32 -> vector<32x128xi32>
    %select_n3A_1506 = arith.select %eq3A_1496, %roll3A_1503, %roll3A_1505 : vector<32x128xi1>, vector<32x128xi32>
    %gt3A_1507 = arith.cmpf ogt, %select_n3A_1501, %select_n3A_1489 : vector<32x128xf32>
    %eq3A_1508 = arith.cmpf oeq, %select_n3A_1501, %select_n3A_1489 : vector<32x128xf32>
    %lt3A_1509 = arith.cmpi slt, %select_n3A_1506, %select_n3A_1490 : vector<32x128xi32>
    %and3A_1510 = arith.andi %eq3A_1508, %lt3A_1509 : vector<32x128xi1>
    %or3A_1511 = arith.ori %gt3A_1507, %and3A_1510 : vector<32x128xi1>
    %not3A_1512 = arith.constant dense<true> : vector<32x128xi1>
    %not3A_1513 = arith.xori %eq3A_1496, %not3A_1512 : vector<32x128xi1>
    %ne3A_1514 = arith.xori %not3A_1513, %eq3A_1301 : vector<32x128xi1>
    %ne3A_1515 = arith.xori %or3A_1511, %ne3A_1514 : vector<32x128xi1>
    %select_n3A_1516 = arith.select %ne3A_1515, %select_n3A_1501, %select_n3A_1489 : vector<32x128xi1>, vector<32x128xf32>
    %select_n3A_1517 = arith.select %ne3A_1515, %select_n3A_1506, %select_n3A_1490 : vector<32x128xi1>, vector<32x128xi32>
    %and3A_1518 = arith.constant 2 : i32
    %and3A_1519 = vector.broadcast %and3A_1518 : i32 to vector<32x128xi32>
    %and3A_1520 = arith.andi %add3A, %and3A_1519 : vector<32x128xi32>
    %eq3A_1521 = arith.constant 0 : i32
    %eq3A_1522 = vector.broadcast %eq3A_1521 : i32 to vector<32x128xi32>
    %eq3A_1523 = arith.cmpi eq, %and3A_1520, %eq3A_1522 : vector<32x128xi32>
    %roll3A_1524 = arith.constant 126 : i32
    %roll3A_1525 = tpu.dynamic_rotate %select_n3A_1516 by %roll3A_1524 dim 1 : vector<32x128xf32>, i32 -> vector<32x128xf32>
    %roll3A_1526 = arith.constant 2 : i32
    %roll3A_1527 = tpu.dynamic_rotate %select_n3A_1516 by %roll3A_1526 dim 1 : vector<32x128xf32>, i32 -> vector<32x128xf32>
    %select_n3A_1528 = arith.select %eq3A_1523, %roll3A_1525, %roll3A_1527 : vector<32x128xi1>, vector<32x128xf32>
    %roll3A_1529 = arith.constant 126 : i32
    %roll3A_1530 = tpu.dynamic_rotate %select_n3A_1517 by %roll3A_1529 dim 1 : vector<32x128xi32>, i32 -> vector<32x128xi32>
    %roll3A_1531 = arith.constant 2 : i32
    %roll3A_1532 = tpu.dynamic_rotate %select_n3A_1517 by %roll3A_1531 dim 1 : vector<32x128xi32>, i32 -> vector<32x128xi32>
    %select_n3A_1533 = arith.select %eq3A_1523, %roll3A_1530, %roll3A_1532 : vector<32x128xi1>, vector<32x128xi32>
    %gt3A_1534 = arith.cmpf ogt, %select_n3A_1528, %select_n3A_1516 : vector<32x128xf32>
    %eq3A_1535 = arith.cmpf oeq, %select_n3A_1528, %select_n3A_1516 : vector<32x128xf32>
    %lt3A_1536 = arith.cmpi slt, %select_n3A_1533, %select_n3A_1517 : vector<32x128xi32>
    %and3A_1537 = arith.andi %eq3A_1535, %lt3A_1536 : vector<32x128xi1>
    %or3A_1538 = arith.ori %gt3A_1534, %and3A_1537 : vector<32x128xi1>
    %not3A_1539 = arith.constant dense<true> : vector<32x128xi1>
    %not3A_1540 = arith.xori %eq3A_1523, %not3A_1539 : vector<32x128xi1>
    %ne3A_1541 = arith.xori %not3A_1540, %eq3A_1301 : vector<32x128xi1>
    %ne3A_1542 = arith.xori %or3A_1538, %ne3A_1541 : vector<32x128xi1>
    %select_n3A_1543 = arith.select %ne3A_1542, %select_n3A_1528, %select_n3A_1516 : vector<32x128xi1>, vector<32x128xf32>
    %select_n3A_1544 = arith.select %ne3A_1542, %select_n3A_1533, %select_n3A_1517 : vector<32x128xi1>, vector<32x128xi32>
    %and3A_1545 = arith.constant 1 : i32
    %and3A_1546 = vector.broadcast %and3A_1545 : i32 to vector<32x128xi32>
    %and3A_1547 = arith.andi %add3A, %and3A_1546 : vector<32x128xi32>
    %eq3A_1548 = arith.constant 0 : i32
    %eq3A_1549 = vector.broadcast %eq3A_1548 : i32 to vector<32x128xi32>
    %eq3A_1550 = arith.cmpi eq, %and3A_1547, %eq3A_1549 : vector<32x128xi32>
    %roll3A_1551 = arith.constant 127 : i32
    %roll3A_1552 = tpu.dynamic_rotate %select_n3A_1543 by %roll3A_1551 dim 1 : vector<32x128xf32>, i32 -> vector<32x128xf32>
    %roll3A_1553 = arith.constant 1 : i32
    %roll3A_1554 = tpu.dynamic_rotate %select_n3A_1543 by %roll3A_1553 dim 1 : vector<32x128xf32>, i32 -> vector<32x128xf32>
    %select_n3A_1555 = arith.select %eq3A_1550, %roll3A_1552, %roll3A_1554 : vector<32x128xi1>, vector<32x128xf32>
    %roll3A_1556 = arith.constant 127 : i32
    %roll3A_1557 = tpu.dynamic_rotate %select_n3A_1544 by %roll3A_1556 dim 1 : vector<32x128xi32>, i32 -> vector<32x128xi32>
    %roll3A_1558 = arith.constant 1 : i32
    %roll3A_1559 = tpu.dynamic_rotate %select_n3A_1544 by %roll3A_1558 dim 1 : vector<32x128xi32>, i32 -> vector<32x128xi32>
    %select_n3A_1560 = arith.select %eq3A_1550, %roll3A_1557, %roll3A_1559 : vector<32x128xi1>, vector<32x128xi32>
    %gt3A_1561 = arith.cmpf ogt, %select_n3A_1555, %select_n3A_1543 : vector<32x128xf32>
    %eq3A_1562 = arith.cmpf oeq, %select_n3A_1555, %select_n3A_1543 : vector<32x128xf32>
    %lt3A_1563 = arith.cmpi slt, %select_n3A_1560, %select_n3A_1544 : vector<32x128xi32>
    %and3A_1564 = arith.andi %eq3A_1562, %lt3A_1563 : vector<32x128xi1>
    %or3A_1565 = arith.ori %gt3A_1561, %and3A_1564 : vector<32x128xi1>
    %not3A_1566 = arith.constant dense<true> : vector<32x128xi1>
    %not3A_1567 = arith.xori %eq3A_1550, %not3A_1566 : vector<32x128xi1>
    %ne3A_1568 = arith.xori %not3A_1567, %eq3A_1301 : vector<32x128xi1>
    %ne3A_1569 = arith.xori %or3A_1565, %ne3A_1568 : vector<32x128xi1>
    %select_n3A_1570 = arith.select %ne3A_1569, %select_n3A_1555, %select_n3A_1543 : vector<32x128xi1>, vector<32x128xf32>
    %select_n3A_1571 = arith.select %ne3A_1569, %select_n3A_1560, %select_n3A_1544 : vector<32x128xi1>, vector<32x128xi32>
    %shift_right_arithmetic3A_1572 = arith.constant 11 : i32
    %shift_right_arithmetic3A_1573 = vector.broadcast %shift_right_arithmetic3A_1572 : i32 to vector<32x128xi32>
    %shift_right_arithmetic3A_1574 = arith.shrsi %add3A, %shift_right_arithmetic3A_1573 : vector<32x128xi32>
    %and3A_1575 = arith.constant 1 : i32
    %and3A_1576 = vector.broadcast %and3A_1575 : i32 to vector<32x128xi32>
    %and3A_1577 = arith.andi %shift_right_arithmetic3A_1574, %and3A_1576 : vector<32x128xi32>
    %eq3A_1578 = arith.constant 1 : i32
    %eq3A_1579 = vector.broadcast %eq3A_1578 : i32 to vector<32x128xi32>
    %eq3A_1580 = arith.cmpi eq, %and3A_1577, %eq3A_1579 : vector<32x128xi32>
    %and3A_1581 = arith.constant 1024 : i32
    %and3A_1582 = vector.broadcast %and3A_1581 : i32 to vector<32x128xi32>
    %and3A_1583 = arith.andi %add3A, %and3A_1582 : vector<32x128xi32>
    %eq3A_1584 = arith.constant 0 : i32
    %eq3A_1585 = vector.broadcast %eq3A_1584 : i32 to vector<32x128xi32>
    %eq3A_1586 = arith.cmpi eq, %and3A_1583, %eq3A_1585 : vector<32x128xi32>
    %roll3A_1587 = arith.constant 24 : i32
    %roll3A_1588 = tpu.dynamic_rotate %select_n3A_1570 by %roll3A_1587 dim 0 : vector<32x128xf32>, i32 -> vector<32x128xf32>
    %roll3A_1589 = arith.constant 8 : i32
    %roll3A_1590 = tpu.dynamic_rotate %select_n3A_1570 by %roll3A_1589 dim 0 : vector<32x128xf32>, i32 -> vector<32x128xf32>
    %select_n3A_1591 = arith.select %eq3A_1586, %roll3A_1588, %roll3A_1590 : vector<32x128xi1>, vector<32x128xf32>
    %roll3A_1592 = arith.constant 24 : i32
    %roll3A_1593 = tpu.dynamic_rotate %select_n3A_1571 by %roll3A_1592 dim 0 : vector<32x128xi32>, i32 -> vector<32x128xi32>
    %roll3A_1594 = arith.constant 8 : i32
    %roll3A_1595 = tpu.dynamic_rotate %select_n3A_1571 by %roll3A_1594 dim 0 : vector<32x128xi32>, i32 -> vector<32x128xi32>
    %select_n3A_1596 = arith.select %eq3A_1586, %roll3A_1593, %roll3A_1595 : vector<32x128xi1>, vector<32x128xi32>
    %gt3A_1597 = arith.cmpf ogt, %select_n3A_1591, %select_n3A_1570 : vector<32x128xf32>
    %eq3A_1598 = arith.cmpf oeq, %select_n3A_1591, %select_n3A_1570 : vector<32x128xf32>
    %lt3A_1599 = arith.cmpi slt, %select_n3A_1596, %select_n3A_1571 : vector<32x128xi32>
    %and3A_1600 = arith.andi %eq3A_1598, %lt3A_1599 : vector<32x128xi1>
    %or3A_1601 = arith.ori %gt3A_1597, %and3A_1600 : vector<32x128xi1>
    %not3A_1602 = arith.constant dense<true> : vector<32x128xi1>
    %not3A_1603 = arith.xori %eq3A_1586, %not3A_1602 : vector<32x128xi1>
    %ne3A_1604 = arith.xori %not3A_1603, %eq3A_1580 : vector<32x128xi1>
    %ne3A_1605 = arith.xori %or3A_1601, %ne3A_1604 : vector<32x128xi1>
    %select_n3A_1606 = arith.select %ne3A_1605, %select_n3A_1591, %select_n3A_1570 : vector<32x128xi1>, vector<32x128xf32>
    %select_n3A_1607 = arith.select %ne3A_1605, %select_n3A_1596, %select_n3A_1571 : vector<32x128xi1>, vector<32x128xi32>
    %and3A_1608 = arith.constant 512 : i32
    %and3A_1609 = vector.broadcast %and3A_1608 : i32 to vector<32x128xi32>
    %and3A_1610 = arith.andi %add3A, %and3A_1609 : vector<32x128xi32>
    %eq3A_1611 = arith.constant 0 : i32
    %eq3A_1612 = vector.broadcast %eq3A_1611 : i32 to vector<32x128xi32>
    %eq3A_1613 = arith.cmpi eq, %and3A_1610, %eq3A_1612 : vector<32x128xi32>
    %roll3A_1614 = arith.constant 28 : i32
    %roll3A_1615 = tpu.dynamic_rotate %select_n3A_1606 by %roll3A_1614 dim 0 : vector<32x128xf32>, i32 -> vector<32x128xf32>
    %roll3A_1616 = arith.constant 4 : i32
    %roll3A_1617 = tpu.dynamic_rotate %select_n3A_1606 by %roll3A_1616 dim 0 : vector<32x128xf32>, i32 -> vector<32x128xf32>
    %select_n3A_1618 = arith.select %eq3A_1613, %roll3A_1615, %roll3A_1617 : vector<32x128xi1>, vector<32x128xf32>
    %roll3A_1619 = arith.constant 28 : i32
    %roll3A_1620 = tpu.dynamic_rotate %select_n3A_1607 by %roll3A_1619 dim 0 : vector<32x128xi32>, i32 -> vector<32x128xi32>
    %roll3A_1621 = arith.constant 4 : i32
    %roll3A_1622 = tpu.dynamic_rotate %select_n3A_1607 by %roll3A_1621 dim 0 : vector<32x128xi32>, i32 -> vector<32x128xi32>
    %select_n3A_1623 = arith.select %eq3A_1613, %roll3A_1620, %roll3A_1622 : vector<32x128xi1>, vector<32x128xi32>
    %gt3A_1624 = arith.cmpf ogt, %select_n3A_1618, %select_n3A_1606 : vector<32x128xf32>
    %eq3A_1625 = arith.cmpf oeq, %select_n3A_1618, %select_n3A_1606 : vector<32x128xf32>
    %lt3A_1626 = arith.cmpi slt, %select_n3A_1623, %select_n3A_1607 : vector<32x128xi32>
    %and3A_1627 = arith.andi %eq3A_1625, %lt3A_1626 : vector<32x128xi1>
    %or3A_1628 = arith.ori %gt3A_1624, %and3A_1627 : vector<32x128xi1>
    %not3A_1629 = arith.constant dense<true> : vector<32x128xi1>
    %not3A_1630 = arith.xori %eq3A_1613, %not3A_1629 : vector<32x128xi1>
    %ne3A_1631 = arith.xori %not3A_1630, %eq3A_1580 : vector<32x128xi1>
    %ne3A_1632 = arith.xori %or3A_1628, %ne3A_1631 : vector<32x128xi1>
    %select_n3A_1633 = arith.select %ne3A_1632, %select_n3A_1618, %select_n3A_1606 : vector<32x128xi1>, vector<32x128xf32>
    %select_n3A_1634 = arith.select %ne3A_1632, %select_n3A_1623, %select_n3A_1607 : vector<32x128xi1>, vector<32x128xi32>
    %and3A_1635 = arith.constant 256 : i32
    %and3A_1636 = vector.broadcast %and3A_1635 : i32 to vector<32x128xi32>
    %and3A_1637 = arith.andi %add3A, %and3A_1636 : vector<32x128xi32>
    %eq3A_1638 = arith.constant 0 : i32
    %eq3A_1639 = vector.broadcast %eq3A_1638 : i32 to vector<32x128xi32>
    %eq3A_1640 = arith.cmpi eq, %and3A_1637, %eq3A_1639 : vector<32x128xi32>
    %roll3A_1641 = arith.constant 30 : i32
    %roll3A_1642 = tpu.dynamic_rotate %select_n3A_1633 by %roll3A_1641 dim 0 : vector<32x128xf32>, i32 -> vector<32x128xf32>
    %roll3A_1643 = arith.constant 2 : i32
    %roll3A_1644 = tpu.dynamic_rotate %select_n3A_1633 by %roll3A_1643 dim 0 : vector<32x128xf32>, i32 -> vector<32x128xf32>
    %select_n3A_1645 = arith.select %eq3A_1640, %roll3A_1642, %roll3A_1644 : vector<32x128xi1>, vector<32x128xf32>
    %roll3A_1646 = arith.constant 30 : i32
    %roll3A_1647 = tpu.dynamic_rotate %select_n3A_1634 by %roll3A_1646 dim 0 : vector<32x128xi32>, i32 -> vector<32x128xi32>
    %roll3A_1648 = arith.constant 2 : i32
    %roll3A_1649 = tpu.dynamic_rotate %select_n3A_1634 by %roll3A_1648 dim 0 : vector<32x128xi32>, i32 -> vector<32x128xi32>
    %select_n3A_1650 = arith.select %eq3A_1640, %roll3A_1647, %roll3A_1649 : vector<32x128xi1>, vector<32x128xi32>
    %gt3A_1651 = arith.cmpf ogt, %select_n3A_1645, %select_n3A_1633 : vector<32x128xf32>
    %eq3A_1652 = arith.cmpf oeq, %select_n3A_1645, %select_n3A_1633 : vector<32x128xf32>
    %lt3A_1653 = arith.cmpi slt, %select_n3A_1650, %select_n3A_1634 : vector<32x128xi32>
    %and3A_1654 = arith.andi %eq3A_1652, %lt3A_1653 : vector<32x128xi1>
    %or3A_1655 = arith.ori %gt3A_1651, %and3A_1654 : vector<32x128xi1>
    %not3A_1656 = arith.constant dense<true> : vector<32x128xi1>
    %not3A_1657 = arith.xori %eq3A_1640, %not3A_1656 : vector<32x128xi1>
    %ne3A_1658 = arith.xori %not3A_1657, %eq3A_1580 : vector<32x128xi1>
    %ne3A_1659 = arith.xori %or3A_1655, %ne3A_1658 : vector<32x128xi1>
    %select_n3A_1660 = arith.select %ne3A_1659, %select_n3A_1645, %select_n3A_1633 : vector<32x128xi1>, vector<32x128xf32>
    %select_n3A_1661 = arith.select %ne3A_1659, %select_n3A_1650, %select_n3A_1634 : vector<32x128xi1>, vector<32x128xi32>
    %and3A_1662 = arith.constant 128 : i32
    %and3A_1663 = vector.broadcast %and3A_1662 : i32 to vector<32x128xi32>
    %and3A_1664 = arith.andi %add3A, %and3A_1663 : vector<32x128xi32>
    %eq3A_1665 = arith.constant 0 : i32
    %eq3A_1666 = vector.broadcast %eq3A_1665 : i32 to vector<32x128xi32>
    %eq3A_1667 = arith.cmpi eq, %and3A_1664, %eq3A_1666 : vector<32x128xi32>
    %roll3A_1668 = arith.constant 31 : i32
    %roll3A_1669 = tpu.dynamic_rotate %select_n3A_1660 by %roll3A_1668 dim 0 : vector<32x128xf32>, i32 -> vector<32x128xf32>
    %roll3A_1670 = arith.constant 1 : i32
    %roll3A_1671 = tpu.dynamic_rotate %select_n3A_1660 by %roll3A_1670 dim 0 : vector<32x128xf32>, i32 -> vector<32x128xf32>
    %select_n3A_1672 = arith.select %eq3A_1667, %roll3A_1669, %roll3A_1671 : vector<32x128xi1>, vector<32x128xf32>
    %roll3A_1673 = arith.constant 31 : i32
    %roll3A_1674 = tpu.dynamic_rotate %select_n3A_1661 by %roll3A_1673 dim 0 : vector<32x128xi32>, i32 -> vector<32x128xi32>
    %roll3A_1675 = arith.constant 1 : i32
    %roll3A_1676 = tpu.dynamic_rotate %select_n3A_1661 by %roll3A_1675 dim 0 : vector<32x128xi32>, i32 -> vector<32x128xi32>
    %select_n3A_1677 = arith.select %eq3A_1667, %roll3A_1674, %roll3A_1676 : vector<32x128xi1>, vector<32x128xi32>
    %gt3A_1678 = arith.cmpf ogt, %select_n3A_1672, %select_n3A_1660 : vector<32x128xf32>
    %eq3A_1679 = arith.cmpf oeq, %select_n3A_1672, %select_n3A_1660 : vector<32x128xf32>
    %lt3A_1680 = arith.cmpi slt, %select_n3A_1677, %select_n3A_1661 : vector<32x128xi32>
    %and3A_1681 = arith.andi %eq3A_1679, %lt3A_1680 : vector<32x128xi1>
    %or3A_1682 = arith.ori %gt3A_1678, %and3A_1681 : vector<32x128xi1>
    %not3A_1683 = arith.constant dense<true> : vector<32x128xi1>
    %not3A_1684 = arith.xori %eq3A_1667, %not3A_1683 : vector<32x128xi1>
    %ne3A_1685 = arith.xori %not3A_1684, %eq3A_1580 : vector<32x128xi1>
    %ne3A_1686 = arith.xori %or3A_1682, %ne3A_1685 : vector<32x128xi1>
    %select_n3A_1687 = arith.select %ne3A_1686, %select_n3A_1672, %select_n3A_1660 : vector<32x128xi1>, vector<32x128xf32>
    %select_n3A_1688 = arith.select %ne3A_1686, %select_n3A_1677, %select_n3A_1661 : vector<32x128xi1>, vector<32x128xi32>
    %and3A_1689 = arith.constant 64 : i32
    %and3A_1690 = vector.broadcast %and3A_1689 : i32 to vector<32x128xi32>
    %and3A_1691 = arith.andi %add3A, %and3A_1690 : vector<32x128xi32>
    %eq3A_1692 = arith.constant 0 : i32
    %eq3A_1693 = vector.broadcast %eq3A_1692 : i32 to vector<32x128xi32>
    %eq3A_1694 = arith.cmpi eq, %and3A_1691, %eq3A_1693 : vector<32x128xi32>
    %roll3A_1695 = arith.constant 64 : i32
    %roll3A_1696 = tpu.dynamic_rotate %select_n3A_1687 by %roll3A_1695 dim 1 : vector<32x128xf32>, i32 -> vector<32x128xf32>
    %roll3A_1697 = arith.constant 64 : i32
    %roll3A_1698 = tpu.dynamic_rotate %select_n3A_1687 by %roll3A_1697 dim 1 : vector<32x128xf32>, i32 -> vector<32x128xf32>
    %select_n3A_1699 = arith.select %eq3A_1694, %roll3A_1696, %roll3A_1698 : vector<32x128xi1>, vector<32x128xf32>
    %roll3A_1700 = arith.constant 64 : i32
    %roll3A_1701 = tpu.dynamic_rotate %select_n3A_1688 by %roll3A_1700 dim 1 : vector<32x128xi32>, i32 -> vector<32x128xi32>
    %roll3A_1702 = arith.constant 64 : i32
    %roll3A_1703 = tpu.dynamic_rotate %select_n3A_1688 by %roll3A_1702 dim 1 : vector<32x128xi32>, i32 -> vector<32x128xi32>
    %select_n3A_1704 = arith.select %eq3A_1694, %roll3A_1701, %roll3A_1703 : vector<32x128xi1>, vector<32x128xi32>
    %gt3A_1705 = arith.cmpf ogt, %select_n3A_1699, %select_n3A_1687 : vector<32x128xf32>
    %eq3A_1706 = arith.cmpf oeq, %select_n3A_1699, %select_n3A_1687 : vector<32x128xf32>
    %lt3A_1707 = arith.cmpi slt, %select_n3A_1704, %select_n3A_1688 : vector<32x128xi32>
    %and3A_1708 = arith.andi %eq3A_1706, %lt3A_1707 : vector<32x128xi1>
    %or3A_1709 = arith.ori %gt3A_1705, %and3A_1708 : vector<32x128xi1>
    %not3A_1710 = arith.constant dense<true> : vector<32x128xi1>
    %not3A_1711 = arith.xori %eq3A_1694, %not3A_1710 : vector<32x128xi1>
    %ne3A_1712 = arith.xori %not3A_1711, %eq3A_1580 : vector<32x128xi1>
    %ne3A_1713 = arith.xori %or3A_1709, %ne3A_1712 : vector<32x128xi1>
    %select_n3A_1714 = arith.select %ne3A_1713, %select_n3A_1699, %select_n3A_1687 : vector<32x128xi1>, vector<32x128xf32>
    %select_n3A_1715 = arith.select %ne3A_1713, %select_n3A_1704, %select_n3A_1688 : vector<32x128xi1>, vector<32x128xi32>
    %and3A_1716 = arith.constant 32 : i32
    %and3A_1717 = vector.broadcast %and3A_1716 : i32 to vector<32x128xi32>
    %and3A_1718 = arith.andi %add3A, %and3A_1717 : vector<32x128xi32>
    %eq3A_1719 = arith.constant 0 : i32
    %eq3A_1720 = vector.broadcast %eq3A_1719 : i32 to vector<32x128xi32>
    %eq3A_1721 = arith.cmpi eq, %and3A_1718, %eq3A_1720 : vector<32x128xi32>
    %roll3A_1722 = arith.constant 96 : i32
    %roll3A_1723 = tpu.dynamic_rotate %select_n3A_1714 by %roll3A_1722 dim 1 : vector<32x128xf32>, i32 -> vector<32x128xf32>
    %roll3A_1724 = arith.constant 32 : i32
    %roll3A_1725 = tpu.dynamic_rotate %select_n3A_1714 by %roll3A_1724 dim 1 : vector<32x128xf32>, i32 -> vector<32x128xf32>
    %select_n3A_1726 = arith.select %eq3A_1721, %roll3A_1723, %roll3A_1725 : vector<32x128xi1>, vector<32x128xf32>
    %roll3A_1727 = arith.constant 96 : i32
    %roll3A_1728 = tpu.dynamic_rotate %select_n3A_1715 by %roll3A_1727 dim 1 : vector<32x128xi32>, i32 -> vector<32x128xi32>
    %roll3A_1729 = arith.constant 32 : i32
    %roll3A_1730 = tpu.dynamic_rotate %select_n3A_1715 by %roll3A_1729 dim 1 : vector<32x128xi32>, i32 -> vector<32x128xi32>
    %select_n3A_1731 = arith.select %eq3A_1721, %roll3A_1728, %roll3A_1730 : vector<32x128xi1>, vector<32x128xi32>
    %gt3A_1732 = arith.cmpf ogt, %select_n3A_1726, %select_n3A_1714 : vector<32x128xf32>
    %eq3A_1733 = arith.cmpf oeq, %select_n3A_1726, %select_n3A_1714 : vector<32x128xf32>
    %lt3A_1734 = arith.cmpi slt, %select_n3A_1731, %select_n3A_1715 : vector<32x128xi32>
    %and3A_1735 = arith.andi %eq3A_1733, %lt3A_1734 : vector<32x128xi1>
    %or3A_1736 = arith.ori %gt3A_1732, %and3A_1735 : vector<32x128xi1>
    %not3A_1737 = arith.constant dense<true> : vector<32x128xi1>
    %not3A_1738 = arith.xori %eq3A_1721, %not3A_1737 : vector<32x128xi1>
    %ne3A_1739 = arith.xori %not3A_1738, %eq3A_1580 : vector<32x128xi1>
    %ne3A_1740 = arith.xori %or3A_1736, %ne3A_1739 : vector<32x128xi1>
    %select_n3A_1741 = arith.select %ne3A_1740, %select_n3A_1726, %select_n3A_1714 : vector<32x128xi1>, vector<32x128xf32>
    %select_n3A_1742 = arith.select %ne3A_1740, %select_n3A_1731, %select_n3A_1715 : vector<32x128xi1>, vector<32x128xi32>
    %and3A_1743 = arith.constant 16 : i32
    %and3A_1744 = vector.broadcast %and3A_1743 : i32 to vector<32x128xi32>
    %and3A_1745 = arith.andi %add3A, %and3A_1744 : vector<32x128xi32>
    %eq3A_1746 = arith.constant 0 : i32
    %eq3A_1747 = vector.broadcast %eq3A_1746 : i32 to vector<32x128xi32>
    %eq3A_1748 = arith.cmpi eq, %and3A_1745, %eq3A_1747 : vector<32x128xi32>
    %roll3A_1749 = arith.constant 112 : i32
    %roll3A_1750 = tpu.dynamic_rotate %select_n3A_1741 by %roll3A_1749 dim 1 : vector<32x128xf32>, i32 -> vector<32x128xf32>
    %roll3A_1751 = arith.constant 16 : i32
    %roll3A_1752 = tpu.dynamic_rotate %select_n3A_1741 by %roll3A_1751 dim 1 : vector<32x128xf32>, i32 -> vector<32x128xf32>
    %select_n3A_1753 = arith.select %eq3A_1748, %roll3A_1750, %roll3A_1752 : vector<32x128xi1>, vector<32x128xf32>
    %roll3A_1754 = arith.constant 112 : i32
    %roll3A_1755 = tpu.dynamic_rotate %select_n3A_1742 by %roll3A_1754 dim 1 : vector<32x128xi32>, i32 -> vector<32x128xi32>
    %roll3A_1756 = arith.constant 16 : i32
    %roll3A_1757 = tpu.dynamic_rotate %select_n3A_1742 by %roll3A_1756 dim 1 : vector<32x128xi32>, i32 -> vector<32x128xi32>
    %select_n3A_1758 = arith.select %eq3A_1748, %roll3A_1755, %roll3A_1757 : vector<32x128xi1>, vector<32x128xi32>
    %gt3A_1759 = arith.cmpf ogt, %select_n3A_1753, %select_n3A_1741 : vector<32x128xf32>
    %eq3A_1760 = arith.cmpf oeq, %select_n3A_1753, %select_n3A_1741 : vector<32x128xf32>
    %lt3A_1761 = arith.cmpi slt, %select_n3A_1758, %select_n3A_1742 : vector<32x128xi32>
    %and3A_1762 = arith.andi %eq3A_1760, %lt3A_1761 : vector<32x128xi1>
    %or3A_1763 = arith.ori %gt3A_1759, %and3A_1762 : vector<32x128xi1>
    %not3A_1764 = arith.constant dense<true> : vector<32x128xi1>
    %not3A_1765 = arith.xori %eq3A_1748, %not3A_1764 : vector<32x128xi1>
    %ne3A_1766 = arith.xori %not3A_1765, %eq3A_1580 : vector<32x128xi1>
    %ne3A_1767 = arith.xori %or3A_1763, %ne3A_1766 : vector<32x128xi1>
    %select_n3A_1768 = arith.select %ne3A_1767, %select_n3A_1753, %select_n3A_1741 : vector<32x128xi1>, vector<32x128xf32>
    %select_n3A_1769 = arith.select %ne3A_1767, %select_n3A_1758, %select_n3A_1742 : vector<32x128xi1>, vector<32x128xi32>
    %and3A_1770 = arith.constant 8 : i32
    %and3A_1771 = vector.broadcast %and3A_1770 : i32 to vector<32x128xi32>
    %and3A_1772 = arith.andi %add3A, %and3A_1771 : vector<32x128xi32>
    %eq3A_1773 = arith.constant 0 : i32
    %eq3A_1774 = vector.broadcast %eq3A_1773 : i32 to vector<32x128xi32>
    %eq3A_1775 = arith.cmpi eq, %and3A_1772, %eq3A_1774 : vector<32x128xi32>
    %roll3A_1776 = arith.constant 120 : i32
    %roll3A_1777 = tpu.dynamic_rotate %select_n3A_1768 by %roll3A_1776 dim 1 : vector<32x128xf32>, i32 -> vector<32x128xf32>
    %roll3A_1778 = arith.constant 8 : i32
    %roll3A_1779 = tpu.dynamic_rotate %select_n3A_1768 by %roll3A_1778 dim 1 : vector<32x128xf32>, i32 -> vector<32x128xf32>
    %select_n3A_1780 = arith.select %eq3A_1775, %roll3A_1777, %roll3A_1779 : vector<32x128xi1>, vector<32x128xf32>
    %roll3A_1781 = arith.constant 120 : i32
    %roll3A_1782 = tpu.dynamic_rotate %select_n3A_1769 by %roll3A_1781 dim 1 : vector<32x128xi32>, i32 -> vector<32x128xi32>
    %roll3A_1783 = arith.constant 8 : i32
    %roll3A_1784 = tpu.dynamic_rotate %select_n3A_1769 by %roll3A_1783 dim 1 : vector<32x128xi32>, i32 -> vector<32x128xi32>
    %select_n3A_1785 = arith.select %eq3A_1775, %roll3A_1782, %roll3A_1784 : vector<32x128xi1>, vector<32x128xi32>
    %gt3A_1786 = arith.cmpf ogt, %select_n3A_1780, %select_n3A_1768 : vector<32x128xf32>
    %eq3A_1787 = arith.cmpf oeq, %select_n3A_1780, %select_n3A_1768 : vector<32x128xf32>
    %lt3A_1788 = arith.cmpi slt, %select_n3A_1785, %select_n3A_1769 : vector<32x128xi32>
    %and3A_1789 = arith.andi %eq3A_1787, %lt3A_1788 : vector<32x128xi1>
    %or3A_1790 = arith.ori %gt3A_1786, %and3A_1789 : vector<32x128xi1>
    %not3A_1791 = arith.constant dense<true> : vector<32x128xi1>
    %not3A_1792 = arith.xori %eq3A_1775, %not3A_1791 : vector<32x128xi1>
    %ne3A_1793 = arith.xori %not3A_1792, %eq3A_1580 : vector<32x128xi1>
    %ne3A_1794 = arith.xori %or3A_1790, %ne3A_1793 : vector<32x128xi1>
    %select_n3A_1795 = arith.select %ne3A_1794, %select_n3A_1780, %select_n3A_1768 : vector<32x128xi1>, vector<32x128xf32>
    %select_n3A_1796 = arith.select %ne3A_1794, %select_n3A_1785, %select_n3A_1769 : vector<32x128xi1>, vector<32x128xi32>
    %and3A_1797 = arith.constant 4 : i32
    %and3A_1798 = vector.broadcast %and3A_1797 : i32 to vector<32x128xi32>
    %and3A_1799 = arith.andi %add3A, %and3A_1798 : vector<32x128xi32>
    %eq3A_1800 = arith.constant 0 : i32
    %eq3A_1801 = vector.broadcast %eq3A_1800 : i32 to vector<32x128xi32>
    %eq3A_1802 = arith.cmpi eq, %and3A_1799, %eq3A_1801 : vector<32x128xi32>
    %roll3A_1803 = arith.constant 124 : i32
    %roll3A_1804 = tpu.dynamic_rotate %select_n3A_1795 by %roll3A_1803 dim 1 : vector<32x128xf32>, i32 -> vector<32x128xf32>
    %roll3A_1805 = arith.constant 4 : i32
    %roll3A_1806 = tpu.dynamic_rotate %select_n3A_1795 by %roll3A_1805 dim 1 : vector<32x128xf32>, i32 -> vector<32x128xf32>
    %select_n3A_1807 = arith.select %eq3A_1802, %roll3A_1804, %roll3A_1806 : vector<32x128xi1>, vector<32x128xf32>
    %roll3A_1808 = arith.constant 124 : i32
    %roll3A_1809 = tpu.dynamic_rotate %select_n3A_1796 by %roll3A_1808 dim 1 : vector<32x128xi32>, i32 -> vector<32x128xi32>
    %roll3A_1810 = arith.constant 4 : i32
    %roll3A_1811 = tpu.dynamic_rotate %select_n3A_1796 by %roll3A_1810 dim 1 : vector<32x128xi32>, i32 -> vector<32x128xi32>
    %select_n3A_1812 = arith.select %eq3A_1802, %roll3A_1809, %roll3A_1811 : vector<32x128xi1>, vector<32x128xi32>
    %gt3A_1813 = arith.cmpf ogt, %select_n3A_1807, %select_n3A_1795 : vector<32x128xf32>
    %eq3A_1814 = arith.cmpf oeq, %select_n3A_1807, %select_n3A_1795 : vector<32x128xf32>
    %lt3A_1815 = arith.cmpi slt, %select_n3A_1812, %select_n3A_1796 : vector<32x128xi32>
    %and3A_1816 = arith.andi %eq3A_1814, %lt3A_1815 : vector<32x128xi1>
    %or3A_1817 = arith.ori %gt3A_1813, %and3A_1816 : vector<32x128xi1>
    %not3A_1818 = arith.constant dense<true> : vector<32x128xi1>
    %not3A_1819 = arith.xori %eq3A_1802, %not3A_1818 : vector<32x128xi1>
    %ne3A_1820 = arith.xori %not3A_1819, %eq3A_1580 : vector<32x128xi1>
    %ne3A_1821 = arith.xori %or3A_1817, %ne3A_1820 : vector<32x128xi1>
    %select_n3A_1822 = arith.select %ne3A_1821, %select_n3A_1807, %select_n3A_1795 : vector<32x128xi1>, vector<32x128xf32>
    %select_n3A_1823 = arith.select %ne3A_1821, %select_n3A_1812, %select_n3A_1796 : vector<32x128xi1>, vector<32x128xi32>
    %and3A_1824 = arith.constant 2 : i32
    %and3A_1825 = vector.broadcast %and3A_1824 : i32 to vector<32x128xi32>
    %and3A_1826 = arith.andi %add3A, %and3A_1825 : vector<32x128xi32>
    %eq3A_1827 = arith.constant 0 : i32
    %eq3A_1828 = vector.broadcast %eq3A_1827 : i32 to vector<32x128xi32>
    %eq3A_1829 = arith.cmpi eq, %and3A_1826, %eq3A_1828 : vector<32x128xi32>
    %roll3A_1830 = arith.constant 126 : i32
    %roll3A_1831 = tpu.dynamic_rotate %select_n3A_1822 by %roll3A_1830 dim 1 : vector<32x128xf32>, i32 -> vector<32x128xf32>
    %roll3A_1832 = arith.constant 2 : i32
    %roll3A_1833 = tpu.dynamic_rotate %select_n3A_1822 by %roll3A_1832 dim 1 : vector<32x128xf32>, i32 -> vector<32x128xf32>
    %select_n3A_1834 = arith.select %eq3A_1829, %roll3A_1831, %roll3A_1833 : vector<32x128xi1>, vector<32x128xf32>
    %roll3A_1835 = arith.constant 126 : i32
    %roll3A_1836 = tpu.dynamic_rotate %select_n3A_1823 by %roll3A_1835 dim 1 : vector<32x128xi32>, i32 -> vector<32x128xi32>
    %roll3A_1837 = arith.constant 2 : i32
    %roll3A_1838 = tpu.dynamic_rotate %select_n3A_1823 by %roll3A_1837 dim 1 : vector<32x128xi32>, i32 -> vector<32x128xi32>
    %select_n3A_1839 = arith.select %eq3A_1829, %roll3A_1836, %roll3A_1838 : vector<32x128xi1>, vector<32x128xi32>
    %gt3A_1840 = arith.cmpf ogt, %select_n3A_1834, %select_n3A_1822 : vector<32x128xf32>
    %eq3A_1841 = arith.cmpf oeq, %select_n3A_1834, %select_n3A_1822 : vector<32x128xf32>
    %lt3A_1842 = arith.cmpi slt, %select_n3A_1839, %select_n3A_1823 : vector<32x128xi32>
    %and3A_1843 = arith.andi %eq3A_1841, %lt3A_1842 : vector<32x128xi1>
    %or3A_1844 = arith.ori %gt3A_1840, %and3A_1843 : vector<32x128xi1>
    %not3A_1845 = arith.constant dense<true> : vector<32x128xi1>
    %not3A_1846 = arith.xori %eq3A_1829, %not3A_1845 : vector<32x128xi1>
    %ne3A_1847 = arith.xori %not3A_1846, %eq3A_1580 : vector<32x128xi1>
    %ne3A_1848 = arith.xori %or3A_1844, %ne3A_1847 : vector<32x128xi1>
    %select_n3A_1849 = arith.select %ne3A_1848, %select_n3A_1834, %select_n3A_1822 : vector<32x128xi1>, vector<32x128xf32>
    %select_n3A_1850 = arith.select %ne3A_1848, %select_n3A_1839, %select_n3A_1823 : vector<32x128xi1>, vector<32x128xi32>
    %and3A_1851 = arith.constant 1 : i32
    %and3A_1852 = vector.broadcast %and3A_1851 : i32 to vector<32x128xi32>
    %and3A_1853 = arith.andi %add3A, %and3A_1852 : vector<32x128xi32>
    %eq3A_1854 = arith.constant 0 : i32
    %eq3A_1855 = vector.broadcast %eq3A_1854 : i32 to vector<32x128xi32>
    %eq3A_1856 = arith.cmpi eq, %and3A_1853, %eq3A_1855 : vector<32x128xi32>
    %roll3A_1857 = arith.constant 127 : i32
    %roll3A_1858 = tpu.dynamic_rotate %select_n3A_1849 by %roll3A_1857 dim 1 : vector<32x128xf32>, i32 -> vector<32x128xf32>
    %roll3A_1859 = arith.constant 1 : i32
    %roll3A_1860 = tpu.dynamic_rotate %select_n3A_1849 by %roll3A_1859 dim 1 : vector<32x128xf32>, i32 -> vector<32x128xf32>
    %select_n3A_1861 = arith.select %eq3A_1856, %roll3A_1858, %roll3A_1860 : vector<32x128xi1>, vector<32x128xf32>
    %roll3A_1862 = arith.constant 127 : i32
    %roll3A_1863 = tpu.dynamic_rotate %select_n3A_1850 by %roll3A_1862 dim 1 : vector<32x128xi32>, i32 -> vector<32x128xi32>
    %roll3A_1864 = arith.constant 1 : i32
    %roll3A_1865 = tpu.dynamic_rotate %select_n3A_1850 by %roll3A_1864 dim 1 : vector<32x128xi32>, i32 -> vector<32x128xi32>
    %select_n3A_1866 = arith.select %eq3A_1856, %roll3A_1863, %roll3A_1865 : vector<32x128xi1>, vector<32x128xi32>
    %gt3A_1867 = arith.cmpf ogt, %select_n3A_1861, %select_n3A_1849 : vector<32x128xf32>
    %eq3A_1868 = arith.cmpf oeq, %select_n3A_1861, %select_n3A_1849 : vector<32x128xf32>
    %lt3A_1869 = arith.cmpi slt, %select_n3A_1866, %select_n3A_1850 : vector<32x128xi32>
    %and3A_1870 = arith.andi %eq3A_1868, %lt3A_1869 : vector<32x128xi1>
    %or3A_1871 = arith.ori %gt3A_1867, %and3A_1870 : vector<32x128xi1>
    %not3A_1872 = arith.constant dense<true> : vector<32x128xi1>
    %not3A_1873 = arith.xori %eq3A_1856, %not3A_1872 : vector<32x128xi1>
    %ne3A_1874 = arith.xori %not3A_1873, %eq3A_1580 : vector<32x128xi1>
    %ne3A_1875 = arith.xori %or3A_1871, %ne3A_1874 : vector<32x128xi1>
    %select_n3A_1876 = arith.select %ne3A_1875, %select_n3A_1861, %select_n3A_1849 : vector<32x128xi1>, vector<32x128xf32>
    %select_n3A_1877 = arith.select %ne3A_1875, %select_n3A_1866, %select_n3A_1850 : vector<32x128xi1>, vector<32x128xi32>
    %shift_right_arithmetic3A_1878 = arith.constant 12 : i32
    %shift_right_arithmetic3A_1879 = vector.broadcast %shift_right_arithmetic3A_1878 : i32 to vector<32x128xi32>
    %shift_right_arithmetic3A_1880 = arith.shrsi %add3A, %shift_right_arithmetic3A_1879 : vector<32x128xi32>
    %and3A_1881 = arith.constant 1 : i32
    %and3A_1882 = vector.broadcast %and3A_1881 : i32 to vector<32x128xi32>
    %and3A_1883 = arith.andi %shift_right_arithmetic3A_1880, %and3A_1882 : vector<32x128xi32>
    %eq3A_1884 = arith.constant 1 : i32
    %eq3A_1885 = vector.broadcast %eq3A_1884 : i32 to vector<32x128xi32>
    %eq3A_1886 = arith.cmpi eq, %and3A_1883, %eq3A_1885 : vector<32x128xi32>
    %and3A_1887 = arith.constant 2048 : i32
    %and3A_1888 = vector.broadcast %and3A_1887 : i32 to vector<32x128xi32>
    %and3A_1889 = arith.andi %add3A, %and3A_1888 : vector<32x128xi32>
    %eq3A_1890 = arith.constant 0 : i32
    %eq3A_1891 = vector.broadcast %eq3A_1890 : i32 to vector<32x128xi32>
    %eq3A_1892 = arith.cmpi eq, %and3A_1889, %eq3A_1891 : vector<32x128xi32>
    %roll3A_1893 = arith.constant 16 : i32
    %roll3A_1894 = tpu.dynamic_rotate %select_n3A_1876 by %roll3A_1893 dim 0 : vector<32x128xf32>, i32 -> vector<32x128xf32>
    %roll3A_1895 = arith.constant 16 : i32
    %roll3A_1896 = tpu.dynamic_rotate %select_n3A_1876 by %roll3A_1895 dim 0 : vector<32x128xf32>, i32 -> vector<32x128xf32>
    %select_n3A_1897 = arith.select %eq3A_1892, %roll3A_1894, %roll3A_1896 : vector<32x128xi1>, vector<32x128xf32>
    %roll3A_1898 = arith.constant 16 : i32
    %roll3A_1899 = tpu.dynamic_rotate %select_n3A_1877 by %roll3A_1898 dim 0 : vector<32x128xi32>, i32 -> vector<32x128xi32>
    %roll3A_1900 = arith.constant 16 : i32
    %roll3A_1901 = tpu.dynamic_rotate %select_n3A_1877 by %roll3A_1900 dim 0 : vector<32x128xi32>, i32 -> vector<32x128xi32>
    %select_n3A_1902 = arith.select %eq3A_1892, %roll3A_1899, %roll3A_1901 : vector<32x128xi1>, vector<32x128xi32>
    %gt3A_1903 = arith.cmpf ogt, %select_n3A_1897, %select_n3A_1876 : vector<32x128xf32>
    %eq3A_1904 = arith.cmpf oeq, %select_n3A_1897, %select_n3A_1876 : vector<32x128xf32>
    %lt3A_1905 = arith.cmpi slt, %select_n3A_1902, %select_n3A_1877 : vector<32x128xi32>
    %and3A_1906 = arith.andi %eq3A_1904, %lt3A_1905 : vector<32x128xi1>
    %or3A_1907 = arith.ori %gt3A_1903, %and3A_1906 : vector<32x128xi1>
    %not3A_1908 = arith.constant dense<true> : vector<32x128xi1>
    %not3A_1909 = arith.xori %eq3A_1892, %not3A_1908 : vector<32x128xi1>
    %ne3A_1910 = arith.xori %not3A_1909, %eq3A_1886 : vector<32x128xi1>
    %ne3A_1911 = arith.xori %or3A_1907, %ne3A_1910 : vector<32x128xi1>
    %select_n3A_1912 = arith.select %ne3A_1911, %select_n3A_1897, %select_n3A_1876 : vector<32x128xi1>, vector<32x128xf32>
    %select_n3A_1913 = arith.select %ne3A_1911, %select_n3A_1902, %select_n3A_1877 : vector<32x128xi1>, vector<32x128xi32>
    %and3A_1914 = arith.constant 1024 : i32
    %and3A_1915 = vector.broadcast %and3A_1914 : i32 to vector<32x128xi32>
    %and3A_1916 = arith.andi %add3A, %and3A_1915 : vector<32x128xi32>
    %eq3A_1917 = arith.constant 0 : i32
    %eq3A_1918 = vector.broadcast %eq3A_1917 : i32 to vector<32x128xi32>
    %eq3A_1919 = arith.cmpi eq, %and3A_1916, %eq3A_1918 : vector<32x128xi32>
    %roll3A_1920 = arith.constant 24 : i32
    %roll3A_1921 = tpu.dynamic_rotate %select_n3A_1912 by %roll3A_1920 dim 0 : vector<32x128xf32>, i32 -> vector<32x128xf32>
    %roll3A_1922 = arith.constant 8 : i32
    %roll3A_1923 = tpu.dynamic_rotate %select_n3A_1912 by %roll3A_1922 dim 0 : vector<32x128xf32>, i32 -> vector<32x128xf32>
    %select_n3A_1924 = arith.select %eq3A_1919, %roll3A_1921, %roll3A_1923 : vector<32x128xi1>, vector<32x128xf32>
    %roll3A_1925 = arith.constant 24 : i32
    %roll3A_1926 = tpu.dynamic_rotate %select_n3A_1913 by %roll3A_1925 dim 0 : vector<32x128xi32>, i32 -> vector<32x128xi32>
    %roll3A_1927 = arith.constant 8 : i32
    %roll3A_1928 = tpu.dynamic_rotate %select_n3A_1913 by %roll3A_1927 dim 0 : vector<32x128xi32>, i32 -> vector<32x128xi32>
    %select_n3A_1929 = arith.select %eq3A_1919, %roll3A_1926, %roll3A_1928 : vector<32x128xi1>, vector<32x128xi32>
    %gt3A_1930 = arith.cmpf ogt, %select_n3A_1924, %select_n3A_1912 : vector<32x128xf32>
    %eq3A_1931 = arith.cmpf oeq, %select_n3A_1924, %select_n3A_1912 : vector<32x128xf32>
    %lt3A_1932 = arith.cmpi slt, %select_n3A_1929, %select_n3A_1913 : vector<32x128xi32>
    %and3A_1933 = arith.andi %eq3A_1931, %lt3A_1932 : vector<32x128xi1>
    %or3A_1934 = arith.ori %gt3A_1930, %and3A_1933 : vector<32x128xi1>
    %not3A_1935 = arith.constant dense<true> : vector<32x128xi1>
    %not3A_1936 = arith.xori %eq3A_1919, %not3A_1935 : vector<32x128xi1>
    %ne3A_1937 = arith.xori %not3A_1936, %eq3A_1886 : vector<32x128xi1>
    %ne3A_1938 = arith.xori %or3A_1934, %ne3A_1937 : vector<32x128xi1>
    %select_n3A_1939 = arith.select %ne3A_1938, %select_n3A_1924, %select_n3A_1912 : vector<32x128xi1>, vector<32x128xf32>
    %select_n3A_1940 = arith.select %ne3A_1938, %select_n3A_1929, %select_n3A_1913 : vector<32x128xi1>, vector<32x128xi32>
    %and3A_1941 = arith.constant 512 : i32
    %and3A_1942 = vector.broadcast %and3A_1941 : i32 to vector<32x128xi32>
    %and3A_1943 = arith.andi %add3A, %and3A_1942 : vector<32x128xi32>
    %eq3A_1944 = arith.constant 0 : i32
    %eq3A_1945 = vector.broadcast %eq3A_1944 : i32 to vector<32x128xi32>
    %eq3A_1946 = arith.cmpi eq, %and3A_1943, %eq3A_1945 : vector<32x128xi32>
    %roll3A_1947 = arith.constant 28 : i32
    %roll3A_1948 = tpu.dynamic_rotate %select_n3A_1939 by %roll3A_1947 dim 0 : vector<32x128xf32>, i32 -> vector<32x128xf32>
    %roll3A_1949 = arith.constant 4 : i32
    %roll3A_1950 = tpu.dynamic_rotate %select_n3A_1939 by %roll3A_1949 dim 0 : vector<32x128xf32>, i32 -> vector<32x128xf32>
    %select_n3A_1951 = arith.select %eq3A_1946, %roll3A_1948, %roll3A_1950 : vector<32x128xi1>, vector<32x128xf32>
    %roll3A_1952 = arith.constant 28 : i32
    %roll3A_1953 = tpu.dynamic_rotate %select_n3A_1940 by %roll3A_1952 dim 0 : vector<32x128xi32>, i32 -> vector<32x128xi32>
    %roll3A_1954 = arith.constant 4 : i32
    %roll3A_1955 = tpu.dynamic_rotate %select_n3A_1940 by %roll3A_1954 dim 0 : vector<32x128xi32>, i32 -> vector<32x128xi32>
    %select_n3A_1956 = arith.select %eq3A_1946, %roll3A_1953, %roll3A_1955 : vector<32x128xi1>, vector<32x128xi32>
    %gt3A_1957 = arith.cmpf ogt, %select_n3A_1951, %select_n3A_1939 : vector<32x128xf32>
    %eq3A_1958 = arith.cmpf oeq, %select_n3A_1951, %select_n3A_1939 : vector<32x128xf32>
    %lt3A_1959 = arith.cmpi slt, %select_n3A_1956, %select_n3A_1940 : vector<32x128xi32>
    %and3A_1960 = arith.andi %eq3A_1958, %lt3A_1959 : vector<32x128xi1>
    %or3A_1961 = arith.ori %gt3A_1957, %and3A_1960 : vector<32x128xi1>
    %not3A_1962 = arith.constant dense<true> : vector<32x128xi1>
    %not3A_1963 = arith.xori %eq3A_1946, %not3A_1962 : vector<32x128xi1>
    %ne3A_1964 = arith.xori %not3A_1963, %eq3A_1886 : vector<32x128xi1>
    %ne3A_1965 = arith.xori %or3A_1961, %ne3A_1964 : vector<32x128xi1>
    %select_n3A_1966 = arith.select %ne3A_1965, %select_n3A_1951, %select_n3A_1939 : vector<32x128xi1>, vector<32x128xf32>
    %select_n3A_1967 = arith.select %ne3A_1965, %select_n3A_1956, %select_n3A_1940 : vector<32x128xi1>, vector<32x128xi32>
    %and3A_1968 = arith.constant 256 : i32
    %and3A_1969 = vector.broadcast %and3A_1968 : i32 to vector<32x128xi32>
    %and3A_1970 = arith.andi %add3A, %and3A_1969 : vector<32x128xi32>
    %eq3A_1971 = arith.constant 0 : i32
    %eq3A_1972 = vector.broadcast %eq3A_1971 : i32 to vector<32x128xi32>
    %eq3A_1973 = arith.cmpi eq, %and3A_1970, %eq3A_1972 : vector<32x128xi32>
    %roll3A_1974 = arith.constant 30 : i32
    %roll3A_1975 = tpu.dynamic_rotate %select_n3A_1966 by %roll3A_1974 dim 0 : vector<32x128xf32>, i32 -> vector<32x128xf32>
    %roll3A_1976 = arith.constant 2 : i32
    %roll3A_1977 = tpu.dynamic_rotate %select_n3A_1966 by %roll3A_1976 dim 0 : vector<32x128xf32>, i32 -> vector<32x128xf32>
    %select_n3A_1978 = arith.select %eq3A_1973, %roll3A_1975, %roll3A_1977 : vector<32x128xi1>, vector<32x128xf32>
    %roll3A_1979 = arith.constant 30 : i32
    %roll3A_1980 = tpu.dynamic_rotate %select_n3A_1967 by %roll3A_1979 dim 0 : vector<32x128xi32>, i32 -> vector<32x128xi32>
    %roll3A_1981 = arith.constant 2 : i32
    %roll3A_1982 = tpu.dynamic_rotate %select_n3A_1967 by %roll3A_1981 dim 0 : vector<32x128xi32>, i32 -> vector<32x128xi32>
    %select_n3A_1983 = arith.select %eq3A_1973, %roll3A_1980, %roll3A_1982 : vector<32x128xi1>, vector<32x128xi32>
    %gt3A_1984 = arith.cmpf ogt, %select_n3A_1978, %select_n3A_1966 : vector<32x128xf32>
    %eq3A_1985 = arith.cmpf oeq, %select_n3A_1978, %select_n3A_1966 : vector<32x128xf32>
    %lt3A_1986 = arith.cmpi slt, %select_n3A_1983, %select_n3A_1967 : vector<32x128xi32>
    %and3A_1987 = arith.andi %eq3A_1985, %lt3A_1986 : vector<32x128xi1>
    %or3A_1988 = arith.ori %gt3A_1984, %and3A_1987 : vector<32x128xi1>
    %not3A_1989 = arith.constant dense<true> : vector<32x128xi1>
    %not3A_1990 = arith.xori %eq3A_1973, %not3A_1989 : vector<32x128xi1>
    %ne3A_1991 = arith.xori %not3A_1990, %eq3A_1886 : vector<32x128xi1>
    %ne3A_1992 = arith.xori %or3A_1988, %ne3A_1991 : vector<32x128xi1>
    %select_n3A_1993 = arith.select %ne3A_1992, %select_n3A_1978, %select_n3A_1966 : vector<32x128xi1>, vector<32x128xf32>
    %select_n3A_1994 = arith.select %ne3A_1992, %select_n3A_1983, %select_n3A_1967 : vector<32x128xi1>, vector<32x128xi32>
    %and3A_1995 = arith.constant 128 : i32
    %and3A_1996 = vector.broadcast %and3A_1995 : i32 to vector<32x128xi32>
    %and3A_1997 = arith.andi %add3A, %and3A_1996 : vector<32x128xi32>
    %eq3A_1998 = arith.constant 0 : i32
    %eq3A_1999 = vector.broadcast %eq3A_1998 : i32 to vector<32x128xi32>
    %eq3A_2000 = arith.cmpi eq, %and3A_1997, %eq3A_1999 : vector<32x128xi32>
    %roll3A_2001 = arith.constant 31 : i32
    %roll3A_2002 = tpu.dynamic_rotate %select_n3A_1993 by %roll3A_2001 dim 0 : vector<32x128xf32>, i32 -> vector<32x128xf32>
    %roll3A_2003 = arith.constant 1 : i32
    %roll3A_2004 = tpu.dynamic_rotate %select_n3A_1993 by %roll3A_2003 dim 0 : vector<32x128xf32>, i32 -> vector<32x128xf32>
    %select_n3A_2005 = arith.select %eq3A_2000, %roll3A_2002, %roll3A_2004 : vector<32x128xi1>, vector<32x128xf32>
    %roll3A_2006 = arith.constant 31 : i32
    %roll3A_2007 = tpu.dynamic_rotate %select_n3A_1994 by %roll3A_2006 dim 0 : vector<32x128xi32>, i32 -> vector<32x128xi32>
    %roll3A_2008 = arith.constant 1 : i32
    %roll3A_2009 = tpu.dynamic_rotate %select_n3A_1994 by %roll3A_2008 dim 0 : vector<32x128xi32>, i32 -> vector<32x128xi32>
    %select_n3A_2010 = arith.select %eq3A_2000, %roll3A_2007, %roll3A_2009 : vector<32x128xi1>, vector<32x128xi32>
    %gt3A_2011 = arith.cmpf ogt, %select_n3A_2005, %select_n3A_1993 : vector<32x128xf32>
    %eq3A_2012 = arith.cmpf oeq, %select_n3A_2005, %select_n3A_1993 : vector<32x128xf32>
    %lt3A_2013 = arith.cmpi slt, %select_n3A_2010, %select_n3A_1994 : vector<32x128xi32>
    %and3A_2014 = arith.andi %eq3A_2012, %lt3A_2013 : vector<32x128xi1>
    %or3A_2015 = arith.ori %gt3A_2011, %and3A_2014 : vector<32x128xi1>
    %not3A_2016 = arith.constant dense<true> : vector<32x128xi1>
    %not3A_2017 = arith.xori %eq3A_2000, %not3A_2016 : vector<32x128xi1>
    %ne3A_2018 = arith.xori %not3A_2017, %eq3A_1886 : vector<32x128xi1>
    %ne3A_2019 = arith.xori %or3A_2015, %ne3A_2018 : vector<32x128xi1>
    %select_n3A_2020 = arith.select %ne3A_2019, %select_n3A_2005, %select_n3A_1993 : vector<32x128xi1>, vector<32x128xf32>
    %select_n3A_2021 = arith.select %ne3A_2019, %select_n3A_2010, %select_n3A_1994 : vector<32x128xi1>, vector<32x128xi32>
    %and3A_2022 = arith.constant 64 : i32
    %and3A_2023 = vector.broadcast %and3A_2022 : i32 to vector<32x128xi32>
    %and3A_2024 = arith.andi %add3A, %and3A_2023 : vector<32x128xi32>
    %eq3A_2025 = arith.constant 0 : i32
    %eq3A_2026 = vector.broadcast %eq3A_2025 : i32 to vector<32x128xi32>
    %eq3A_2027 = arith.cmpi eq, %and3A_2024, %eq3A_2026 : vector<32x128xi32>
    %roll3A_2028 = arith.constant 64 : i32
    %roll3A_2029 = tpu.dynamic_rotate %select_n3A_2020 by %roll3A_2028 dim 1 : vector<32x128xf32>, i32 -> vector<32x128xf32>
    %roll3A_2030 = arith.constant 64 : i32
    %roll3A_2031 = tpu.dynamic_rotate %select_n3A_2020 by %roll3A_2030 dim 1 : vector<32x128xf32>, i32 -> vector<32x128xf32>
    %select_n3A_2032 = arith.select %eq3A_2027, %roll3A_2029, %roll3A_2031 : vector<32x128xi1>, vector<32x128xf32>
    %roll3A_2033 = arith.constant 64 : i32
    %roll3A_2034 = tpu.dynamic_rotate %select_n3A_2021 by %roll3A_2033 dim 1 : vector<32x128xi32>, i32 -> vector<32x128xi32>
    %roll3A_2035 = arith.constant 64 : i32
    %roll3A_2036 = tpu.dynamic_rotate %select_n3A_2021 by %roll3A_2035 dim 1 : vector<32x128xi32>, i32 -> vector<32x128xi32>
    %select_n3A_2037 = arith.select %eq3A_2027, %roll3A_2034, %roll3A_2036 : vector<32x128xi1>, vector<32x128xi32>
    %gt3A_2038 = arith.cmpf ogt, %select_n3A_2032, %select_n3A_2020 : vector<32x128xf32>
    %eq3A_2039 = arith.cmpf oeq, %select_n3A_2032, %select_n3A_2020 : vector<32x128xf32>
    %lt3A_2040 = arith.cmpi slt, %select_n3A_2037, %select_n3A_2021 : vector<32x128xi32>
    %and3A_2041 = arith.andi %eq3A_2039, %lt3A_2040 : vector<32x128xi1>
    %or3A_2042 = arith.ori %gt3A_2038, %and3A_2041 : vector<32x128xi1>
    %not3A_2043 = arith.constant dense<true> : vector<32x128xi1>
    %not3A_2044 = arith.xori %eq3A_2027, %not3A_2043 : vector<32x128xi1>
    %ne3A_2045 = arith.xori %not3A_2044, %eq3A_1886 : vector<32x128xi1>
    %ne3A_2046 = arith.xori %or3A_2042, %ne3A_2045 : vector<32x128xi1>
    %select_n3A_2047 = arith.select %ne3A_2046, %select_n3A_2032, %select_n3A_2020 : vector<32x128xi1>, vector<32x128xf32>
    %select_n3A_2048 = arith.select %ne3A_2046, %select_n3A_2037, %select_n3A_2021 : vector<32x128xi1>, vector<32x128xi32>
    %and3A_2049 = arith.constant 32 : i32
    %and3A_2050 = vector.broadcast %and3A_2049 : i32 to vector<32x128xi32>
    %and3A_2051 = arith.andi %add3A, %and3A_2050 : vector<32x128xi32>
    %eq3A_2052 = arith.constant 0 : i32
    %eq3A_2053 = vector.broadcast %eq3A_2052 : i32 to vector<32x128xi32>
    %eq3A_2054 = arith.cmpi eq, %and3A_2051, %eq3A_2053 : vector<32x128xi32>
    %roll3A_2055 = arith.constant 96 : i32
    %roll3A_2056 = tpu.dynamic_rotate %select_n3A_2047 by %roll3A_2055 dim 1 : vector<32x128xf32>, i32 -> vector<32x128xf32>
    %roll3A_2057 = arith.constant 32 : i32
    %roll3A_2058 = tpu.dynamic_rotate %select_n3A_2047 by %roll3A_2057 dim 1 : vector<32x128xf32>, i32 -> vector<32x128xf32>
    %select_n3A_2059 = arith.select %eq3A_2054, %roll3A_2056, %roll3A_2058 : vector<32x128xi1>, vector<32x128xf32>
    %roll3A_2060 = arith.constant 96 : i32
    %roll3A_2061 = tpu.dynamic_rotate %select_n3A_2048 by %roll3A_2060 dim 1 : vector<32x128xi32>, i32 -> vector<32x128xi32>
    %roll3A_2062 = arith.constant 32 : i32
    %roll3A_2063 = tpu.dynamic_rotate %select_n3A_2048 by %roll3A_2062 dim 1 : vector<32x128xi32>, i32 -> vector<32x128xi32>
    %select_n3A_2064 = arith.select %eq3A_2054, %roll3A_2061, %roll3A_2063 : vector<32x128xi1>, vector<32x128xi32>
    %gt3A_2065 = arith.cmpf ogt, %select_n3A_2059, %select_n3A_2047 : vector<32x128xf32>
    %eq3A_2066 = arith.cmpf oeq, %select_n3A_2059, %select_n3A_2047 : vector<32x128xf32>
    %lt3A_2067 = arith.cmpi slt, %select_n3A_2064, %select_n3A_2048 : vector<32x128xi32>
    %and3A_2068 = arith.andi %eq3A_2066, %lt3A_2067 : vector<32x128xi1>
    %or3A_2069 = arith.ori %gt3A_2065, %and3A_2068 : vector<32x128xi1>
    %not3A_2070 = arith.constant dense<true> : vector<32x128xi1>
    %not3A_2071 = arith.xori %eq3A_2054, %not3A_2070 : vector<32x128xi1>
    %ne3A_2072 = arith.xori %not3A_2071, %eq3A_1886 : vector<32x128xi1>
    %ne3A_2073 = arith.xori %or3A_2069, %ne3A_2072 : vector<32x128xi1>
    %select_n3A_2074 = arith.select %ne3A_2073, %select_n3A_2059, %select_n3A_2047 : vector<32x128xi1>, vector<32x128xf32>
    %select_n3A_2075 = arith.select %ne3A_2073, %select_n3A_2064, %select_n3A_2048 : vector<32x128xi1>, vector<32x128xi32>
    %and3A_2076 = arith.constant 16 : i32
    %and3A_2077 = vector.broadcast %and3A_2076 : i32 to vector<32x128xi32>
    %and3A_2078 = arith.andi %add3A, %and3A_2077 : vector<32x128xi32>
    %eq3A_2079 = arith.constant 0 : i32
    %eq3A_2080 = vector.broadcast %eq3A_2079 : i32 to vector<32x128xi32>
    %eq3A_2081 = arith.cmpi eq, %and3A_2078, %eq3A_2080 : vector<32x128xi32>
    %roll3A_2082 = arith.constant 112 : i32
    %roll3A_2083 = tpu.dynamic_rotate %select_n3A_2074 by %roll3A_2082 dim 1 : vector<32x128xf32>, i32 -> vector<32x128xf32>
    %roll3A_2084 = arith.constant 16 : i32
    %roll3A_2085 = tpu.dynamic_rotate %select_n3A_2074 by %roll3A_2084 dim 1 : vector<32x128xf32>, i32 -> vector<32x128xf32>
    %select_n3A_2086 = arith.select %eq3A_2081, %roll3A_2083, %roll3A_2085 : vector<32x128xi1>, vector<32x128xf32>
    %roll3A_2087 = arith.constant 112 : i32
    %roll3A_2088 = tpu.dynamic_rotate %select_n3A_2075 by %roll3A_2087 dim 1 : vector<32x128xi32>, i32 -> vector<32x128xi32>
    %roll3A_2089 = arith.constant 16 : i32
    %roll3A_2090 = tpu.dynamic_rotate %select_n3A_2075 by %roll3A_2089 dim 1 : vector<32x128xi32>, i32 -> vector<32x128xi32>
    %select_n3A_2091 = arith.select %eq3A_2081, %roll3A_2088, %roll3A_2090 : vector<32x128xi1>, vector<32x128xi32>
    %gt3A_2092 = arith.cmpf ogt, %select_n3A_2086, %select_n3A_2074 : vector<32x128xf32>
    %eq3A_2093 = arith.cmpf oeq, %select_n3A_2086, %select_n3A_2074 : vector<32x128xf32>
    %lt3A_2094 = arith.cmpi slt, %select_n3A_2091, %select_n3A_2075 : vector<32x128xi32>
    %and3A_2095 = arith.andi %eq3A_2093, %lt3A_2094 : vector<32x128xi1>
    %or3A_2096 = arith.ori %gt3A_2092, %and3A_2095 : vector<32x128xi1>
    %not3A_2097 = arith.constant dense<true> : vector<32x128xi1>
    %not3A_2098 = arith.xori %eq3A_2081, %not3A_2097 : vector<32x128xi1>
    %ne3A_2099 = arith.xori %not3A_2098, %eq3A_1886 : vector<32x128xi1>
    %ne3A_2100 = arith.xori %or3A_2096, %ne3A_2099 : vector<32x128xi1>
    %select_n3A_2101 = arith.select %ne3A_2100, %select_n3A_2086, %select_n3A_2074 : vector<32x128xi1>, vector<32x128xf32>
    %select_n3A_2102 = arith.select %ne3A_2100, %select_n3A_2091, %select_n3A_2075 : vector<32x128xi1>, vector<32x128xi32>
    %and3A_2103 = arith.constant 8 : i32
    %and3A_2104 = vector.broadcast %and3A_2103 : i32 to vector<32x128xi32>
    %and3A_2105 = arith.andi %add3A, %and3A_2104 : vector<32x128xi32>
    %eq3A_2106 = arith.constant 0 : i32
    %eq3A_2107 = vector.broadcast %eq3A_2106 : i32 to vector<32x128xi32>
    %eq3A_2108 = arith.cmpi eq, %and3A_2105, %eq3A_2107 : vector<32x128xi32>
    %roll3A_2109 = arith.constant 120 : i32
    %roll3A_2110 = tpu.dynamic_rotate %select_n3A_2101 by %roll3A_2109 dim 1 : vector<32x128xf32>, i32 -> vector<32x128xf32>
    %roll3A_2111 = arith.constant 8 : i32
    %roll3A_2112 = tpu.dynamic_rotate %select_n3A_2101 by %roll3A_2111 dim 1 : vector<32x128xf32>, i32 -> vector<32x128xf32>
    %select_n3A_2113 = arith.select %eq3A_2108, %roll3A_2110, %roll3A_2112 : vector<32x128xi1>, vector<32x128xf32>
    %roll3A_2114 = arith.constant 120 : i32
    %roll3A_2115 = tpu.dynamic_rotate %select_n3A_2102 by %roll3A_2114 dim 1 : vector<32x128xi32>, i32 -> vector<32x128xi32>
    %roll3A_2116 = arith.constant 8 : i32
    %roll3A_2117 = tpu.dynamic_rotate %select_n3A_2102 by %roll3A_2116 dim 1 : vector<32x128xi32>, i32 -> vector<32x128xi32>
    %select_n3A_2118 = arith.select %eq3A_2108, %roll3A_2115, %roll3A_2117 : vector<32x128xi1>, vector<32x128xi32>
    %gt3A_2119 = arith.cmpf ogt, %select_n3A_2113, %select_n3A_2101 : vector<32x128xf32>
    %eq3A_2120 = arith.cmpf oeq, %select_n3A_2113, %select_n3A_2101 : vector<32x128xf32>
    %lt3A_2121 = arith.cmpi slt, %select_n3A_2118, %select_n3A_2102 : vector<32x128xi32>
    %and3A_2122 = arith.andi %eq3A_2120, %lt3A_2121 : vector<32x128xi1>
    %or3A_2123 = arith.ori %gt3A_2119, %and3A_2122 : vector<32x128xi1>
    %not3A_2124 = arith.constant dense<true> : vector<32x128xi1>
    %not3A_2125 = arith.xori %eq3A_2108, %not3A_2124 : vector<32x128xi1>
    %ne3A_2126 = arith.xori %not3A_2125, %eq3A_1886 : vector<32x128xi1>
    %ne3A_2127 = arith.xori %or3A_2123, %ne3A_2126 : vector<32x128xi1>
    %select_n3A_2128 = arith.select %ne3A_2127, %select_n3A_2113, %select_n3A_2101 : vector<32x128xi1>, vector<32x128xf32>
    %select_n3A_2129 = arith.select %ne3A_2127, %select_n3A_2118, %select_n3A_2102 : vector<32x128xi1>, vector<32x128xi32>
    %and3A_2130 = arith.constant 4 : i32
    %and3A_2131 = vector.broadcast %and3A_2130 : i32 to vector<32x128xi32>
    %and3A_2132 = arith.andi %add3A, %and3A_2131 : vector<32x128xi32>
    %eq3A_2133 = arith.constant 0 : i32
    %eq3A_2134 = vector.broadcast %eq3A_2133 : i32 to vector<32x128xi32>
    %eq3A_2135 = arith.cmpi eq, %and3A_2132, %eq3A_2134 : vector<32x128xi32>
    %roll3A_2136 = arith.constant 124 : i32
    %roll3A_2137 = tpu.dynamic_rotate %select_n3A_2128 by %roll3A_2136 dim 1 : vector<32x128xf32>, i32 -> vector<32x128xf32>
    %roll3A_2138 = arith.constant 4 : i32
    %roll3A_2139 = tpu.dynamic_rotate %select_n3A_2128 by %roll3A_2138 dim 1 : vector<32x128xf32>, i32 -> vector<32x128xf32>
    %select_n3A_2140 = arith.select %eq3A_2135, %roll3A_2137, %roll3A_2139 : vector<32x128xi1>, vector<32x128xf32>
    %roll3A_2141 = arith.constant 124 : i32
    %roll3A_2142 = tpu.dynamic_rotate %select_n3A_2129 by %roll3A_2141 dim 1 : vector<32x128xi32>, i32 -> vector<32x128xi32>
    %roll3A_2143 = arith.constant 4 : i32
    %roll3A_2144 = tpu.dynamic_rotate %select_n3A_2129 by %roll3A_2143 dim 1 : vector<32x128xi32>, i32 -> vector<32x128xi32>
    %select_n3A_2145 = arith.select %eq3A_2135, %roll3A_2142, %roll3A_2144 : vector<32x128xi1>, vector<32x128xi32>
    %gt3A_2146 = arith.cmpf ogt, %select_n3A_2140, %select_n3A_2128 : vector<32x128xf32>
    %eq3A_2147 = arith.cmpf oeq, %select_n3A_2140, %select_n3A_2128 : vector<32x128xf32>
    %lt3A_2148 = arith.cmpi slt, %select_n3A_2145, %select_n3A_2129 : vector<32x128xi32>
    %and3A_2149 = arith.andi %eq3A_2147, %lt3A_2148 : vector<32x128xi1>
    %or3A_2150 = arith.ori %gt3A_2146, %and3A_2149 : vector<32x128xi1>
    %not3A_2151 = arith.constant dense<true> : vector<32x128xi1>
    %not3A_2152 = arith.xori %eq3A_2135, %not3A_2151 : vector<32x128xi1>
    %ne3A_2153 = arith.xori %not3A_2152, %eq3A_1886 : vector<32x128xi1>
    %ne3A_2154 = arith.xori %or3A_2150, %ne3A_2153 : vector<32x128xi1>
    %select_n3A_2155 = arith.select %ne3A_2154, %select_n3A_2140, %select_n3A_2128 : vector<32x128xi1>, vector<32x128xf32>
    %select_n3A_2156 = arith.select %ne3A_2154, %select_n3A_2145, %select_n3A_2129 : vector<32x128xi1>, vector<32x128xi32>
    %and3A_2157 = arith.constant 2 : i32
    %and3A_2158 = vector.broadcast %and3A_2157 : i32 to vector<32x128xi32>
    %and3A_2159 = arith.andi %add3A, %and3A_2158 : vector<32x128xi32>
    %eq3A_2160 = arith.constant 0 : i32
    %eq3A_2161 = vector.broadcast %eq3A_2160 : i32 to vector<32x128xi32>
    %eq3A_2162 = arith.cmpi eq, %and3A_2159, %eq3A_2161 : vector<32x128xi32>
    %roll3A_2163 = arith.constant 126 : i32
    %roll3A_2164 = tpu.dynamic_rotate %select_n3A_2155 by %roll3A_2163 dim 1 : vector<32x128xf32>, i32 -> vector<32x128xf32>
    %roll3A_2165 = arith.constant 2 : i32
    %roll3A_2166 = tpu.dynamic_rotate %select_n3A_2155 by %roll3A_2165 dim 1 : vector<32x128xf32>, i32 -> vector<32x128xf32>
    %select_n3A_2167 = arith.select %eq3A_2162, %roll3A_2164, %roll3A_2166 : vector<32x128xi1>, vector<32x128xf32>
    %roll3A_2168 = arith.constant 126 : i32
    %roll3A_2169 = tpu.dynamic_rotate %select_n3A_2156 by %roll3A_2168 dim 1 : vector<32x128xi32>, i32 -> vector<32x128xi32>
    %roll3A_2170 = arith.constant 2 : i32
    %roll3A_2171 = tpu.dynamic_rotate %select_n3A_2156 by %roll3A_2170 dim 1 : vector<32x128xi32>, i32 -> vector<32x128xi32>
    %select_n3A_2172 = arith.select %eq3A_2162, %roll3A_2169, %roll3A_2171 : vector<32x128xi1>, vector<32x128xi32>
    %gt3A_2173 = arith.cmpf ogt, %select_n3A_2167, %select_n3A_2155 : vector<32x128xf32>
    %eq3A_2174 = arith.cmpf oeq, %select_n3A_2167, %select_n3A_2155 : vector<32x128xf32>
    %lt3A_2175 = arith.cmpi slt, %select_n3A_2172, %select_n3A_2156 : vector<32x128xi32>
    %and3A_2176 = arith.andi %eq3A_2174, %lt3A_2175 : vector<32x128xi1>
    %or3A_2177 = arith.ori %gt3A_2173, %and3A_2176 : vector<32x128xi1>
    %not3A_2178 = arith.constant dense<true> : vector<32x128xi1>
    %not3A_2179 = arith.xori %eq3A_2162, %not3A_2178 : vector<32x128xi1>
    %ne3A_2180 = arith.xori %not3A_2179, %eq3A_1886 : vector<32x128xi1>
    %ne3A_2181 = arith.xori %or3A_2177, %ne3A_2180 : vector<32x128xi1>
    %select_n3A_2182 = arith.select %ne3A_2181, %select_n3A_2167, %select_n3A_2155 : vector<32x128xi1>, vector<32x128xf32>
    %select_n3A_2183 = arith.select %ne3A_2181, %select_n3A_2172, %select_n3A_2156 : vector<32x128xi1>, vector<32x128xi32>
    %and3A_2184 = arith.constant 1 : i32
    %and3A_2185 = vector.broadcast %and3A_2184 : i32 to vector<32x128xi32>
    %and3A_2186 = arith.andi %add3A, %and3A_2185 : vector<32x128xi32>
    %eq3A_2187 = arith.constant 0 : i32
    %eq3A_2188 = vector.broadcast %eq3A_2187 : i32 to vector<32x128xi32>
    %eq3A_2189 = arith.cmpi eq, %and3A_2186, %eq3A_2188 : vector<32x128xi32>
    %roll3A_2190 = arith.constant 127 : i32
    %roll3A_2191 = tpu.dynamic_rotate %select_n3A_2182 by %roll3A_2190 dim 1 : vector<32x128xf32>, i32 -> vector<32x128xf32>
    %roll3A_2192 = arith.constant 1 : i32
    %roll3A_2193 = tpu.dynamic_rotate %select_n3A_2182 by %roll3A_2192 dim 1 : vector<32x128xf32>, i32 -> vector<32x128xf32>
    %select_n3A_2194 = arith.select %eq3A_2189, %roll3A_2191, %roll3A_2193 : vector<32x128xi1>, vector<32x128xf32>
    %roll3A_2195 = arith.constant 127 : i32
    %roll3A_2196 = tpu.dynamic_rotate %select_n3A_2183 by %roll3A_2195 dim 1 : vector<32x128xi32>, i32 -> vector<32x128xi32>
    %roll3A_2197 = arith.constant 1 : i32
    %roll3A_2198 = tpu.dynamic_rotate %select_n3A_2183 by %roll3A_2197 dim 1 : vector<32x128xi32>, i32 -> vector<32x128xi32>
    %select_n3A_2199 = arith.select %eq3A_2189, %roll3A_2196, %roll3A_2198 : vector<32x128xi1>, vector<32x128xi32>
    %gt3A_2200 = arith.cmpf ogt, %select_n3A_2194, %select_n3A_2182 : vector<32x128xf32>
    %eq3A_2201 = arith.cmpf oeq, %select_n3A_2194, %select_n3A_2182 : vector<32x128xf32>
    %lt3A_2202 = arith.cmpi slt, %select_n3A_2199, %select_n3A_2183 : vector<32x128xi32>
    %and3A_2203 = arith.andi %eq3A_2201, %lt3A_2202 : vector<32x128xi1>
    %or3A_2204 = arith.ori %gt3A_2200, %and3A_2203 : vector<32x128xi1>
    %not3A_2205 = arith.constant dense<true> : vector<32x128xi1>
    %not3A_2206 = arith.xori %eq3A_2189, %not3A_2205 : vector<32x128xi1>
    %ne3A_2207 = arith.xori %not3A_2206, %eq3A_1886 : vector<32x128xi1>
    %ne3A_2208 = arith.xori %or3A_2204, %ne3A_2207 : vector<32x128xi1>
    %select_n3A_2209 = arith.select %ne3A_2208, %select_n3A_2194, %select_n3A_2182 : vector<32x128xi1>, vector<32x128xf32>
    %select_n3A_2210 = arith.select %ne3A_2208, %select_n3A_2199, %select_n3A_2183 : vector<32x128xi1>, vector<32x128xi32>
    %slice3A = vector.extract_strided_slice %select_n3A_2209 {offsets = [0, 0], sizes = [16, 128], strides = [1, 1]} : vector<32x128xf32> to vector<16x128xf32>
    %reshape3A_2211 = vector.shape_cast %slice3A : vector<16x128xf32> to vector<2048xf32>
    %swap3A = arith.constant 0 : index
    %swap3A_2212 = arith.constant 0 : index
    %swap3A_2213 = arith.constant 0 : index
    %swap3A_2214 = vector.load %arg2[%swap3A, %swap3A_2212, %swap3A_2213] : memref<1x1x2048xf32, #tpu.memory_space<vmem>>, vector<1x1x2048xf32>
    %swap3A_2215 = vector.shape_cast %swap3A_2214 : vector<1x1x2048xf32> to vector<2048xf32>
    %swap3A_2216 = vector.shape_cast %reshape3A_2211 : vector<2048xf32> to vector<1x1x2048xf32>
    tpu.vector_store %arg2[%swap3A, %swap3A_2212, %swap3A_2213], %swap3A_2216 {strides = array<i32>} : memref<1x1x2048xf32, #tpu.memory_space<vmem>>, vector<1x1x2048xf32>,
    %slice3A_2217 = vector.extract_strided_slice %select_n3A_2210 {offsets = [0, 0], sizes = [16, 128], strides = [1, 1]} : vector<32x128xi32> to vector<16x128xi32>
    %reshape3A_2218 = vector.shape_cast %slice3A_2217 : vector<16x128xi32> to vector<2048xi32>
    %swap3A_2219 = arith.constant 0 : index
    %swap3A_2220 = arith.constant 0 : index
    %swap3A_2221 = arith.constant 0 : index
    %swap3A_2222 = vector.load %arg3[%swap3A_2219, %swap3A_2220, %swap3A_2221] : memref<1x1x2048xi32, #tpu.memory_space<vmem>>, vector<1x1x2048xi32>
    %swap3A_2223 = vector.shape_cast %swap3A_2222 : vector<1x1x2048xi32> to vector<2048xi32>
    %swap3A_2224 = vector.shape_cast %reshape3A_2218 : vector<2048xi32> to vector<1x1x2048xi32>
    tpu.vector_store %arg3[%swap3A_2219, %swap3A_2220, %swap3A_2221], %swap3A_2224 {strides = array<i32>} : memref<1x1x2048xi32, #tpu.memory_space<vmem>>, vector<1x1x2048xi32>,
    %slice3A_2225 = vector.extract_strided_slice %select_n3A_2210 {offsets = [0, 0], sizes = [16, 128], strides = [1, 1]} : vector<32x128xi32> to vector<16x128xi32>
    %reshape3A_2226 = vector.shape_cast %slice3A_2225 : vector<16x128xi32> to vector<2048xi32>
    %mul3A_2227 = arith.constant 4096 : i32
    %mul3A_2228 = arith.muli %arg0, %mul3A_2227 : i32
    %add3A_2229 = vector.broadcast %mul3A_2228 : i32 to vector<2048xi32>
    %add3A_2230 = arith.addi %reshape3A_2226, %add3A_2229 : vector<2048xi32>
    %swap3A_2231 = arith.constant 0 : index
    %swap3A_2232 = arith.constant 0 : index
    %swap3A_2233 = arith.constant 0 : index
    %swap3A_2234 = vector.load %arg4[%swap3A_2231, %swap3A_2232, %swap3A_2233] : memref<1x1x2048xi32, #tpu.memory_space<vmem>>, vector<1x1x2048xi32>
    %swap3A_2235 = vector.shape_cast %swap3A_2234 : vector<1x1x2048xi32> to vector<2048xi32>
    %swap3A_2236 = vector.shape_cast %add3A_2230 : vector<2048xi32> to vector<1x1x2048xi32>
    tpu.vector_store %arg4[%swap3A_2231, %swap3A_2232, %swap3A_2233], %swap3A_2236 {strides = array<i32>} : memref<1x1x2048xi32, #tpu.memory_space<vmem>>, vector<1x1x2048xi32>,
    return
  }
  func.func @transform_0(%arg0: i32) -> (i32, i32, i32) {
    %c0_i32 = arith.constant 0 : i32
    %c0_i32_0 = arith.constant 0 : i32
    %c0_i32_1 = arith.constant 0 : i32
    return %arg0, %c0_i32, %c0_i32_0 : i32, i32, i32
  }
  func.func @transform_1(%arg0: i32) -> (i32, i32, i32) {
    %c0_i32 = arith.constant 0 : i32
    %c0_i32_0 = arith.constant 0 : i32
    %c0_i32_1 = arith.constant 0 : i32
    return %arg0, %c0_i32, %c0_i32_0 : i32, i32, i32
  }
  func.func @transform_2(%arg0: i32) -> (i32, i32, i32) {
    %c0_i32 = arith.constant 0 : i32
    %c0_i32_0 = arith.constant 0 : i32
    %c0_i32_1 = arith.constant 0 : i32
    return %arg0, %c0_i32, %c0_i32_0 : i32, i32, i32
  }
  func.func @transform_3(%arg0: i32) -> (i32, i32, i32) {
    %c0_i32 = arith.constant 0 : i32
    %c0_i32_0 = arith.constant 0 : i32
    %c0_i32_1 = arith.constant 0 : i32
    return %arg0, %c0_i32, %c0_i32_0 : i32, i32, i32
  }
}

</mosaic_0001>

<sc_bundles>
// kernel: kernel.5.cloned.1.call-start
scs
__scs_entry_jumppad:
0x0: {  	(pc) =	sbr.rel $0x88, $3  }
0x1: {  	(tag) =	ssettag $0x0;
	lr =	simm.s32 $0x1  }
0x2: {  	[smem:$0x3F9E] =	sst lr;
	_ =	strace $0xD0000000  }
0x3: {  	_ = 	snop  }
0x4: {  	_ = 	snop  }
0x5: {  	_ = 	snop  }
0x6: {  	_ = 	snop  }
0x7: {  	_ = 	snop  }
__scs_overlays_trampoline_lowered:
0x8: {  	[smem:$0x3FAD] =	sst s0  }
0x9: {  	[smem:$0x3FAE] =	sst s1  }
0xa: {  	[smem:$0x3FAF] =	sst s2  }
0xb: {  	[smem:$0x3FB0] =	sst s3  }
0xc: {  	[smem:$0x3FB1] =	sst s4  }
0xd: {  	[smem:$0x3FB2] =	sst s5  }
0xe: {  	[smem:$0x3FB3] =	sst s6  }
0xf: {  	[smem:$0x3FB4] =	sst s7  }
0x10: {  	[smem:$0x3FB5] =	sst s8  }
0x11: {  	[smem:$0x3FB6] =	sst s9;
	s0 =	simm.s32 @!p0 $0x0  }
0x12: {  	s1 =	sld [smem:$0x3F9C];
	s0 =	simm.s32 @p0 $0x1  }
0x13: {  	[smem:$0x3FB7] =	sst s0;
	s0 =	simm.s32 @!p1 $0x0  }
0x14: {  	s2 =	sld [smem:$0x3F9B];
	s0 =	simm.s32 @p1 $0x1  }
0x15: {  	[smem:$0x3FB8] =	sst s0;
	s0 =	simm.s32 @!p2 $0x0  }
0x16: {  	s3 =	sld [smem:$0x3FDB];
	s0 =	simm.s32 @p2 $0x1  }
0x17: {  	s4 =	simm.s32 $0x1BF5;
	[smem:$0x3FBA] =	sst s0  }
0x18: {  	s0 =	sld [smem:$0x3F9D];
	_ =	swait.ge [sflag:s4], $0x0  }
0x19: {  	s7 =	sld [smem:$0x3F9E]  }
0x1a: {  	s8 =	sadd.s32 $0xFFFFE003, lr  }
0x1b: {  	s9 =	sadd.s32 $0xFFFFFEF7, lr;
	s5 =	simm.s32 $0xFFFFFFFF;
	p2 =	slt.u32 s8, $0xFFFFF086  }
0x1c: {  	p1 =	slt.u32 s9, $0xF7A;
	s5 =	simm.s32 @!p2 $0x0  }
0x1d: {  	s5 =	simm.s32 @p1 $0x1;
	p0 =	seq.s32 s7, s2  }
0x1e: {  	s7 =	smul.u32 @!p0 $0xF7A, s2;
	p2 =	seq.s32 @!p0 s5, $0x0  }
0x1f: {  	s9 =	smul.u32 $0xF7A, s1;
	s8 =	simm.s32 @!p0 $0x1BF5;
	p2 =	por !p2, p0  }
0x20: {  	[sflag:s8] =	ssyncset.s32 @!p0 $0xFFFFF086;
	s6 =	sadd.s32 @!p0 s3, s7;
	s7 =	simm.s32 @!p0 $0x108  }
0x21: {  	s3 =	sadd.s32 s3, s9;
	s6 =	sadd.s32 @!p0 $0x88, s6;
	s7 =	simm.s32 @p2 $0x1082  }
0x22: {  	[simem:s7], [sflag:s8] =	dma.local @!p0 [hbm:s6], $0xF7A  }
0x23: {  	s9 =	sor.u32 $0xD0000000, s2;
	s6 =	simm.s32 $0x108;
	_ =	swait.ge @!p0 [sflag:s8], $0x0  }
0x24: {  	s3 =	sadd.s32 $0x88, s3;
	s6 =	simm.s32 @!p1 $0x1082;
	[sflag:s4] =	ssyncset.s32 $0xFFFFF086  }
0x25: {  	[simem:s6], [sflag:s4] =	dma.local [hbm:s3], $0xF7A  }
0x26: {  	[smem:$0x3F9E] =	sst s1;
	(tag) =	ssettag s2;
	_ =	strace s9  }
0x27: {  	s1 =	sld [smem:$0x3FAE]  }
0x28: {  	s2 =	sld [smem:$0x3FAF]  }
0x29: {  	s4 =	sld [smem:$0x3FB1]  }
0x2a: {  	p0 =	seq.s32 s5, $0x0;
	s5 =	sld [smem:$0x3FB2]  }
0x2b: {  	s6 =	sld [smem:$0x3FB3]  }
0x2c: {  	s7 =	sld [smem:$0x3FB4]  }
0x2d: {  	s3 =	simm.s32 $0x108;
	s8 =	sld [smem:$0x3FB5]  }
0x2e: {  	s3 =	simm.s32 @!p0 $0x1082;
	s9 =	sld [smem:$0x3FB6]  }
0x2f: {  	lr =	sadd.s32 s0, s3;
	s0 =	sld [smem:$0x3FAD]  }
0x30: {  	s3 =	sld [smem:$0x3FB0]  }
0x31: {  	[smem:$0x3FB9] =	sst s10  }
0x32: {  	s10 =	sld [smem:$0x3FB7];
	_ =	sdelay $0x3  }
0x33: {  	p0 =	seq.s32 s10, $0x1;
	s10 =	sld [smem:$0x3FB9];
	_ =	sdelay $0x3  }
0x34: {  	[smem:$0x3FB9] =	sst s10  }
0x35: {  	s10 =	sld [smem:$0x3FB8];
	_ =	sdelay $0x3  }
0x36: {  	p1 =	seq.s32 s10, $0x1;
	s10 =	sld [smem:$0x3FB9];
	_ =	sdelay $0x3  }
0x37: {  	[smem:$0x3FB9] =	sst s10  }
0x38: {  	s10 =	sld [smem:$0x3FBA]  }
0x39: {  	_ = 	snop;
	(pc) =	sbr.ind lr, $3  }
0x3a: {  	_ = 	snop  }
0x3b: {  	_ = 	snop  }
0x3c: {  	p2 =	seq.s32 s10, $0x1;
	s10 =	sld [smem:$0x3FB9]  }
0x3d: {  	_ =	shalt  }
0x3e: {  	_ =	shalt  }
0x3f: {  	_ =	shalt  }
0x40: {  	_ =	shalt  }
0x41: {  	_ =	shalt  }
0x42: {  	_ =	shalt  }
0x43: {  	_ =	shalt  }
0x44: {  	_ =	shalt  }
0x45: {  	_ =	shalt  }
0x46: {  	_ =	shalt  }
0x47: {  	_ =	shalt  }
0x48: {  	_ =	shalt  }
0x49: {  	_ =	shalt  }
0x4a: {  	_ =	shalt  }
0x4b: {  	_ =	shalt  }
0x4c: {  	_ =	shalt  }
0x4d: {  	_ =	shalt  }
0x4e: {  	_ =	shalt  }
0x4f: {  	_ =	shalt  }
0x50: {  	_ =	shalt  }
0x51: {  	_ =	shalt  }
0x52: {  	_ =	shalt  }
0x53: {  	_ =	shalt  }
0x54: {  	_ =	shalt  }
0x55: {  	_ =	shalt  }
0x56: {  	_ =	shalt  }
0x57: {  	_ =	shalt  }
0x58: {  	_ =	shalt  }
0x59: {  	_ =	shalt  }
0x5a: {  	_ =	shalt  }
0x5b: {  	_ =	shalt  }
0x5c: {  	_ =	shalt  }
0x5d: {  	_ =	shalt  }
0x5e: {  	_ =	shalt  }
0x5f: {  	_ =	shalt  }
0x60: {  	_ =	shalt  }
0x61: {  	_ =	shalt  }
0x62: {  	_ =	shalt  }
0x63: {  	_ =	shalt  }
0x64: {  	_ =	shalt  }
0x65: {  	_ =	shalt  }
0x66: {  	_ =	shalt  }
0x67: {  	_ =	shalt  }
0x68: {  	_ =	shalt  }
0x69: {  	_ =	shalt  }
0x6a: {  	_ =	shalt  }
0x6b: {  	_ =	shalt  }
0x6c: {  	_ =	shalt  }
0x6d: {  	_ =	shalt  }
0x6e: {  	_ =	shalt  }
0x6f: {  	_ =	shalt  }
0x70: {  	_ =	shalt  }
0x71: {  	_ =	shalt  }
0x72: {  	_ =	shalt  }
0x73: {  	_ =	shalt  }
0x74: {  	_ =	shalt  }
0x75: {  	_ =	shalt  }
0x76: {  	_ =	shalt  }
0x77: {  	_ =	shalt  }
0x78: {  	_ =	shalt  }
0x79: {  	_ =	shalt  }
0x7a: {  	_ =	shalt  }
0x7b: {  	_ =	shalt  }
0x7c: {  	_ =	shalt  }
0x7d: {  	_ =	shalt  }
0x7e: {  	_ =	shalt  }
0x7f: {  	_ =	shalt  }
0x80: {  	_ =	shalt  }
0x81: {  	_ =	shalt  }
0x82: {  	_ =	shalt  }
0x83: {  	_ =	shalt  }
0x84: {  	_ =	shalt  }
0x85: {  	_ =	shalt  }
0x86: {  	_ =	shalt  }
0x87: {  	_ =	shalt  }
.Lfunc_end0:
.L_simem_size_0:
called_computation_lowered:
.L_overlay_start_0:
0x88: {  	s2 =	sld [smem:$0x3FD9]  }
0x89: {  	s3 =	sld [smem:$0x3FFE];
	_ =	sdelay $0x1  }
0x8a: {  	s1 =	srdreg.scid  }
0x8b: {  	s0 =	sand.u32 $0x1, s1  }
0x8c: {  	s14 =	sshll.u32 s0, $0xA;
	s2 =	sadd.s32 s3, s2  }
0x8d: {  	s2 =	sadd.s32 s2, s14  }
0x8e: {  	[smem:$0x3FC5] =	sst s2  }
0x8f: {  	_ = 	snop  }
0x90: {  	s2 =	sld [smem:$0x3FD0];
	_ =	sdelay $0x2  }
0x91: {  	s4 =	simm.s32 $0xA;
	s5 =	simm.s32 $0x10;
	s15 =	sld [smem:$0x3FC9]  }
0x92: {  	[smem:s5], [sflag:s4] =	dma.local [hbm:s2], $0x1  }
0x93: {  	_ =	swait.eq [sflag:s4], $0x1  }
0x94: {  	[sflag:s4] =	ssyncset.done $0x0  }
0x95: {  	[sflag:s4] =	ssyncadd.s32 $0xFFFFFFFF  }
0x96: {  	s16 =	sld [smem:$0x10];
	(tm) =	ssettm $0x1  }
0x97: {  	s17 =	sld [smem:$0x3FFB];
	_ =	sdelay $0x3  }
0x98: {  	_ =	strace s17  }
0x99: {  	s4 =	sld [smem:$0x3FFC];
	_ =	sdelay $0x3  }
0x9a: {  	_ =	strace s4  }
0x9b: {  	s4 =	sld [smem:$0x3FFD];
	_ =	sdelay $0x3  }
0x9c: {  	_ =	strace s4  }
0x9d: {  	_ =	strace $0x8FFFFFFF  }
0x9e: {  	s18 =	sld [smem:$0x3FDB];
	_ =	sdelay $0x1  }
0x9f: {  	s19 =	simm.s32 $_scs_section_size  }
0xa0: {  	s6 =	simm.s32 $_size__tile_overlayer_lowered;
	s7 =	simm.s32 $_tile_overlayer_lowered  }
0xa1: {  	s22 =	simm.s32 $0x1BFF;
	s21 =	sshll.u32 s7, $0x1;
	s4 =	sadd.s32 s19, s18  }
0xa2: {  	s8 =	simm.s32 $0x0;
	s20 =	sshll.u32 s6, $0x1;
	s6 =	sadd.s32 s21, s4  }
0xa3: {  	[timem:s8], [sflag:s22] =	dma.local [hbm:s6], s20  }
0xa4: {  	_ =	swait.ge [sflag:s22], s20  }
0xa5: {  	s5 =	ssub.s32 $0x0, s20;
	[sflag:s22] =	ssyncset.done $0x0  }
0xa6: {  	[sflag:s22] =	ssyncadd.s32 s5;
	_ =	sdelay $0x1  }
0xa7: {  	s23 =	simm.s32 $0x1B8B  }
0xa8: {  	_ =	swait.ge [sflag:s23], $0x1  }
0xa9: {  	[sflag:s23] =	ssyncset.done $0x0  }
0xaa: {  	s25 =	simm.s32 $0x1B8E;
	s24 =	sld [smem:$0x3FFE];
	[sflag:s23] =	ssyncadd.s32 $0xFFFFFFFF  }
0xab: {  	s26 =	simm.s32 $execute0_lowered;
	[smem:$0x3FD2] =	sst s25  }
0xac: {  	s6 =	sshll.u32 s26, $0x1;
	_ =	strace $0x80000046;
	[dreg:$0x1] =	wrdreg $0xFFFFFFFF  }
0xad: {  	s28 =	simm.s32 $_size_execute0_lowered;
	s4 =	sadd.s32 s4, s6;
	[dreg:$0x0] =	wrdreg $0x0  }
0xae: {  	s6 =	sshll.u32 s28, $0x1;
	[dreg:$0x2] =	wrdreg s4  }
0xaf: {  	[dreg:$0x3] =	wrdreg s6  }
0xb0: {  	[dreg:$0x4] =	wrdreg $0xC0  }
0xb1: {  	_ =	task [dreg:s8], $0x5FFFF  }
0xb2: {  	[dreg:$0x1] =	wrdreg $0xFFFFFFFF  }
0xb3: {  	[dreg:$0x0] =	wrdreg $0x60  }
0xb4: {  	[dreg:$0x2] =	wrdreg s15  }
0xb5: {  	[dreg:$0x3] =	wrdreg s24  }
0xb6: {  	[dreg:$0x4] =	wrdreg s16  }
0xb7: {  	[dreg:$0x5] =	wrdreg $0x9  }
0xb8: {  	_ =	task.clear_ibuf [dreg:s8], $0x6FFFF;
	_ =	strace $0x90000046  }
0xb9: {  	s29 =	simm.s32 $0x9;
	_ =	strace $0x80000048  }
0xba: {  	_ =	swait.ge [sflag:s29], $0x1  }
0xbb: {  	[sflag:s29] =	ssyncadd.s32 $0xFFFFFFFF  }
0xbc: {  	_ =	strace $0x90000048  }
0xbd: {  	_ =	sfence  }
0xbe: {  	s30 =	sld [smem:$0x0];
	_ =	sdelay $0x2  }
0xbf: {  	s31 =	sshll.u32 s1, $0xD;
	s1 =	sshrl.u32 s1, $0x2  }
0xc0: {  	s3 =	sand.u32 $0x4000, s31;
	s1 =	sadd.s32 s1, s30  }
0xc1: {  	s0 =	sor.u32 s3, s0;
	s1 =	sshll.u32 s1, $0x11  }
0xc2: {  	s0 =	sor.u32 s1, s0  }
0xc3: {  	s0 =	sadd.s32 $0x8F2B, s0  }
0xc4: {  	[sflag:s0] =	ssyncadd.remote.s32 $0x1  }
0xc5: {  	_ =	sfence.sel $0xFFFF  }
0xc6: {  	[dreg:$0x0] =	wrdreg $0xFFFFFFFF;
	(pc) =	sbr.abs _section_cstart, $3  }
0xc7: {  	[dreg:$0x1] =	wrdreg $0xFFFFFFFF  }
0xc8: {  	_ =	task.clear_ibuf [dreg:s8], $0x2FFFF;
	_ =	strace $0x9FFFFFFF  }
0xc9: {  	(tm) =	ssettm $0x7FFFFFFF  }
tec
execute0_lowered:
.L_overlay_start_1:
0x0: {  	(tag) =	ssettag $0x1  }
0x1: {  	s1 =	rddreg [dreg:$0x0]  }
0x2: {  	s0 =	srdreg.scid;
	s2 =	rddreg [dreg:$0x1]  }
0x3: {  	s7 =	stileid.u32;
	s4 =	rddreg [dreg:$0x2]  }
0x4: {  	s14 =	simm.s32 $0x10900;
	s15 =	simm.s32 $0x11100;
	s16 =	simm.s32 $0x11900  }
0x5: {  	s17 =	simm.s32 $0x12100;
	s18 =	simm.s32 $0x12900;
	s19 =	simm.s32 $0x13100  }
0x6: {  	s22 =	simm.s32 $0x13900;
	s23 =	simm.s32 $0x14100;
	s24 =	simm.s32 $0x14900  }
0x7: {  	s25 =	simm.s32 $0x15100;
	s29 =	simm.s32 $0x900;
	s0 =	sand.u32 $0x1, s0  }
0x8: {  	s30 =	simm.s32 $0x1100;
	s3 =	sshll.u32 s7, $0x9;
	s5 =	sshll.u32 s0, $0x8  }
0x9: {  	s31 =	simm.s32 $0x2900;
	s20 =	sor.u32 s5, s3;
	s3 =	simm.s32 $0x0  }
0xa: {  	s28 =	simm.s32 $0x8100;
	s13 =	sshll.u32 s7, $0x12;
	[smem:$0x7FF] =	sst s3  }
0xb: {  	s7 =	sadd.s32 $0x300, s1;
	_ =	strace $0x80000047;
	[dreg:$0x5] =	wrdreg s14  }
0xc: {  	s8 =	sadd.s32 $0x400, s1;
	s9 =	sadd.s32 $0x500, s1;
	[dreg:$0x6] =	wrdreg s15  }
0xd: {  	s10 =	sadd.s32 $0x600, s1;
	s11 =	sadd.s32 $0x700, s1;
	[dreg:$0x7] =	wrdreg s16  }
0xe: {  	s6 =	ssub.s32 $0x2, s0;
	s0 =	sshll.u32 s0, $0x11;
	[dreg:$0x8] =	wrdreg s17  }
0xf: {  	s12 =	sshrl.u32 s6, $0x1;
	s5 =	sshrl.u32 s20, $0x3;
	[dreg:$0x9] =	wrdreg s18  }
0x10: {  	s21 =	ssub.s32 s6, s12;
	s6 =	sadd.s32 $0x200, s1;
	[dreg:$0xa] =	wrdreg s19  }
0x11: {  	s12 =	sadd.s32 $0x800, s1;
	s26 =	sshll.u32 s20, $0x9;
	[dreg:$0xb] =	wrdreg s22  }
0x12: {  	s20 =	simm.s32 $0x15900;
	s2 =	sadd.s32 s5, s2;
	[dreg:$0xc] =	wrdreg s23  }
0x13: {  	s5 =	sadd.s32 $0x100, s1;
	s14 =	sadd.s32 $0xA00, s1;
	[dreg:$0xd] =	wrdreg s24  }
0x14: {  	s15 =	sadd.s32 $0xB00, s1;
	s16 =	sadd.s32 $0xC00, s1;
	[dreg:$0xe] =	wrdreg s25  }
0x15: {  	s17 =	sadd.s32 $0xD00, s1;
	[dreg:$0xf] =	wrdreg s20;
	s22 =	simm.s32 $0x16100  }
0x16: {  	s18 =	sadd.s32 $0xE00, s1;
	s23 =	simm.s32 $0x16900;
	[dreg:$0x10] =	wrdreg s22  }
0x17: {  	s19 =	sadd.s32 $0xF00, s1;
	s25 =	smax.u32 s21, $0x1;
	[dreg:$0x11] =	wrdreg s23  }
0x18: {  	s24 =	simm.s32 $0x17100;
	s20 =	simm.s32 $0x4;
	[dreg:$0x17] =	wrdreg s25  }
0x19: {  	s21 =	simm.s32 $0x3;
	s2 =	sadd.s32 $0x1A00, s2;
	[dreg:$0x12] =	wrdreg s24  }
0x1a: {  	s24 =	simm.s32 $0x100;
	s25 =	simm.s32 $0x1900;
	s22 =	simm.s32 $0x5  }
0x1b: {  	s23 =	simm.s32 $0x0;
	[dreg:$0x14] =	wrdreg s2;
	s2 =	sadd.s32 s13, s4  }
0x1c: {  	s13 =	sadd.s32 $0x900, s1;
	[dreg:$0x18] =	wrdreg s23;
	s0 =	sadd.s32 s0, s2  }
0x1d: {  	s2 =	sadd.s32 s26, s4;
	s26 =	simm.s32 $0x17900;
	[dreg:$0x4] =	wrdreg s0  }
0x1e: {  	v0 =	vlaneseq.u32;
	s4 =	sadd.s32 $0x1E000, s2;
	s2 =	sadd.s32 $0x1F000, s2;
	[dreg:$0x13] =	wrdreg s26  }
0x1f: {  	v1 =	vshrl.u32 v0, $0x3;
	s26 =	simm.s32 $0x2100;
	s0 =	simm.s32 $0x10100;
	[dreg:$0x15] =	wrdreg s4  }
0x20: {  	vm0 =	vmmov $0xffff;
	v0 =	vand.u32 $0x7, v0;
	v1 =	vmul.u32 $0x8, v1;
	[dreg:$0x16] =	wrdreg s2;
	s2 =	simm.s32 $0x1;
	s4 =	simm.s32 $0x2  }
.LBB2_1:
0x21: {  	s23 =	rddreg [dreg:$0x14]  }
0x22: {  	[tilespmem:s3], [sflag:$0x7] =	stream.linear.gather [hbm4b:s23+s3], $0x100, $0x38;
	[tilespmem:$0x18100] =	vst v63  }
0x23: {  	s23 =	simm.s32 $0x7  }
0x24: {  	_ =	swait.ge [sflag:s23], $0x100  }
0x25: {  	[sflag:s23] =	ssyncset.done $0x0  }
0x26: {  	[sflag:s23] =	ssyncadd.s32 $0xFFFFFF00  }
0x27: {  	v2 =	vld.msk [tilespmem:$0x0], $0xff;
	_ =	sdelay $0x4  }
0x28: {  	v3 =	vshll.u32 v2, $0x5  }
0x29: {  	v2 =	vand.u32 $0x7, v2;
	v3 =	vand.u32 $0xFFFFFF00, v3  }
0x2a: {  	v2 =	vor.u32 v2, v3  }
0x2b: {  	v2 =	vperm.xlane v2, v0;
	_ =	sdelay $0x1  }
0x2c: {  	v2 =	vadd.s32 v1, v2;
	_ =	sdelay $0x4  }
0x2d: {  	[tilespmem:s24], [sflag:$0x1] =	stream.indirect_vreg.gather [hbm4b:s1+s3], $0x80, v2, vm0, $0xb8;
	[tilespmem:$0x18100] =	vst v63  }
0x2e: {  	_ = 	snop  }
0x2f: {  	[tilespmem:s29], [sflag:$0x1] =	stream.indirect_vreg.gather [hbm4b:s5+s3], $0x80, v2, vm0, $0xb8;
	[tilespmem:$0x18100] =	vst v63  }
0x30: {  	_ = 	snop  }
0x31: {  	[tilespmem:s30], [sflag:$0x1] =	stream.indirect_vreg.gather [hbm4b:s6+s3], $0x80, v2, vm0, $0xb8;
	[tilespmem:$0x18100] =	vst v63  }
0x32: {  	_ = 	snop  }
0x33: {  	[tilespmem:s25], [sflag:$0x1] =	stream.indirect_vreg.gather [hbm4b:s7+s3], $0x80, v2, vm0, $0xb8;
	[tilespmem:$0x18100] =	vst v63  }
0x34: {  	_ = 	snop  }
0x35: {  	[tilespmem:s26], [sflag:$0x1] =	stream.indirect_vreg.gather [hbm4b:s8+s3], $0x80, v2, vm0, $0xb8;
	[tilespmem:$0x18100] =	vst v63  }
0x36: {  	_ = 	snop  }
0x37: {  	[tilespmem:s31], [sflag:$0x1] =	stream.indirect_vreg.gather [hbm4b:s9+s3], $0x80, v2, vm0, $0xb8;
	[tilespmem:$0x18100] =	vst v63  }
0x38: {  	s25 =	simm.s32 $0x3100  }
0x39: {  	[tilespmem:s25], [sflag:$0x1] =	stream.indirect_vreg.gather [hbm4b:s10+s3], $0x80, v2, vm0, $0xb8;
	[tilespmem:$0x18100] =	vst v63  }
0x3a: {  	s26 =	simm.s32 $0x3900  }
0x3b: {  	[tilespmem:s26], [sflag:$0x1] =	stream.indirect_vreg.gather [hbm4b:s11+s3], $0x80, v2, vm0, $0xb8;
	[tilespmem:$0x18100] =	vst v63  }
0x3c: {  	s29 =	simm.s32 $0x4100  }
0x3d: {  	[tilespmem:s29], [sflag:$0x1] =	stream.indirect_vreg.gather [hbm4b:s12+s3], $0x80, v2, vm0, $0xb8;
	[tilespmem:$0x18100] =	vst v63  }
0x3e: {  	s30 =	simm.s32 $0x4900  }
0x3f: {  	[tilespmem:s30], [sflag:$0x1] =	stream.indirect_vreg.gather [hbm4b:s13+s3], $0x80, v2, vm0, $0xb8;
	[tilespmem:$0x18100] =	vst v63  }
0x40: {  	s31 =	simm.s32 $0x5100  }
0x41: {  	[tilespmem:s31], [sflag:$0x1] =	stream.indirect_vreg.gather [hbm4b:s14+s3], $0x80, v2, vm0, $0xb8;
	[tilespmem:$0x18100] =	vst v63  }
0x42: {  	s25 =	simm.s32 $0x5900  }
0x43: {  	[tilespmem:s25], [sflag:$0x1] =	stream.indirect_vreg.gather [hbm4b:s15+s3], $0x80, v2, vm0, $0xb8;
	[tilespmem:$0x18100] =	vst v63  }
0x44: {  	s26 =	simm.s32 $0x6100  }
0x45: {  	[tilespmem:s26], [sflag:$0x1] =	stream.indirect_vreg.gather [hbm4b:s16+s3], $0x80, v2, vm0, $0xb8;
	[tilespmem:$0x18100] =	vst v63  }
0x46: {  	s29 =	simm.s32 $0x6900  }
0x47: {  	[tilespmem:s29], [sflag:$0x1] =	stream.indirect_vreg.gather [hbm4b:s17+s3], $0x80, v2, vm0, $0xb8;
	[tilespmem:$0x18100] =	vst v63  }
0x48: {  	s30 =	simm.s32 $0x7100  }
0x49: {  	[tilespmem:s30], [sflag:$0x1] =	stream.indirect_vreg.gather [hbm4b:s18+s3], $0x80, v2, vm0, $0xb8;
	[tilespmem:$0x18100] =	vst v63  }
0x4a: {  	s31 =	simm.s32 $0x7900  }
0x4b: {  	[tilespmem:s31], [sflag:$0x1] =	stream.indirect_vreg.gather [hbm4b:s19+s3], $0x80, v2, vm0, $0xb8;
	[tilespmem:$0x18100] =	vst v63  }
0x4c: {  	v2 =	vld.msk [tilespmem:$0x8], $0xff;
	_ =	sdelay $0x4  }
0x4d: {  	v3 =	vshll.u32 v2, $0x5  }
0x4e: {  	v2 =	vand.u32 $0x7, v2;
	v3 =	vand.u32 $0xFFFFFF00, v3  }
0x4f: {  	v2 =	vor.u32 v2, v3  }
0x50: {  	v2 =	vperm.xlane v2, v0;
	_ =	sdelay $0x1  }
0x51: {  	v2 =	vadd.s32 v1, v2;
	_ =	sdelay $0x4  }
0x52: {  	[tilespmem:s28], [sflag:$0x2] =	stream.indirect_vreg.gather [hbm4b:s1+s3], $0x80, v2, vm0, $0xb8;
	[tilespmem:$0x18100] =	vst v63  }
0x53: {  	s25 =	simm.s32 $0x8900  }
0x54: {  	[tilespmem:s25], [sflag:$0x2] =	stream.indirect_vreg.gather [hbm4b:s5+s3], $0x80, v2, vm0, $0xb8;
	[tilespmem:$0x18100] =	vst v63  }
0x55: {  	s26 =	simm.s32 $0x9100  }
0x56: {  	[tilespmem:s26], [sflag:$0x2] =	stream.indirect_vreg.gather [hbm4b:s6+s3], $0x80, v2, vm0, $0xb8;
	[tilespmem:$0x18100] =	vst v63  }
0x57: {  	s29 =	simm.s32 $0x9900  }
0x58: {  	[tilespmem:s29], [sflag:$0x2] =	stream.indirect_vreg.gather [hbm4b:s7+s3], $0x80, v2, vm0, $0xb8;
	[tilespmem:$0x18100] =	vst v63  }
0x59: {  	s30 =	simm.s32 $0xA100  }
0x5a: {  	[tilespmem:s30], [sflag:$0x2] =	stream.indirect_vreg.gather [hbm4b:s8+s3], $0x80, v2, vm0, $0xb8;
	[tilespmem:$0x18100] =	vst v63  }
0x5b: {  	s31 =	simm.s32 $0xA900  }
0x5c: {  	[tilespmem:s31], [sflag:$0x2] =	stream.indirect_vreg.gather [hbm4b:s9+s3], $0x80, v2, vm0, $0xb8;
	[tilespmem:$0x18100] =	vst v63  }
0x5d: {  	s25 =	simm.s32 $0xB100  }
0x5e: {  	[tilespmem:s25], [sflag:$0x2] =	stream.indirect_vreg.gather [hbm4b:s10+s3], $0x80, v2, vm0, $0xb8;
	[tilespmem:$0x18100] =	vst v63  }
0x5f: {  	s26 =	simm.s32 $0xB900  }
0x60: {  	[tilespmem:s26], [sflag:$0x2] =	stream.indirect_vreg.gather [hbm4b:s11+s3], $0x80, v2, vm0, $0xb8;
	[tilespmem:$0x18100] =	vst v63  }
0x61: {  	s29 =	simm.s32 $0xC100  }
0x62: {  	[tilespmem:s29], [sflag:$0x2] =	stream.indirect_vreg.gather [hbm4b:s12+s3], $0x80, v2, vm0, $0xb8;
	[tilespmem:$0x18100] =	vst v63  }
0x63: {  	s30 =	simm.s32 $0xC900  }
0x64: {  	[tilespmem:s30], [sflag:$0x2] =	stream.indirect_vreg.gather [hbm4b:s13+s3], $0x80, v2, vm0, $0xb8;
	[tilespmem:$0x18100] =	vst v63  }
0x65: {  	s31 =	simm.s32 $0xD100  }
0x66: {  	[tilespmem:s31], [sflag:$0x2] =	stream.indirect_vreg.gather [hbm4b:s14+s3], $0x80, v2, vm0, $0xb8;
	[tilespmem:$0x18100] =	vst v63  }
0x67: {  	s25 =	simm.s32 $0xD900  }
0x68: {  	[tilespmem:s25], [sflag:$0x2] =	stream.indirect_vreg.gather [hbm4b:s15+s3], $0x80, v2, vm0, $0xb8;
	[tilespmem:$0x18100] =	vst v63  }
0x69: {  	s26 =	simm.s32 $0xE100  }
0x6a: {  	[tilespmem:s26], [sflag:$0x2] =	stream.indirect_vreg.gather [hbm4b:s16+s3], $0x80, v2, vm0, $0xb8;
	[tilespmem:$0x18100] =	vst v63  }
0x6b: {  	s29 =	simm.s32 $0xE900  }
0x6c: {  	[tilespmem:s29], [sflag:$0x2] =	stream.indirect_vreg.gather [hbm4b:s17+s3], $0x80, v2, vm0, $0xb8;
	[tilespmem:$0x18100] =	vst v63  }
0x6d: {  	s30 =	simm.s32 $0xF100  }
0x6e: {  	[tilespmem:s30], [sflag:$0x2] =	stream.indirect_vreg.gather [hbm4b:s18+s3], $0x80, v2, vm0, $0xb8;
	[tilespmem:$0x18100] =	vst v63  }
0x6f: {  	s23 =	simm.s32 $0x20;
	s31 =	simm.s32 $0xF900;
	s25 =	simm.s32 $0x0  }
0x70: {  	[tilespmem:s31], [sflag:$0x2] =	stream.indirect_vreg.gather [hbm4b:s19+s3], $0x80, v2, vm0, $0xb8;
	[tilespmem:$0x18100] =	vst v63  }
.LBB2_2:
0x71: {  	_ =	swait.ge [sflag:s2], $0x8000  }
0x72: {  	p0 =	seq.s32 s25, $0x0;
	s26 =	rddreg [dreg:$0x4];
	[sflag:s2] =	ssyncset.done $0x0  }
0x73: {  	s29 =	simm.s32 @!p0 $0x6;
	[sflag:s2] =	ssyncadd.s32 $0xFFFF8000;
	s26 =	sadd.s32 s25, s26  }
0x74: {  	[hbm4b:s26+s3] =	stream.linear.scatter [tilespmem:s24], [sflag:$0x4], $0x8000, $0x38;
	[tilespmem:$0x18100] =	vst v63  }
0x75: {  	_ =	swait.ge @!p0 [sflag:s29], $0x8000  }
0x76: {  	[sflag:s29] =	ssyncset.done @!p0 $0x0  }
0x77: {  	[sflag:s29] =	ssyncadd.s32 @!p0 $0xFFFF8000  }
0x78: {  	v2 =	vld.msk [tilespmem:s23+$0xFFFFFFF0], $0xff;
	_ =	sdelay $0x4  }
0x79: {  	v3 =	vshll.u32 v2, $0x5  }
0x7a: {  	v2 =	vand.u32 $0x7, v2;
	v3 =	vand.u32 $0xFFFFFF00, v3  }
0x7b: {  	v2 =	vor.u32 v2, v3  }
0x7c: {  	v2 =	vperm.xlane v2, v0;
	_ =	sdelay $0x1  }
0x7d: {  	v2 =	vadd.s32 v1, v2;
	_ =	sdelay $0x4  }
0x7e: {  	[tilespmem:s0], [sflag:$0x3] =	stream.indirect_vreg.gather [hbm4b:s1+s3], $0x80, v2, vm0, $0xb8;
	[tilespmem:$0x18100] =	vst v63  }
0x7f: {  	s29 =	rddreg [dreg:$0x5]  }
0x80: {  	[tilespmem:s29], [sflag:$0x3] =	stream.indirect_vreg.gather [hbm4b:s5+s3], $0x80, v2, vm0, $0xb8;
	[tilespmem:$0x18100] =	vst v63  }
0x81: {  	s30 =	rddreg [dreg:$0x6]  }
0x82: {  	[tilespmem:s30], [sflag:$0x3] =	stream.indirect_vreg.gather [hbm4b:s6+s3], $0x80, v2, vm0, $0xb8;
	[tilespmem:$0x18100] =	vst v63  }
0x83: {  	s29 =	rddreg [dreg:$0x7]  }
0x84: {  	[tilespmem:s29], [sflag:$0x3] =	stream.indirect_vreg.gather [hbm4b:s7+s3], $0x80, v2, vm0, $0xb8;
	[tilespmem:$0x18100] =	vst v63  }
0x85: {  	s30 =	rddreg [dreg:$0x8]  }
0x86: {  	[tilespmem:s30], [sflag:$0x3] =	stream.indirect_vreg.gather [hbm4b:s8+s3], $0x80, v2, vm0, $0xb8;
	[tilespmem:$0x18100] =	vst v63  }
0x87: {  	s29 =	rddreg [dreg:$0x9]  }
0x88: {  	[tilespmem:s29], [sflag:$0x3] =	stream.indirect_vreg.gather [hbm4b:s9+s3], $0x80, v2, vm0, $0xb8;
	[tilespmem:$0x18100] =	vst v63  }
0x89: {  	s30 =	rddreg [dreg:$0xa]  }
0x8a: {  	[tilespmem:s30], [sflag:$0x3] =	stream.indirect_vreg.gather [hbm4b:s10+s3], $0x80, v2, vm0, $0xb8;
	[tilespmem:$0x18100] =	vst v63  }
0x8b: {  	s29 =	rddreg [dreg:$0xb]  }
0x8c: {  	[tilespmem:s29], [sflag:$0x3] =	stream.indirect_vreg.gather [hbm4b:s11+s3], $0x80, v2, vm0, $0xb8;
	[tilespmem:$0x18100] =	vst v63  }
0x8d: {  	s30 =	rddreg [dreg:$0xc]  }
0x8e: {  	[tilespmem:s30], [sflag:$0x3] =	stream.indirect_vreg.gather [hbm4b:s12+s3], $0x80, v2, vm0, $0xb8;
	[tilespmem:$0x18100] =	vst v63  }
0x8f: {  	s29 =	rddreg [dreg:$0xd]  }
0x90: {  	[tilespmem:s29], [sflag:$0x3] =	stream.indirect_vreg.gather [hbm4b:s13+s3], $0x80, v2, vm0, $0xb8;
	[tilespmem:$0x18100] =	vst v63  }
0x91: {  	s30 =	rddreg [dreg:$0xe]  }
0x92: {  	[tilespmem:s30], [sflag:$0x3] =	stream.indirect_vreg.gather [hbm4b:s14+s3], $0x80, v2, vm0, $0xb8;
	[tilespmem:$0x18100] =	vst v63  }
0x93: {  	s29 =	rddreg [dreg:$0xf]  }
0x94: {  	[tilespmem:s29], [sflag:$0x3] =	stream.indirect_vreg.gather [hbm4b:s15+s3], $0x80, v2, vm0, $0xb8;
	[tilespmem:$0x18100] =	vst v63  }
0x95: {  	s30 =	rddreg [dreg:$0x10]  }
0x96: {  	[tilespmem:s30], [sflag:$0x3] =	stream.indirect_vreg.gather [hbm4b:s16+s3], $0x80, v2, vm0, $0xb8;
	[tilespmem:$0x18100] =	vst v63  }
0x97: {  	s29 =	rddreg [dreg:$0x11]  }
0x98: {  	[tilespmem:s29], [sflag:$0x3] =	stream.indirect_vreg.gather [hbm4b:s17+s3], $0x80, v2, vm0, $0xb8;
	[tilespmem:$0x18100] =	vst v63  }
0x99: {  	s30 =	rddreg [dreg:$0x12]  }
0x9a: {  	[tilespmem:s30], [sflag:$0x3] =	stream.indirect_vreg.gather [hbm4b:s18+s3], $0x80, v2, vm0, $0xb8;
	[tilespmem:$0x18100] =	vst v63  }
0x9b: {  	s29 =	rddreg [dreg:$0x13]  }
0x9c: {  	[tilespmem:s29], [sflag:$0x3] =	stream.indirect_vreg.gather [hbm4b:s19+s3], $0x80, v2, vm0, $0xb8;
	[tilespmem:$0x18100] =	vst v63  }
0x9d: {  	_ =	swait.ge [sflag:s4], $0x8000  }
0x9e: {  	[sflag:s4] =	ssyncset.done $0x0  }
0x9f: {  	s29 =	sadd.s32 $0x1000, s26;
	[sflag:s4] =	ssyncadd.s32 $0xFFFF8000  }
0xa0: {  	[hbm4b:s29+s3] =	stream.linear.scatter [tilespmem:s28], [sflag:$0x5], $0x8000, $0x38;
	[tilespmem:$0x18100] =	vst v63  }
0xa1: {  	_ =	swait.ge [sflag:s20], $0x8000  }
0xa2: {  	[sflag:s20] =	ssyncset.done $0x0  }
0xa3: {  	[sflag:s20] =	ssyncadd.s32 $0xFFFF8000  }
0xa4: {  	v2 =	vld.msk [tilespmem:s23+$0xFFFFFFF8], $0xff;
	_ =	sdelay $0x4  }
0xa5: {  	v3 =	vshll.u32 v2, $0x5  }
0xa6: {  	v2 =	vand.u32 $0x7, v2;
	v3 =	vand.u32 $0xFFFFFF00, v3  }
0xa7: {  	v2 =	vor.u32 v2, v3  }
0xa8: {  	v2 =	vperm.xlane v2, v0;
	_ =	sdelay $0x1  }
0xa9: {  	v2 =	vadd.s32 v1, v2;
	_ =	sdelay $0x4  }
0xaa: {  	[tilespmem:s24], [sflag:$0x1] =	stream.indirect_vreg.gather [hbm4b:s1+s3], $0x80, v2, vm0, $0xb8;
	[tilespmem:$0x18100] =	vst v63  }
0xab: {  	s29 =	simm.s32 $0x900  }
0xac: {  	[tilespmem:s29], [sflag:$0x1] =	stream.indirect_vreg.gather [hbm4b:s5+s3], $0x80, v2, vm0, $0xb8;
	[tilespmem:$0x18100] =	vst v63  }
0xad: {  	s30 =	simm.s32 $0x1100  }
0xae: {  	[tilespmem:s30], [sflag:$0x1] =	stream.indirect_vreg.gather [hbm4b:s6+s3], $0x80, v2, vm0, $0xb8;
	[tilespmem:$0x18100] =	vst v63  }
0xaf: {  	s31 =	simm.s32 $0x1900  }
0xb0: {  	[tilespmem:s31], [sflag:$0x1] =	stream.indirect_vreg.gather [hbm4b:s7+s3], $0x80, v2, vm0, $0xb8;
	[tilespmem:$0x18100] =	vst v63  }
0xb1: {  	s31 =	simm.s32 $0x2100  }
0xb2: {  	[tilespmem:s31], [sflag:$0x1] =	stream.indirect_vreg.gather [hbm4b:s8+s3], $0x80, v2, vm0, $0xb8;
	[tilespmem:$0x18100] =	vst v63  }
0xb3: {  	s31 =	simm.s32 $0x2900  }
0xb4: {  	[tilespmem:s31], [sflag:$0x1] =	stream.indirect_vreg.gather [hbm4b:s9+s3], $0x80, v2, vm0, $0xb8;
	[tilespmem:$0x18100] =	vst v63  }
0xb5: {  	s31 =	simm.s32 $0x3100  }
0xb6: {  	[tilespmem:s31], [sflag:$0x1] =	stream.indirect_vreg.gather [hbm4b:s10+s3], $0x80, v2, vm0, $0xb8;
	[tilespmem:$0x18100] =	vst v63  }
0xb7: {  	s31 =	simm.s32 $0x3900  }
0xb8: {  	[tilespmem:s31], [sflag:$0x1] =	stream.indirect_vreg.gather [hbm4b:s11+s3], $0x80, v2, vm0, $0xb8;
	[tilespmem:$0x18100] =	vst v63  }
0xb9: {  	s31 =	simm.s32 $0x4100  }
0xba: {  	[tilespmem:s31], [sflag:$0x1] =	stream.indirect_vreg.gather [hbm4b:s12+s3], $0x80, v2, vm0, $0xb8;
	[tilespmem:$0x18100] =	vst v63  }
0xbb: {  	s31 =	simm.s32 $0x4900  }
0xbc: {  	[tilespmem:s31], [sflag:$0x1] =	stream.indirect_vreg.gather [hbm4b:s13+s3], $0x80, v2, vm0, $0xb8;
	[tilespmem:$0x18100] =	vst v63  }
0xbd: {  	s31 =	simm.s32 $0x5100  }
0xbe: {  	[tilespmem:s31], [sflag:$0x1] =	stream.indirect_vreg.gather [hbm4b:s14+s3], $0x80, v2, vm0, $0xb8;
	[tilespmem:$0x18100] =	vst v63  }
0xbf: {  	s31 =	simm.s32 $0x5900  }
0xc0: {  	[tilespmem:s31], [sflag:$0x1] =	stream.indirect_vreg.gather [hbm4b:s15+s3], $0x80, v2, vm0, $0xb8;
	[tilespmem:$0x18100] =	vst v63  }
0xc1: {  	s31 =	simm.s32 $0x6100  }
0xc2: {  	[tilespmem:s31], [sflag:$0x1] =	stream.indirect_vreg.gather [hbm4b:s16+s3], $0x80, v2, vm0, $0xb8;
	[tilespmem:$0x18100] =	vst v63  }
0xc3: {  	s31 =	simm.s32 $0x6900  }
0xc4: {  	[tilespmem:s31], [sflag:$0x1] =	stream.indirect_vreg.gather [hbm4b:s17+s3], $0x80, v2, vm0, $0xb8;
	[tilespmem:$0x18100] =	vst v63  }
0xc5: {  	s31 =	simm.s32 $0x7100  }
0xc6: {  	[tilespmem:s31], [sflag:$0x1] =	stream.indirect_vreg.gather [hbm4b:s18+s3], $0x80, v2, vm0, $0xb8;
	[tilespmem:$0x18100] =	vst v63  }
0xc7: {  	s31 =	simm.s32 $0x7900  }
0xc8: {  	[tilespmem:s31], [sflag:$0x1] =	stream.indirect_vreg.gather [hbm4b:s19+s3], $0x80, v2, vm0, $0xb8;
	[tilespmem:$0x18100] =	vst v63  }
0xc9: {  	_ =	swait.ge [sflag:s21], $0x8000  }
0xca: {  	[sflag:s21] =	ssyncset.done $0x0  }
0xcb: {  	s26 =	sadd.s32 $0x2000, s26;
	[sflag:s21] =	ssyncadd.s32 $0xFFFF8000  }
0xcc: {  	[hbm4b:s26+s3] =	stream.linear.scatter [tilespmem:s0], [sflag:$0x6], $0x8000, $0x38;
	[tilespmem:$0x18100] =	vst v63  }
0xcd: {  	_ =	swait.ge [sflag:s22], $0x8000  }
0xce: {  	[sflag:s22] =	ssyncset.done $0x0  }
0xcf: {  	[sflag:s22] =	ssyncadd.s32 $0xFFFF8000  }
0xd0: {  	v2 =	vld.msk [tilespmem:s23+$0x0], $0xff;
	_ =	sdelay $0x4  }
0xd1: {  	v3 =	vshll.u32 v2, $0x5  }
0xd2: {  	v2 =	vand.u32 $0x7, v2;
	v3 =	vand.u32 $0xFFFFFF00, v3  }
0xd3: {  	v2 =	vor.u32 v2, v3  }
0xd4: {  	v2 =	vperm.xlane v2, v0;
	_ =	sdelay $0x1  }
0xd5: {  	v2 =	vadd.s32 v1, v2;
	_ =	sdelay $0x4  }
0xd6: {  	[tilespmem:s28], [sflag:$0x2] =	stream.indirect_vreg.gather [hbm4b:s1+s3], $0x80, v2, vm0, $0xb8;
	[tilespmem:$0x18100] =	vst v63  }
0xd7: {  	s31 =	simm.s32 $0x8900  }
0xd8: {  	[tilespmem:s31], [sflag:$0x2] =	stream.indirect_vreg.gather [hbm4b:s5+s3], $0x80, v2, vm0, $0xb8;
	[tilespmem:$0x18100] =	vst v63  }
0xd9: {  	s31 =	simm.s32 $0x9100  }
0xda: {  	[tilespmem:s31], [sflag:$0x2] =	stream.indirect_vreg.gather [hbm4b:s6+s3], $0x80, v2, vm0, $0xb8;
	[tilespmem:$0x18100] =	vst v63  }
0xdb: {  	s31 =	simm.s32 $0x9900  }
0xdc: {  	[tilespmem:s31], [sflag:$0x2] =	stream.indirect_vreg.gather [hbm4b:s7+s3], $0x80, v2, vm0, $0xb8;
	[tilespmem:$0x18100] =	vst v63  }
0xdd: {  	s31 =	simm.s32 $0xA100  }
0xde: {  	[tilespmem:s31], [sflag:$0x2] =	stream.indirect_vreg.gather [hbm4b:s8+s3], $0x80, v2, vm0, $0xb8;
	[tilespmem:$0x18100] =	vst v63  }
0xdf: {  	s31 =	simm.s32 $0xA900  }
0xe0: {  	[tilespmem:s31], [sflag:$0x2] =	stream.indirect_vreg.gather [hbm4b:s9+s3], $0x80, v2, vm0, $0xb8;
	[tilespmem:$0x18100] =	vst v63  }
0xe1: {  	s31 =	simm.s32 $0xB100  }
0xe2: {  	[tilespmem:s31], [sflag:$0x2] =	stream.indirect_vreg.gather [hbm4b:s10+s3], $0x80, v2, vm0, $0xb8;
	[tilespmem:$0x18100] =	vst v63  }
0xe3: {  	s31 =	simm.s32 $0xB900  }
0xe4: {  	[tilespmem:s31], [sflag:$0x2] =	stream.indirect_vreg.gather [hbm4b:s11+s3], $0x80, v2, vm0, $0xb8;
	[tilespmem:$0x18100] =	vst v63  }
0xe5: {  	s31 =	simm.s32 $0xC100  }
0xe6: {  	[tilespmem:s31], [sflag:$0x2] =	stream.indirect_vreg.gather [hbm4b:s12+s3], $0x80, v2, vm0, $0xb8;
	[tilespmem:$0x18100] =	vst v63  }
0xe7: {  	s31 =	simm.s32 $0xC900  }
0xe8: {  	[tilespmem:s31], [sflag:$0x2] =	stream.indirect_vreg.gather [hbm4b:s13+s3], $0x80, v2, vm0, $0xb8;
	[tilespmem:$0x18100] =	vst v63  }
0xe9: {  	s31 =	simm.s32 $0xD100  }
0xea: {  	[tilespmem:s31], [sflag:$0x2] =	stream.indirect_vreg.gather [hbm4b:s14+s3], $0x80, v2, vm0, $0xb8;
	[tilespmem:$0x18100] =	vst v63  }
0xeb: {  	s31 =	simm.s32 $0xD900  }
0xec: {  	[tilespmem:s31], [sflag:$0x2] =	stream.indirect_vreg.gather [hbm4b:s15+s3], $0x80, v2, vm0, $0xb8;
	[tilespmem:$0x18100] =	vst v63  }
0xed: {  	s25 =	sadd.s32 $0x3000, s25;
	s31 =	simm.s32 $0xE100  }
0xee: {  	[tilespmem:s31], [sflag:$0x2] =	stream.indirect_vreg.gather [hbm4b:s16+s3], $0x80, v2, vm0, $0xb8;
	[tilespmem:$0x18100] =	vst v63  }
0xef: {  	p0 =	sne.s32 s25, $0x1E000;
	s31 =	simm.s32 $0xE900  }
0xf0: {  	[tilespmem:s31], [sflag:$0x2] =	stream.indirect_vreg.gather [hbm4b:s17+s3], $0x80, v2, vm0, $0xb8;
	[tilespmem:$0x18100] =	vst v63  }
.Ltmp0:
0xf1: {  	_ = 	snop;
	(pc) =	sbr.rel @p0 .LBB2_2-.Ltmp0, $4  }
0xf2: {  	s31 =	simm.s32 $0xF100  }
0xf3: {  	[tilespmem:s31], [sflag:$0x2] =	stream.indirect_vreg.gather [hbm4b:s18+s3], $0x80, v2, vm0, $0xb8;
	[tilespmem:$0x18100] =	vst v63  }
0xf4: {  	s23 =	sadd.s32 $0x18, s23;
	s31 =	simm.s32 $0xF900  }
0xf5: {  	[tilespmem:s31], [sflag:$0x2] =	stream.indirect_vreg.gather [hbm4b:s19+s3], $0x80, v2, vm0, $0xb8;
	[tilespmem:$0x18100] =	vst v63  }
0xf6: {  	_ =	swait.ge [sflag:s2], $0x8000  }
0xf7: {  	[sflag:s2] =	ssyncset.done $0x0  }
0xf8: {  	s23 =	rddreg [dreg:$0x15];
	[sflag:s2] =	ssyncadd.s32 $0xFFFF8000  }
0xf9: {  	[hbm4b:s23+s3] =	stream.linear.scatter [tilespmem:s24], [sflag:$0x4], $0x8000, $0x38;
	[tilespmem:$0x18100] =	vst v63  }
0xfa: {  	_ =	swait.ge [sflag:s4], $0x8000  }
0xfb: {  	[sflag:s4] =	ssyncset.done $0x0  }
0xfc: {  	s25 =	simm.s32 $0x6;
	s26 =	rddreg [dreg:$0x16];
	[sflag:s4] =	ssyncadd.s32 $0xFFFF8000  }
0xfd: {  	[hbm4b:s26+s3] =	stream.linear.scatter [tilespmem:s28], [sflag:$0x5], $0x8000, $0x38;
	[tilespmem:$0x18100] =	vst v63  }
0xfe: {  	_ =	swait.ge [sflag:s25], $0x8000  }
0xff: {  	[sflag:s25] =	ssyncset.done $0x0  }
0x100: {  	[sflag:s25] =	ssyncadd.s32 $0xFFFF8000  }
0x101: {  	_ =	swait.ge [sflag:s20], $0x8000  }
0x102: {  	[sflag:s20] =	ssyncset.done $0x0  }
0x103: {  	[sflag:s20] =	ssyncadd.s32 $0xFFFF8000  }
0x104: {  	_ =	swait.ge [sflag:s22], $0x8000  }
0x105: {  	s25 =	rddreg [dreg:$0x18]  }
0x106: {  	s26 =	rddreg [dreg:$0x17];
	s25 =	sadd.s32 $0x1, s25  }
0x107: {  	p0 =	sne.s32 s25, s26  }
.Ltmp1:
0x108: {  	_ = 	snop;
	(pc) =	sbr.rel @p0 .LBB2_1-.Ltmp1, $4  }
0x109: {  	_ = 	snop  }
0x10a: {  	[sflag:s22] =	ssyncset.done $0x0  }
0x10b: {  	s31 =	simm.s32 $0x2900;
	[sflag:s22] =	ssyncadd.s32 $0xFFFF8000  }
0x10c: {  	[dreg:$0x18] =	wrdreg s25;
	s25 =	simm.s32 $0x1900;
	s26 =	simm.s32 $0x2100  }
0x10d: {  	_ =	sfence.sel $0x180000  }
0x10e: {  	[bflag:$0x0] =	sbarrier.arrive $0xFFFF  }
0x10f: {  	_ =	strace $0x90000047  }
0x110: {  	s0 =	stileid.u32;
	[bflag:$0x2] =	sbarrier.arrive $0xFFFF  }
0x111: {  	p0 =	sne.s32 s0, $0x0;
	s0 =	rddreg [dreg:$0x3]  }
0x112: {  	s0 =	sadd.s32 @!p0 $0x100000, s0  }
0x113: {  	[sflag:s0] =	ssyncadd.tile.s32 @!p0 $0x1;
	_ =	shalt  }
.Lfunc_end2:
_tile_overlayer_lowered:
.L_overlay_start_2:
0x114: {  	(tag) =	ssettag $0x2  }
0x115: {  	s0 =	rddreg [dreg:$0x0];
	s2 =	stileid.u32  }
0x116: {  	s1 =	rddreg [dreg:$0x1];
	p0 =	sne.s32 s2, $0x0  }
0x117: {  	s3 =	rddreg [dreg:$0x2];
	[bflag:$0x3] =	sbarrier.arrive $0xFFFF;
	s2 =	simm.s32 @!p0 $0x1C07  }
0x118: {  	[timem:s3], [sflag:s2] =	dma.local @!p0 [hbm:s0], s1  }
0x119: {  	s0 =	simm.s32 @!p0 $0x7  }
0x11a: {  	_ =	swait.ge @!p0 [sflag:s0], s1  }
0x11b: {  	s1 =	ssub.s32 @!p0 $0x0, s1;
	[sflag:s0] =	ssyncset.done @!p0 $0x0  }
0x11c: {  	[sflag:s0] =	ssyncadd.s32 @!p0 s1  }
0x11d: {  	[bflag:$0x3] =	sbarrier.arrive $0xFFFF  }
0x11e: {  	_ =	shalt  }

</sc_bundles>
